<compile_context>
chip_gen: v7x
topology: tpu7x:2x2x1
jax: 0.10.2.dev20260603
libtpu: 0.0.44.dev20260713+nightly
codegen_flags: <defaults>
</compile_context>

<pallas_src>
import functools

import jax
import jax.numpy as jnp
from jax import lax
from jax.experimental import pallas as pl
from jax.experimental.pallas import tpu as pltpu
from jax.experimental.pallas import tpu_sc as plsc

NUM_EMBEDDINGS = 100000
EMBEDDING_DIM = 128
BATCH = 4096
FIELDS = 26

_NC = 2
_NS = 16
_NW = _NC * _NS

_C = 128
_NCHUNK = BATCH * FIELDS // (_NW * _C)
_CHUNKS_PER_F = BATCH // _C

_NBUF = 7
_LOOKAHEAD = 5


def _make_sc_gather():
  mesh = plsc.VectorSubcoreMesh(core_axis_name="c", subcore_axis_name="s")

  bufs = [pltpu.VMEM((_C, EMBEDDING_DIM), jnp.float32) for _ in range(_NBUF)]
  gsems = [pltpu.SemaphoreType.DMA for _ in range(_NBUF)]
  ssems = [pltpu.SemaphoreType.DMA for _ in range(_NBUF)]

  @functools.partial(
      pl.kernel,
      mesh=mesh,
      out_type=jax.ShapeDtypeStruct((FIELDS, BATCH, EMBEDDING_DIM),
                                    jnp.float32),
      compiler_params=pltpu.CompilerParams(use_tc_tiling_on_sc=True),
      scratch_types=[pltpu.VMEM((2, BATCH), jnp.int32)] + bufs + gsems + ssems,
  )
  def sc_gather(idx_hbm, table_hbm, out_hbm, idx_win, *scratch):
    buf = scratch[:_NBUF]
    gsem = scratch[_NBUF:2 * _NBUF]
    ssem = scratch[2 * _NBUF:]
    wid = lax.axis_index("s") * _NC + lax.axis_index("c")
    c0 = wid * _NCHUNK
    f0 = jnp.minimum(c0 // _CHUNKS_PER_F, FIELDS - 2)
    pltpu.sync_copy(idx_hbm.at[f0], idx_win.at[0])
    pltpu.sync_copy(idx_hbm.at[f0 + 1], idx_win.at[1])

    gathers = {}
    scatters = {}

    def chunk_coords(k):
      c = c0 + k
      return c // _CHUNKS_PER_F, (c % _CHUNKS_PER_F) * _C

    def start_gather(k):
      f, b0 = chunk_coords(k)
      return pltpu.async_copy(
          table_hbm.at[idx_win.at[f - f0, pl.ds(b0, _C)]], buf[k % _NBUF],
          gsem[k % _NBUF])

    def start_scatter(k):
      f, b0 = chunk_coords(k)
      return pltpu.async_copy(
          buf[k % _NBUF], out_hbm.at[f, pl.ds(b0, _C)], ssem[k % _NBUF])

    for k in range(-_LOOKAHEAD, _NCHUNK):
      nk = k + _LOOKAHEAD
      if nk < _NCHUNK:
        prev = nk - _NBUF
        if prev >= 0:
          scatters[prev].wait()
        gathers[nk] = start_gather(nk)
      if k >= 0:
        gathers[k].wait()
        scatters[k] = start_scatter(k)
    for k in range(max(0, _NCHUNK - _NBUF), _NCHUNK):
      scatters[k].wait()

  return sc_gather


_sc_gather = _make_sc_gather()


@jax.jit
def kernel(input, weight):
  idx_t = input.astype(jnp.int32).T
  out_fmajor = _sc_gather(idx_t, weight)
  return out_fmajor.transpose(1, 0, 2)

# --- scband reference (transcript-rebuilt; emitter-appended) ---
"""Pipeline reference for scband-uninitialized-embedding-3264175145147 (READ-ONLY COPY).

The authoritative reference and input builder live on the scoring server;
editing this copy changes nothing except your own understanding.
"""

import jax, jax.numpy as jnp
import numpy as np

NUM_EMBEDDINGS = 100000
EMBEDDING_DIM = 128
BATCH = 4096
FIELDS = 26


def setup_inputs(seed: int = 0) -> dict:
    key = jax.random.key(seed)
    k_idx, k_w = jax.random.split(key)
    inp = jax.random.randint(k_idx, (BATCH, FIELDS), 0, NUM_EMBEDDINGS, dtype=jnp.int64 if jax.config.read('jax_enable_x64') else jnp.int32)
    weight = jax.random.normal(k_w, (NUM_EMBEDDINGS, EMBEDDING_DIM), dtype=jnp.float32)
    return {"input": inp, "weight": weight}


def reference(input, weight):
    # Faithful translation of nn.functional.embedding(input, weight):
    # gather rows of the table indexed by input, output shape [B, F, D]
    return jnp.take(weight, input, axis=0)

if __name__ == "__main__":
    import jax
    _d = setup_inputs()
    print(jax.jit(kernel)(*tuple(_d.values())))

</pallas_src>

<mosaic_0001>
#map = affine_map<(d0, d1) -> (0, 0)>
#map1 = affine_map<(d0, d1) -> (0, 0, 0)>
module attributes {stable_mosaic.version = 14 : i64} {
  func.func @sc_gather(%arg0: i32, %arg1: i32, %arg2: memref<26x4096xi32, #tpu.memory_space<hbm>>, %arg3: memref<100000x128xf32, #tpu.memory_space<hbm>>, %arg4: memref<26x4096x128xf32, #tpu.memory_space<hbm>>, %arg5: memref<2x4096xi32, #tpu.memory_space<vmem>>, %arg6: memref<128x128xf32, #tpu.memory_space<vmem>>, %arg7: memref<128x128xf32, #tpu.memory_space<vmem>>, %arg8: memref<128x128xf32, #tpu.memory_space<vmem>>, %arg9: memref<128x128xf32, #tpu.memory_space<vmem>>, %arg10: memref<128x128xf32, #tpu.memory_space<vmem>>, %arg11: memref<128x128xf32, #tpu.memory_space<vmem>>, %arg12: memref<128x128xf32, #tpu.memory_space<vmem>>, %arg13: memref<!tpu.dma_semaphore, #tpu.memory_space<semaphore_mem>>, %arg14: memref<!tpu.dma_semaphore, #tpu.memory_space<semaphore_mem>>, %arg15: memref<!tpu.dma_semaphore, #tpu.memory_space<semaphore_mem>>, %arg16: memref<!tpu.dma_semaphore, #tpu.memory_space<semaphore_mem>>, %arg17: memref<!tpu.dma_semaphore, #tpu.memory_space<semaphore_mem>>, %arg18: memref<!tpu.dma_semaphore, #tpu.memory_space<semaphore_mem>>, %arg19: memref<!tpu.dma_semaphore, #tpu.memory_space<semaphore_mem>>, %arg20: memref<!tpu.dma_semaphore, #tpu.memory_space<semaphore_mem>>, %arg21: memref<!tpu.dma_semaphore, #tpu.memory_space<semaphore_mem>>, %arg22: memref<!tpu.dma_semaphore, #tpu.memory_space<semaphore_mem>>, %arg23: memref<!tpu.dma_semaphore, #tpu.memory_space<semaphore_mem>>, %arg24: memref<!tpu.dma_semaphore, #tpu.memory_space<semaphore_mem>>, %arg25: memref<!tpu.dma_semaphore, #tpu.memory_space<semaphore_mem>>, %arg26: memref<!tpu.dma_semaphore, #tpu.memory_space<semaphore_mem>>) attributes {dimension_semantics = [#tpu.dimension_semantics<core_parallel>, #tpu.dimension_semantics<subcore_parallel>], iteration_bounds = array<i64: 2, 16>, scalar_prefetch = 0 : i64, scratch_operands = 22 : i64, tpu.core_type = #tpu.core_type<sc_vector_subcore>, window_params = [{transform_indices = #map}, {transform_indices = #map}, {transform_indices = #map1}]} {
    %mul3A = arith.constant 2 : i32
    %mul3A_0 = arith.muli %arg1, %mul3A : i32
    %add3A = arith.addi %mul3A_0, %arg0 : i32
    %mul3A_1 = arith.constant 26 : i32
    %mul3A_2 = arith.muli %add3A, %mul3A_1 : i32
    %jit3A = arith.constant 32 : i32
    %div3A = arith.divsi %mul3A_2, %jit3A : i32
    %sign3A = arith.constant 0 : i32
    %sign3A_3 = arith.cmpi sgt, %mul3A_2, %sign3A : i32
    %sign3A_4 = arith.extui %sign3A_3 : i1 to i32
    %sign3A_5 = arith.constant 0 : i32
    %sign3A_6 = arith.cmpi slt, %mul3A_2, %sign3A_5 : i32
    %sign3A_7 = arith.extui %sign3A_6 : i1 to i32
    %sign3A_8 = arith.subi %sign3A_4, %sign3A_7 : i32
    %sign3A_9 = arith.constant 0 : i32
    %sign3A_10 = arith.cmpi sgt, %jit3A, %sign3A_9 : i32
    %sign3A_11 = arith.extui %sign3A_10 : i1 to i32
    %sign3A_12 = arith.constant 0 : i32
    %sign3A_13 = arith.cmpi slt, %jit3A, %sign3A_12 : i32
    %sign3A_14 = arith.extui %sign3A_13 : i1 to i32
    %sign3A_15 = arith.subi %sign3A_11, %sign3A_14 : i32
    %ne3A = arith.cmpi ne, %sign3A_8, %sign3A_15 : i32
    %rem3A = arith.remsi %mul3A_2, %jit3A : i32
    %ne3A_16 = arith.constant 0 : i32
    %ne3A_17 = arith.cmpi ne, %rem3A, %ne3A_16 : i32
    %and3A = arith.andi %ne3A, %ne3A_17 : i1
    %sub3A = arith.constant 1 : i32
    %sub3A_18 = arith.subi %div3A, %sub3A : i32
    %select_n3A = arith.select %and3A, %sub3A_18, %div3A : i32
    %min3A = arith.constant 24 : i32
    %min3A_19 = arith.minsi %select_n3A, %min3A : i32
    %run_scoped3A = arith.constant 0 : i32
    "tpu.region"() ({
      %run_scoped3A_2905 = tpu.sem_alloc : memref<!tpu.dma_semaphore, #tpu.memory_space<semaphore_mem>>
      %dma_start3A_2906 = arith.constant 0 : i32
      %dma_start3A_2907 = tpu.memref_slice %arg5[%run_scoped3A, %dma_start3A_2906] : memref<2x4096xi32, #tpu.memory_space<vmem>> -> memref<1x4096xi32, #tpu.memory_space<vmem>>
      %dma_start3A_2908 = tpu.memref_squeeze %dma_start3A_2907 : memref<1x4096xi32, #tpu.memory_space<vmem>> -> memref<4096xi32, #tpu.memory_space<vmem>>
      %dma_start3A_2909 = arith.constant 0 : i32
      %dma_start3A_2910 = tpu.memref_slice %arg2[%min3A_19, %dma_start3A_2909] : memref<26x4096xi32, #tpu.memory_space<hbm>> -> memref<1x4096xi32, #tpu.memory_space<hbm>>
      %dma_start3A_2911 = tpu.memref_squeeze %dma_start3A_2910 : memref<1x4096xi32, #tpu.memory_space<hbm>> -> memref<4096xi32, #tpu.memory_space<hbm>>
      %dma_start3A_2912 = arith.constant 0 : i32
      %dma_start3A_2913 = tpu.memref_slice %arg5[%run_scoped3A, %dma_start3A_2912] : memref<2x4096xi32, #tpu.memory_space<vmem>> -> memref<1x4096xi32, #tpu.memory_space<vmem>>
      %dma_start3A_2914 = tpu.memref_squeeze %dma_start3A_2913 : memref<1x4096xi32, #tpu.memory_space<vmem>> -> memref<4096xi32, #tpu.memory_space<vmem>>
      %dma_start3A_2915 = arith.constant 0 : i32
      %dma_start3A_2916 = tpu.memref_slice %arg2[%min3A_19, %dma_start3A_2915] : memref<26x4096xi32, #tpu.memory_space<hbm>> -> memref<1x4096xi32, #tpu.memory_space<hbm>>
      %dma_start3A_2917 = tpu.memref_squeeze %dma_start3A_2916 : memref<1x4096xi32, #tpu.memory_space<hbm>> -> memref<4096xi32, #tpu.memory_space<hbm>>
      tpu.enqueue_dma source(%dma_start3A_2917 : memref<4096xi32, #tpu.memory_space<hbm>>) target(%dma_start3A_2914 : memref<4096xi32, #tpu.memory_space<vmem>>) target_semaphore(%run_scoped3A_2905 : memref<!tpu.dma_semaphore, #tpu.memory_space<semaphore_mem>>)
      %dma_wait3A_2918 = arith.constant 0 : i32
      %dma_wait3A_2919 = tpu.memref_slice %arg5[%run_scoped3A, %dma_wait3A_2918] : memref<2x4096xi32, #tpu.memory_space<vmem>> -> memref<1x4096xi32, #tpu.memory_space<vmem>>
      %dma_wait3A_2920 = tpu.memref_squeeze %dma_wait3A_2919 : memref<1x4096xi32, #tpu.memory_space<vmem>> -> memref<4096xi32, #tpu.memory_space<vmem>>
      %dma_wait3A_2921 = arith.constant 0 : i32
      %dma_wait3A_2922 = tpu.memref_slice %arg2[%min3A_19, %dma_wait3A_2921] : memref<26x4096xi32, #tpu.memory_space<hbm>> -> memref<1x4096xi32, #tpu.memory_space<hbm>>
      %dma_wait3A_2923 = tpu.memref_squeeze %dma_wait3A_2922 : memref<1x4096xi32, #tpu.memory_space<hbm>> -> memref<4096xi32, #tpu.memory_space<hbm>>
      %dma_wait3A_2924 = arith.constant 0 : i32
      %dma_wait3A_2925 = tpu.memref_slice %arg5[%run_scoped3A, %dma_wait3A_2924] : memref<2x4096xi32, #tpu.memory_space<vmem>> -> memref<1x4096xi32, #tpu.memory_space<vmem>>
      %dma_wait3A_2926 = tpu.memref_squeeze %dma_wait3A_2925 : memref<1x4096xi32, #tpu.memory_space<vmem>> -> memref<4096xi32, #tpu.memory_space<vmem>>
      %dma_wait3A_2927 = arith.constant 0 : i32
      %dma_wait3A_2928 = tpu.memref_slice %arg2[%min3A_19, %dma_wait3A_2927] : memref<26x4096xi32, #tpu.memory_space<hbm>> -> memref<1x4096xi32, #tpu.memory_space<hbm>>
      %dma_wait3A_2929 = tpu.memref_squeeze %dma_wait3A_2928 : memref<1x4096xi32, #tpu.memory_space<hbm>> -> memref<4096xi32, #tpu.memory_space<hbm>>
      tpu.wait_dma2 semaphore(%run_scoped3A_2905 : memref<!tpu.dma_semaphore, #tpu.memory_space<semaphore_mem>>) src(%dma_wait3A_2929 : memref<4096xi32, #tpu.memory_space<hbm>>) dst(%dma_wait3A_2926 : memref<4096xi32, #tpu.memory_space<vmem>>)
      tpu.yield
    }) : () -> ()
    %add3A_20 = arith.constant 1 : i32
    %add3A_21 = arith.addi %min3A_19, %add3A_20 : i32
    %run_scoped3A_22 = arith.constant 1 : i32
    "tpu.region"() ({
      %run_scoped3A_2905 = tpu.sem_alloc : memref<!tpu.dma_semaphore, #tpu.memory_space<semaphore_mem>>
      %dma_start3A_2906 = arith.constant 0 : i32
      %dma_start3A_2907 = tpu.memref_slice %arg5[%run_scoped3A_22, %dma_start3A_2906] : memref<2x4096xi32, #tpu.memory_space<vmem>> -> memref<1x4096xi32, #tpu.memory_space<vmem>>
      %dma_start3A_2908 = tpu.memref_squeeze %dma_start3A_2907 : memref<1x4096xi32, #tpu.memory_space<vmem>> -> memref<4096xi32, #tpu.memory_space<vmem>>
      %dma_start3A_2909 = arith.constant 0 : i32
      %dma_start3A_2910 = tpu.memref_slice %arg2[%add3A_21, %dma_start3A_2909] : memref<26x4096xi32, #tpu.memory_space<hbm>> -> memref<1x4096xi32, #tpu.memory_space<hbm>>
      %dma_start3A_2911 = tpu.memref_squeeze %dma_start3A_2910 : memref<1x4096xi32, #tpu.memory_space<hbm>> -> memref<4096xi32, #tpu.memory_space<hbm>>
      %dma_start3A_2912 = arith.constant 0 : i32
      %dma_start3A_2913 = tpu.memref_slice %arg5[%run_scoped3A_22, %dma_start3A_2912] : memref<2x4096xi32, #tpu.memory_space<vmem>> -> memref<1x4096xi32, #tpu.memory_space<vmem>>
      %dma_start3A_2914 = tpu.memref_squeeze %dma_start3A_2913 : memref<1x4096xi32, #tpu.memory_space<vmem>> -> memref<4096xi32, #tpu.memory_space<vmem>>
      %dma_start3A_2915 = arith.constant 0 : i32
      %dma_start3A_2916 = tpu.memref_slice %arg2[%add3A_21, %dma_start3A_2915] : memref<26x4096xi32, #tpu.memory_space<hbm>> -> memref<1x4096xi32, #tpu.memory_space<hbm>>
      %dma_start3A_2917 = tpu.memref_squeeze %dma_start3A_2916 : memref<1x4096xi32, #tpu.memory_space<hbm>> -> memref<4096xi32, #tpu.memory_space<hbm>>
      tpu.enqueue_dma source(%dma_start3A_2917 : memref<4096xi32, #tpu.memory_space<hbm>>) target(%dma_start3A_2914 : memref<4096xi32, #tpu.memory_space<vmem>>) target_semaphore(%run_scoped3A_2905 : memref<!tpu.dma_semaphore, #tpu.memory_space<semaphore_mem>>)
      %dma_wait3A_2918 = arith.constant 0 : i32
      %dma_wait3A_2919 = tpu.memref_slice %arg5[%run_scoped3A_22, %dma_wait3A_2918] : memref<2x4096xi32, #tpu.memory_space<vmem>> -> memref<1x4096xi32, #tpu.memory_space<vmem>>
      %dma_wait3A_2920 = tpu.memref_squeeze %dma_wait3A_2919 : memref<1x4096xi32, #tpu.memory_space<vmem>> -> memref<4096xi32, #tpu.memory_space<vmem>>
      %dma_wait3A_2921 = arith.constant 0 : i32
      %dma_wait3A_2922 = tpu.memref_slice %arg2[%add3A_21, %dma_wait3A_2921] : memref<26x4096xi32, #tpu.memory_space<hbm>> -> memref<1x4096xi32, #tpu.memory_space<hbm>>
      %dma_wait3A_2923 = tpu.memref_squeeze %dma_wait3A_2922 : memref<1x4096xi32, #tpu.memory_space<hbm>> -> memref<4096xi32, #tpu.memory_space<hbm>>
      %dma_wait3A_2924 = arith.constant 0 : i32
      %dma_wait3A_2925 = tpu.memref_slice %arg5[%run_scoped3A_22, %dma_wait3A_2924] : memref<2x4096xi32, #tpu.memory_space<vmem>> -> memref<1x4096xi32, #tpu.memory_space<vmem>>
      %dma_wait3A_2926 = tpu.memref_squeeze %dma_wait3A_2925 : memref<1x4096xi32, #tpu.memory_space<vmem>> -> memref<4096xi32, #tpu.memory_space<vmem>>
      %dma_wait3A_2927 = arith.constant 0 : i32
      %dma_wait3A_2928 = tpu.memref_slice %arg2[%add3A_21, %dma_wait3A_2927] : memref<26x4096xi32, #tpu.memory_space<hbm>> -> memref<1x4096xi32, #tpu.memory_space<hbm>>
      %dma_wait3A_2929 = tpu.memref_squeeze %dma_wait3A_2928 : memref<1x4096xi32, #tpu.memory_space<hbm>> -> memref<4096xi32, #tpu.memory_space<hbm>>
      tpu.wait_dma2 semaphore(%run_scoped3A_2905 : memref<!tpu.dma_semaphore, #tpu.memory_space<semaphore_mem>>) src(%dma_wait3A_2929 : memref<4096xi32, #tpu.memory_space<hbm>>) dst(%dma_wait3A_2926 : memref<4096xi32, #tpu.memory_space<vmem>>)
      tpu.yield
    }) : () -> ()
    %add3A_23 = arith.constant 0 : i32
    %add3A_24 = arith.addi %mul3A_2, %add3A_23 : i32
    %jit3A_25 = arith.constant 32 : i32
    %div3A_26 = arith.divsi %add3A_24, %jit3A_25 : i32
    %sign3A_27 = arith.constant 0 : i32
    %sign3A_28 = arith.cmpi sgt, %add3A_24, %sign3A_27 : i32
    %sign3A_29 = arith.extui %sign3A_28 : i1 to i32
    %sign3A_30 = arith.constant 0 : i32
    %sign3A_31 = arith.cmpi slt, %add3A_24, %sign3A_30 : i32
    %sign3A_32 = arith.extui %sign3A_31 : i1 to i32
    %sign3A_33 = arith.subi %sign3A_29, %sign3A_32 : i32
    %sign3A_34 = arith.constant 0 : i32
    %sign3A_35 = arith.cmpi sgt, %jit3A_25, %sign3A_34 : i32
    %sign3A_36 = arith.extui %sign3A_35 : i1 to i32
    %sign3A_37 = arith.constant 0 : i32
    %sign3A_38 = arith.cmpi slt, %jit3A_25, %sign3A_37 : i32
    %sign3A_39 = arith.extui %sign3A_38 : i1 to i32
    %sign3A_40 = arith.subi %sign3A_36, %sign3A_39 : i32
    %ne3A_41 = arith.cmpi ne, %sign3A_33, %sign3A_40 : i32
    %rem3A_42 = arith.remsi %add3A_24, %jit3A_25 : i32
    %ne3A_43 = arith.constant 0 : i32
    %ne3A_44 = arith.cmpi ne, %rem3A_42, %ne3A_43 : i32
    %and3A_45 = arith.andi %ne3A_41, %ne3A_44 : i1
    %sub3A_46 = arith.constant 1 : i32
    %sub3A_47 = arith.subi %div3A_26, %sub3A_46 : i32
    %select_n3A_48 = arith.select %and3A_45, %sub3A_47, %div3A_26 : i32
    %jit3A_49 = arith.constant 32 : i32
    %eq3A = arith.constant 0 : i32
    %eq3A_50 = arith.cmpi eq, %jit3A_49, %eq3A : i32
    %jit3A_51 = arith.constant 1 : i32
    %select_n3A_52 = arith.select %eq3A_50, %jit3A_51, %jit3A_49 : i32
    %rem3A_53 = arith.remsi %add3A_24, %select_n3A_52 : i32
    %ne3A_54 = arith.constant 0 : i32
    %ne3A_55 = arith.cmpi ne, %rem3A_53, %ne3A_54 : i32
    %lt3A = arith.constant 0 : i32
    %lt3A_56 = arith.cmpi slt, %rem3A_53, %lt3A : i32
    %lt3A_57 = arith.constant 0 : i32
    %lt3A_58 = arith.cmpi slt, %select_n3A_52, %lt3A_57 : i32
    %ne3A_59 = arith.xori %lt3A_56, %lt3A_58 : i1
    %and3A_60 = arith.andi %ne3A_59, %ne3A_55 : i1
    %add3A_61 = arith.addi %rem3A_53, %select_n3A_52 : i32
    %select_n3A_62 = arith.select %and3A_60, %add3A_61, %rem3A_53 : i32
    %mul3A_63 = arith.constant 128 : i32
    %mul3A_64 = arith.muli %select_n3A_62, %mul3A_63 : i32
    %sub3A_65 = arith.subi %select_n3A_48, %min3A_19 : i32
    %dma_start3A = tpu.memref_slice %arg5[%sub3A_65, %mul3A_64] : memref<2x4096xi32, #tpu.memory_space<vmem>> -> memref<1x128xi32, #tpu.memory_space<vmem>>
    %dma_start3A_66 = tpu.memref_squeeze %dma_start3A : memref<1x128xi32, #tpu.memory_space<vmem>> -> memref<128xi32, #tpu.memory_space<vmem>>
    %dma_start3A_67 = arith.constant 0 : i32
    %dma_start3A_68 = arith.constant 0 : i32
    %dma_start3A_69 = tpu.memref_slice %arg3[%dma_start3A_67, %dma_start3A_68] : memref<100000x128xf32, #tpu.memory_space<hbm>> -> memref<100000x128xf32, #tpu.memory_space<hbm>>
    tpu.enqueue_indirect_dma source(%dma_start3A_69 : memref<100000x128xf32, #tpu.memory_space<hbm>>) target(%arg6 : memref<128x128xf32, #tpu.memory_space<vmem>>) offsets(%dma_start3A_66 : memref<128xi32, #tpu.memory_space<vmem>>) semaphore(%arg13 : memref<!tpu.dma_semaphore, #tpu.memory_space<semaphore_mem>>)
    %add3A_70 = arith.constant 1 : i32
    %add3A_71 = arith.addi %mul3A_2, %add3A_70 : i32
    %jit3A_72 = arith.constant 32 : i32
    %div3A_73 = arith.divsi %add3A_71, %jit3A_72 : i32
    %sign3A_74 = arith.constant 0 : i32
    %sign3A_75 = arith.cmpi sgt, %add3A_71, %sign3A_74 : i32
    %sign3A_76 = arith.extui %sign3A_75 : i1 to i32
    %sign3A_77 = arith.constant 0 : i32
    %sign3A_78 = arith.cmpi slt, %add3A_71, %sign3A_77 : i32
    %sign3A_79 = arith.extui %sign3A_78 : i1 to i32
    %sign3A_80 = arith.subi %sign3A_76, %sign3A_79 : i32
    %sign3A_81 = arith.constant 0 : i32
    %sign3A_82 = arith.cmpi sgt, %jit3A_72, %sign3A_81 : i32
    %sign3A_83 = arith.extui %sign3A_82 : i1 to i32
    %sign3A_84 = arith.constant 0 : i32
    %sign3A_85 = arith.cmpi slt, %jit3A_72, %sign3A_84 : i32
    %sign3A_86 = arith.extui %sign3A_85 : i1 to i32
    %sign3A_87 = arith.subi %sign3A_83, %sign3A_86 : i32
    %ne3A_88 = arith.cmpi ne, %sign3A_80, %sign3A_87 : i32
    %rem3A_89 = arith.remsi %add3A_71, %jit3A_72 : i32
    %ne3A_90 = arith.constant 0 : i32
    %ne3A_91 = arith.cmpi ne, %rem3A_89, %ne3A_90 : i32
    %and3A_92 = arith.andi %ne3A_88, %ne3A_91 : i1
    %sub3A_93 = arith.constant 1 : i32
    %sub3A_94 = arith.subi %div3A_73, %sub3A_93 : i32
    %select_n3A_95 = arith.select %and3A_92, %sub3A_94, %div3A_73 : i32
    %jit3A_96 = arith.constant 32 : i32
    %eq3A_97 = arith.constant 0 : i32
    %eq3A_98 = arith.cmpi eq, %jit3A_96, %eq3A_97 : i32
    %jit3A_99 = arith.constant 1 : i32
    %select_n3A_100 = arith.select %eq3A_98, %jit3A_99, %jit3A_96 : i32
    %rem3A_101 = arith.remsi %add3A_71, %select_n3A_100 : i32
    %ne3A_102 = arith.constant 0 : i32
    %ne3A_103 = arith.cmpi ne, %rem3A_101, %ne3A_102 : i32
    %lt3A_104 = arith.constant 0 : i32
    %lt3A_105 = arith.cmpi slt, %rem3A_101, %lt3A_104 : i32
    %lt3A_106 = arith.constant 0 : i32
    %lt3A_107 = arith.cmpi slt, %select_n3A_100, %lt3A_106 : i32
    %ne3A_108 = arith.xori %lt3A_105, %lt3A_107 : i1
    %and3A_109 = arith.andi %ne3A_108, %ne3A_103 : i1
    %add3A_110 = arith.addi %rem3A_101, %select_n3A_100 : i32
    %select_n3A_111 = arith.select %and3A_109, %add3A_110, %rem3A_101 : i32
    %mul3A_112 = arith.constant 128 : i32
    %mul3A_113 = arith.muli %select_n3A_111, %mul3A_112 : i32
    %sub3A_114 = arith.subi %select_n3A_95, %min3A_19 : i32
    %dma_start3A_115 = tpu.memref_slice %arg5[%sub3A_114, %mul3A_113] : memref<2x4096xi32, #tpu.memory_space<vmem>> -> memref<1x128xi32, #tpu.memory_space<vmem>>
    %dma_start3A_116 = tpu.memref_squeeze %dma_start3A_115 : memref<1x128xi32, #tpu.memory_space<vmem>> -> memref<128xi32, #tpu.memory_space<vmem>>
    %dma_start3A_117 = arith.constant 0 : i32
    %dma_start3A_118 = arith.constant 0 : i32
    %dma_start3A_119 = tpu.memref_slice %arg3[%dma_start3A_117, %dma_start3A_118] : memref<100000x128xf32, #tpu.memory_space<hbm>> -> memref<100000x128xf32, #tpu.memory_space<hbm>>
    tpu.enqueue_indirect_dma source(%dma_start3A_119 : memref<100000x128xf32, #tpu.memory_space<hbm>>) target(%arg7 : memref<128x128xf32, #tpu.memory_space<vmem>>) offsets(%dma_start3A_116 : memref<128xi32, #tpu.memory_space<vmem>>) semaphore(%arg14 : memref<!tpu.dma_semaphore, #tpu.memory_space<semaphore_mem>>)
    %add3A_120 = arith.constant 2 : i32
    %add3A_121 = arith.addi %mul3A_2, %add3A_120 : i32
    %jit3A_122 = arith.constant 32 : i32
    %div3A_123 = arith.divsi %add3A_121, %jit3A_122 : i32
    %sign3A_124 = arith.constant 0 : i32
    %sign3A_125 = arith.cmpi sgt, %add3A_121, %sign3A_124 : i32
    %sign3A_126 = arith.extui %sign3A_125 : i1 to i32
    %sign3A_127 = arith.constant 0 : i32
    %sign3A_128 = arith.cmpi slt, %add3A_121, %sign3A_127 : i32
    %sign3A_129 = arith.extui %sign3A_128 : i1 to i32
    %sign3A_130 = arith.subi %sign3A_126, %sign3A_129 : i32
    %sign3A_131 = arith.constant 0 : i32
    %sign3A_132 = arith.cmpi sgt, %jit3A_122, %sign3A_131 : i32
    %sign3A_133 = arith.extui %sign3A_132 : i1 to i32
    %sign3A_134 = arith.constant 0 : i32
    %sign3A_135 = arith.cmpi slt, %jit3A_122, %sign3A_134 : i32
    %sign3A_136 = arith.extui %sign3A_135 : i1 to i32
    %sign3A_137 = arith.subi %sign3A_133, %sign3A_136 : i32
    %ne3A_138 = arith.cmpi ne, %sign3A_130, %sign3A_137 : i32
    %rem3A_139 = arith.remsi %add3A_121, %jit3A_122 : i32
    %ne3A_140 = arith.constant 0 : i32
    %ne3A_141 = arith.cmpi ne, %rem3A_139, %ne3A_140 : i32
    %and3A_142 = arith.andi %ne3A_138, %ne3A_141 : i1
    %sub3A_143 = arith.constant 1 : i32
    %sub3A_144 = arith.subi %div3A_123, %sub3A_143 : i32
    %select_n3A_145 = arith.select %and3A_142, %sub3A_144, %div3A_123 : i32
    %jit3A_146 = arith.constant 32 : i32
    %eq3A_147 = arith.constant 0 : i32
    %eq3A_148 = arith.cmpi eq, %jit3A_146, %eq3A_147 : i32
    %jit3A_149 = arith.constant 1 : i32
    %select_n3A_150 = arith.select %eq3A_148, %jit3A_149, %jit3A_146 : i32
    %rem3A_151 = arith.remsi %add3A_121, %select_n3A_150 : i32
    %ne3A_152 = arith.constant 0 : i32
    %ne3A_153 = arith.cmpi ne, %rem3A_151, %ne3A_152 : i32
    %lt3A_154 = arith.constant 0 : i32
    %lt3A_155 = arith.cmpi slt, %rem3A_151, %lt3A_154 : i32
    %lt3A_156 = arith.constant 0 : i32
    %lt3A_157 = arith.cmpi slt, %select_n3A_150, %lt3A_156 : i32
    %ne3A_158 = arith.xori %lt3A_155, %lt3A_157 : i1
    %and3A_159 = arith.andi %ne3A_158, %ne3A_153 : i1
    %add3A_160 = arith.addi %rem3A_151, %select_n3A_150 : i32
    %select_n3A_161 = arith.select %and3A_159, %add3A_160, %rem3A_151 : i32
    %mul3A_162 = arith.constant 128 : i32
    %mul3A_163 = arith.muli %select_n3A_161, %mul3A_162 : i32
    %sub3A_164 = arith.subi %select_n3A_145, %min3A_19 : i32
    %dma_start3A_165 = tpu.memref_slice %arg5[%sub3A_164, %mul3A_163] : memref<2x4096xi32, #tpu.memory_space<vmem>> -> memref<1x128xi32, #tpu.memory_space<vmem>>
    %dma_start3A_166 = tpu.memref_squeeze %dma_start3A_165 : memref<1x128xi32, #tpu.memory_space<vmem>> -> memref<128xi32, #tpu.memory_space<vmem>>
    %dma_start3A_167 = arith.constant 0 : i32
    %dma_start3A_168 = arith.constant 0 : i32
    %dma_start3A_169 = tpu.memref_slice %arg3[%dma_start3A_167, %dma_start3A_168] : memref<100000x128xf32, #tpu.memory_space<hbm>> -> memref<100000x128xf32, #tpu.memory_space<hbm>>
    tpu.enqueue_indirect_dma source(%dma_start3A_169 : memref<100000x128xf32, #tpu.memory_space<hbm>>) target(%arg8 : memref<128x128xf32, #tpu.memory_space<vmem>>) offsets(%dma_start3A_166 : memref<128xi32, #tpu.memory_space<vmem>>) semaphore(%arg15 : memref<!tpu.dma_semaphore, #tpu.memory_space<semaphore_mem>>)
    %add3A_170 = arith.constant 3 : i32
    %add3A_171 = arith.addi %mul3A_2, %add3A_170 : i32
    %jit3A_172 = arith.constant 32 : i32
    %div3A_173 = arith.divsi %add3A_171, %jit3A_172 : i32
    %sign3A_174 = arith.constant 0 : i32
    %sign3A_175 = arith.cmpi sgt, %add3A_171, %sign3A_174 : i32
    %sign3A_176 = arith.extui %sign3A_175 : i1 to i32
    %sign3A_177 = arith.constant 0 : i32
    %sign3A_178 = arith.cmpi slt, %add3A_171, %sign3A_177 : i32
    %sign3A_179 = arith.extui %sign3A_178 : i1 to i32
    %sign3A_180 = arith.subi %sign3A_176, %sign3A_179 : i32
    %sign3A_181 = arith.constant 0 : i32
    %sign3A_182 = arith.cmpi sgt, %jit3A_172, %sign3A_181 : i32
    %sign3A_183 = arith.extui %sign3A_182 : i1 to i32
    %sign3A_184 = arith.constant 0 : i32
    %sign3A_185 = arith.cmpi slt, %jit3A_172, %sign3A_184 : i32
    %sign3A_186 = arith.extui %sign3A_185 : i1 to i32
    %sign3A_187 = arith.subi %sign3A_183, %sign3A_186 : i32
    %ne3A_188 = arith.cmpi ne, %sign3A_180, %sign3A_187 : i32
    %rem3A_189 = arith.remsi %add3A_171, %jit3A_172 : i32
    %ne3A_190 = arith.constant 0 : i32
    %ne3A_191 = arith.cmpi ne, %rem3A_189, %ne3A_190 : i32
    %and3A_192 = arith.andi %ne3A_188, %ne3A_191 : i1
    %sub3A_193 = arith.constant 1 : i32
    %sub3A_194 = arith.subi %div3A_173, %sub3A_193 : i32
    %select_n3A_195 = arith.select %and3A_192, %sub3A_194, %div3A_173 : i32
    %jit3A_196 = arith.constant 32 : i32
    %eq3A_197 = arith.constant 0 : i32
    %eq3A_198 = arith.cmpi eq, %jit3A_196, %eq3A_197 : i32
    %jit3A_199 = arith.constant 1 : i32
    %select_n3A_200 = arith.select %eq3A_198, %jit3A_199, %jit3A_196 : i32
    %rem3A_201 = arith.remsi %add3A_171, %select_n3A_200 : i32
    %ne3A_202 = arith.constant 0 : i32
    %ne3A_203 = arith.cmpi ne, %rem3A_201, %ne3A_202 : i32
    %lt3A_204 = arith.constant 0 : i32
    %lt3A_205 = arith.cmpi slt, %rem3A_201, %lt3A_204 : i32
    %lt3A_206 = arith.constant 0 : i32
    %lt3A_207 = arith.cmpi slt, %select_n3A_200, %lt3A_206 : i32
    %ne3A_208 = arith.xori %lt3A_205, %lt3A_207 : i1
    %and3A_209 = arith.andi %ne3A_208, %ne3A_203 : i1
    %add3A_210 = arith.addi %rem3A_201, %select_n3A_200 : i32
    %select_n3A_211 = arith.select %and3A_209, %add3A_210, %rem3A_201 : i32
    %mul3A_212 = arith.constant 128 : i32
    %mul3A_213 = arith.muli %select_n3A_211, %mul3A_212 : i32
    %sub3A_214 = arith.subi %select_n3A_195, %min3A_19 : i32
    %dma_start3A_215 = tpu.memref_slice %arg5[%sub3A_214, %mul3A_213] : memref<2x4096xi32, #tpu.memory_space<vmem>> -> memref<1x128xi32, #tpu.memory_space<vmem>>
    %dma_start3A_216 = tpu.memref_squeeze %dma_start3A_215 : memref<1x128xi32, #tpu.memory_space<vmem>> -> memref<128xi32, #tpu.memory_space<vmem>>
    %dma_start3A_217 = arith.constant 0 : i32
    %dma_start3A_218 = arith.constant 0 : i32
    %dma_start3A_219 = tpu.memref_slice %arg3[%dma_start3A_217, %dma_start3A_218] : memref<100000x128xf32, #tpu.memory_space<hbm>> -> memref<100000x128xf32, #tpu.memory_space<hbm>>
    tpu.enqueue_indirect_dma source(%dma_start3A_219 : memref<100000x128xf32, #tpu.memory_space<hbm>>) target(%arg9 : memref<128x128xf32, #tpu.memory_space<vmem>>) offsets(%dma_start3A_216 : memref<128xi32, #tpu.memory_space<vmem>>) semaphore(%arg16 : memref<!tpu.dma_semaphore, #tpu.memory_space<semaphore_mem>>)
    %add3A_220 = arith.constant 4 : i32
    %add3A_221 = arith.addi %mul3A_2, %add3A_220 : i32
    %jit3A_222 = arith.constant 32 : i32
    %div3A_223 = arith.divsi %add3A_221, %jit3A_222 : i32
    %sign3A_224 = arith.constant 0 : i32
    %sign3A_225 = arith.cmpi sgt, %add3A_221, %sign3A_224 : i32
    %sign3A_226 = arith.extui %sign3A_225 : i1 to i32
    %sign3A_227 = arith.constant 0 : i32
    %sign3A_228 = arith.cmpi slt, %add3A_221, %sign3A_227 : i32
    %sign3A_229 = arith.extui %sign3A_228 : i1 to i32
    %sign3A_230 = arith.subi %sign3A_226, %sign3A_229 : i32
    %sign3A_231 = arith.constant 0 : i32
    %sign3A_232 = arith.cmpi sgt, %jit3A_222, %sign3A_231 : i32
    %sign3A_233 = arith.extui %sign3A_232 : i1 to i32
    %sign3A_234 = arith.constant 0 : i32
    %sign3A_235 = arith.cmpi slt, %jit3A_222, %sign3A_234 : i32
    %sign3A_236 = arith.extui %sign3A_235 : i1 to i32
    %sign3A_237 = arith.subi %sign3A_233, %sign3A_236 : i32
    %ne3A_238 = arith.cmpi ne, %sign3A_230, %sign3A_237 : i32
    %rem3A_239 = arith.remsi %add3A_221, %jit3A_222 : i32
    %ne3A_240 = arith.constant 0 : i32
    %ne3A_241 = arith.cmpi ne, %rem3A_239, %ne3A_240 : i32
    %and3A_242 = arith.andi %ne3A_238, %ne3A_241 : i1
    %sub3A_243 = arith.constant 1 : i32
    %sub3A_244 = arith.subi %div3A_223, %sub3A_243 : i32
    %select_n3A_245 = arith.select %and3A_242, %sub3A_244, %div3A_223 : i32
    %jit3A_246 = arith.constant 32 : i32
    %eq3A_247 = arith.constant 0 : i32
    %eq3A_248 = arith.cmpi eq, %jit3A_246, %eq3A_247 : i32
    %jit3A_249 = arith.constant 1 : i32
    %select_n3A_250 = arith.select %eq3A_248, %jit3A_249, %jit3A_246 : i32
    %rem3A_251 = arith.remsi %add3A_221, %select_n3A_250 : i32
    %ne3A_252 = arith.constant 0 : i32
    %ne3A_253 = arith.cmpi ne, %rem3A_251, %ne3A_252 : i32
    %lt3A_254 = arith.constant 0 : i32
    %lt3A_255 = arith.cmpi slt, %rem3A_251, %lt3A_254 : i32
    %lt3A_256 = arith.constant 0 : i32
    %lt3A_257 = arith.cmpi slt, %select_n3A_250, %lt3A_256 : i32
    %ne3A_258 = arith.xori %lt3A_255, %lt3A_257 : i1
    %and3A_259 = arith.andi %ne3A_258, %ne3A_253 : i1
    %add3A_260 = arith.addi %rem3A_251, %select_n3A_250 : i32
    %select_n3A_261 = arith.select %and3A_259, %add3A_260, %rem3A_251 : i32
    %mul3A_262 = arith.constant 128 : i32
    %mul3A_263 = arith.muli %select_n3A_261, %mul3A_262 : i32
    %sub3A_264 = arith.subi %select_n3A_245, %min3A_19 : i32
    %dma_start3A_265 = tpu.memref_slice %arg5[%sub3A_264, %mul3A_263] : memref<2x4096xi32, #tpu.memory_space<vmem>> -> memref<1x128xi32, #tpu.memory_space<vmem>>
    %dma_start3A_266 = tpu.memref_squeeze %dma_start3A_265 : memref<1x128xi32, #tpu.memory_space<vmem>> -> memref<128xi32, #tpu.memory_space<vmem>>
    %dma_start3A_267 = arith.constant 0 : i32
    %dma_start3A_268 = arith.constant 0 : i32
    %dma_start3A_269 = tpu.memref_slice %arg3[%dma_start3A_267, %dma_start3A_268] : memref<100000x128xf32, #tpu.memory_space<hbm>> -> memref<100000x128xf32, #tpu.memory_space<hbm>>
    tpu.enqueue_indirect_dma source(%dma_start3A_269 : memref<100000x128xf32, #tpu.memory_space<hbm>>) target(%arg10 : memref<128x128xf32, #tpu.memory_space<vmem>>) offsets(%dma_start3A_266 : memref<128xi32, #tpu.memory_space<vmem>>) semaphore(%arg17 : memref<!tpu.dma_semaphore, #tpu.memory_space<semaphore_mem>>)
    %add3A_270 = arith.constant 5 : i32
    %add3A_271 = arith.addi %mul3A_2, %add3A_270 : i32
    %jit3A_272 = arith.constant 32 : i32
    %div3A_273 = arith.divsi %add3A_271, %jit3A_272 : i32
    %sign3A_274 = arith.constant 0 : i32
    %sign3A_275 = arith.cmpi sgt, %add3A_271, %sign3A_274 : i32
    %sign3A_276 = arith.extui %sign3A_275 : i1 to i32
    %sign3A_277 = arith.constant 0 : i32
    %sign3A_278 = arith.cmpi slt, %add3A_271, %sign3A_277 : i32
    %sign3A_279 = arith.extui %sign3A_278 : i1 to i32
    %sign3A_280 = arith.subi %sign3A_276, %sign3A_279 : i32
    %sign3A_281 = arith.constant 0 : i32
    %sign3A_282 = arith.cmpi sgt, %jit3A_272, %sign3A_281 : i32
    %sign3A_283 = arith.extui %sign3A_282 : i1 to i32
    %sign3A_284 = arith.constant 0 : i32
    %sign3A_285 = arith.cmpi slt, %jit3A_272, %sign3A_284 : i32
    %sign3A_286 = arith.extui %sign3A_285 : i1 to i32
    %sign3A_287 = arith.subi %sign3A_283, %sign3A_286 : i32
    %ne3A_288 = arith.cmpi ne, %sign3A_280, %sign3A_287 : i32
    %rem3A_289 = arith.remsi %add3A_271, %jit3A_272 : i32
    %ne3A_290 = arith.constant 0 : i32
    %ne3A_291 = arith.cmpi ne, %rem3A_289, %ne3A_290 : i32
    %and3A_292 = arith.andi %ne3A_288, %ne3A_291 : i1
    %sub3A_293 = arith.constant 1 : i32
    %sub3A_294 = arith.subi %div3A_273, %sub3A_293 : i32
    %select_n3A_295 = arith.select %and3A_292, %sub3A_294, %div3A_273 : i32
    %jit3A_296 = arith.constant 32 : i32
    %eq3A_297 = arith.constant 0 : i32
    %eq3A_298 = arith.cmpi eq, %jit3A_296, %eq3A_297 : i32
    %jit3A_299 = arith.constant 1 : i32
    %select_n3A_300 = arith.select %eq3A_298, %jit3A_299, %jit3A_296 : i32
    %rem3A_301 = arith.remsi %add3A_271, %select_n3A_300 : i32
    %ne3A_302 = arith.constant 0 : i32
    %ne3A_303 = arith.cmpi ne, %rem3A_301, %ne3A_302 : i32
    %lt3A_304 = arith.constant 0 : i32
    %lt3A_305 = arith.cmpi slt, %rem3A_301, %lt3A_304 : i32
    %lt3A_306 = arith.constant 0 : i32
    %lt3A_307 = arith.cmpi slt, %select_n3A_300, %lt3A_306 : i32
    %ne3A_308 = arith.xori %lt3A_305, %lt3A_307 : i1
    %and3A_309 = arith.andi %ne3A_308, %ne3A_303 : i1
    %add3A_310 = arith.addi %rem3A_301, %select_n3A_300 : i32
    %select_n3A_311 = arith.select %and3A_309, %add3A_310, %rem3A_301 : i32
    %mul3A_312 = arith.constant 128 : i32
    %mul3A_313 = arith.muli %select_n3A_311, %mul3A_312 : i32
    %sub3A_314 = arith.subi %select_n3A_295, %min3A_19 : i32
    %dma_start3A_315 = tpu.memref_slice %arg5[%sub3A_314, %mul3A_313] : memref<2x4096xi32, #tpu.memory_space<vmem>> -> memref<1x128xi32, #tpu.memory_space<vmem>>
    %dma_start3A_316 = tpu.memref_squeeze %dma_start3A_315 : memref<1x128xi32, #tpu.memory_space<vmem>> -> memref<128xi32, #tpu.memory_space<vmem>>
    %dma_start3A_317 = arith.constant 0 : i32
    %dma_start3A_318 = arith.constant 0 : i32
    %dma_start3A_319 = tpu.memref_slice %arg3[%dma_start3A_317, %dma_start3A_318] : memref<100000x128xf32, #tpu.memory_space<hbm>> -> memref<100000x128xf32, #tpu.memory_space<hbm>>
    tpu.enqueue_indirect_dma source(%dma_start3A_319 : memref<100000x128xf32, #tpu.memory_space<hbm>>) target(%arg11 : memref<128x128xf32, #tpu.memory_space<vmem>>) offsets(%dma_start3A_316 : memref<128xi32, #tpu.memory_space<vmem>>) semaphore(%arg18 : memref<!tpu.dma_semaphore, #tpu.memory_space<semaphore_mem>>)
    %dma_wait3A = tpu.memref_slice %arg5[%sub3A_65, %mul3A_64] : memref<2x4096xi32, #tpu.memory_space<vmem>> -> memref<1x128xi32, #tpu.memory_space<vmem>>
    %dma_wait3A_320 = tpu.memref_squeeze %dma_wait3A : memref<1x128xi32, #tpu.memory_space<vmem>> -> memref<128xi32, #tpu.memory_space<vmem>>
    %dma_wait3A_321 = arith.constant 0 : i32
    %dma_wait3A_322 = arith.constant 0 : i32
    %dma_wait3A_323 = tpu.memref_slice %arg3[%dma_wait3A_321, %dma_wait3A_322] : memref<100000x128xf32, #tpu.memory_space<hbm>> -> memref<100000x128xf32, #tpu.memory_space<hbm>>
    tpu.wait_indirect_dma semaphore(%arg13 : memref<!tpu.dma_semaphore, #tpu.memory_space<semaphore_mem>>) src(%dma_wait3A_323 : memref<100000x128xf32, #tpu.memory_space<hbm>>) dst(%arg6 : memref<128x128xf32, #tpu.memory_space<vmem>>)
    %add3A_324 = arith.constant 0 : i32
    %add3A_325 = arith.addi %mul3A_2, %add3A_324 : i32
    %jit3A_326 = arith.constant 32 : i32
    %div3A_327 = arith.divsi %add3A_325, %jit3A_326 : i32
    %sign3A_328 = arith.constant 0 : i32
    %sign3A_329 = arith.cmpi sgt, %add3A_325, %sign3A_328 : i32
    %sign3A_330 = arith.extui %sign3A_329 : i1 to i32
    %sign3A_331 = arith.constant 0 : i32
    %sign3A_332 = arith.cmpi slt, %add3A_325, %sign3A_331 : i32
    %sign3A_333 = arith.extui %sign3A_332 : i1 to i32
    %sign3A_334 = arith.subi %sign3A_330, %sign3A_333 : i32
    %sign3A_335 = arith.constant 0 : i32
    %sign3A_336 = arith.cmpi sgt, %jit3A_326, %sign3A_335 : i32
    %sign3A_337 = arith.extui %sign3A_336 : i1 to i32
    %sign3A_338 = arith.constant 0 : i32
    %sign3A_339 = arith.cmpi slt, %jit3A_326, %sign3A_338 : i32
    %sign3A_340 = arith.extui %sign3A_339 : i1 to i32
    %sign3A_341 = arith.subi %sign3A_337, %sign3A_340 : i32
    %ne3A_342 = arith.cmpi ne, %sign3A_334, %sign3A_341 : i32
    %rem3A_343 = arith.remsi %add3A_325, %jit3A_326 : i32
    %ne3A_344 = arith.constant 0 : i32
    %ne3A_345 = arith.cmpi ne, %rem3A_343, %ne3A_344 : i32
    %and3A_346 = arith.andi %ne3A_342, %ne3A_345 : i1
    %sub3A_347 = arith.constant 1 : i32
    %sub3A_348 = arith.subi %div3A_327, %sub3A_347 : i32
    %select_n3A_349 = arith.select %and3A_346, %sub3A_348, %div3A_327 : i32
    %jit3A_350 = arith.constant 32 : i32
    %eq3A_351 = arith.constant 0 : i32
    %eq3A_352 = arith.cmpi eq, %jit3A_350, %eq3A_351 : i32
    %jit3A_353 = arith.constant 1 : i32
    %select_n3A_354 = arith.select %eq3A_352, %jit3A_353, %jit3A_350 : i32
    %rem3A_355 = arith.remsi %add3A_325, %select_n3A_354 : i32
    %ne3A_356 = arith.constant 0 : i32
    %ne3A_357 = arith.cmpi ne, %rem3A_355, %ne3A_356 : i32
    %lt3A_358 = arith.constant 0 : i32
    %lt3A_359 = arith.cmpi slt, %rem3A_355, %lt3A_358 : i32
    %lt3A_360 = arith.constant 0 : i32
    %lt3A_361 = arith.cmpi slt, %select_n3A_354, %lt3A_360 : i32
    %ne3A_362 = arith.xori %lt3A_359, %lt3A_361 : i1
    %and3A_363 = arith.andi %ne3A_362, %ne3A_357 : i1
    %add3A_364 = arith.addi %rem3A_355, %select_n3A_354 : i32
    %select_n3A_365 = arith.select %and3A_363, %add3A_364, %rem3A_355 : i32
    %mul3A_366 = arith.constant 128 : i32
    %mul3A_367 = arith.muli %select_n3A_365, %mul3A_366 : i32
    %dma_start3A_368 = arith.constant 0 : i32
    %dma_start3A_369 = tpu.memref_slice %arg4[%select_n3A_349, %mul3A_367, %dma_start3A_368] : memref<26x4096x128xf32, #tpu.memory_space<hbm>> -> memref<1x128x128xf32, #tpu.memory_space<hbm>>
    %dma_start3A_370 = tpu.memref_squeeze %dma_start3A_369 : memref<1x128x128xf32, #tpu.memory_space<hbm>> -> memref<128x128xf32, #tpu.memory_space<hbm>>
    %dma_start3A_371 = arith.constant 0 : i32
    %dma_start3A_372 = tpu.memref_slice %arg4[%select_n3A_349, %mul3A_367, %dma_start3A_371] : memref<26x4096x128xf32, #tpu.memory_space<hbm>> -> memref<1x128x128xf32, #tpu.memory_space<hbm>>
    %dma_start3A_373 = tpu.memref_squeeze %dma_start3A_372 : memref<1x128x128xf32, #tpu.memory_space<hbm>> -> memref<128x128xf32, #tpu.memory_space<hbm>>
    tpu.enqueue_dma source(%arg6 : memref<128x128xf32, #tpu.memory_space<vmem>>) target(%dma_start3A_373 : memref<128x128xf32, #tpu.memory_space<hbm>>) target_semaphore(%arg20 : memref<!tpu.dma_semaphore, #tpu.memory_space<semaphore_mem>>)
    %add3A_374 = arith.constant 6 : i32
    %add3A_375 = arith.addi %mul3A_2, %add3A_374 : i32
    %jit3A_376 = arith.constant 32 : i32
    %div3A_377 = arith.divsi %add3A_375, %jit3A_376 : i32
    %sign3A_378 = arith.constant 0 : i32
    %sign3A_379 = arith.cmpi sgt, %add3A_375, %sign3A_378 : i32
    %sign3A_380 = arith.extui %sign3A_379 : i1 to i32
    %sign3A_381 = arith.constant 0 : i32
    %sign3A_382 = arith.cmpi slt, %add3A_375, %sign3A_381 : i32
    %sign3A_383 = arith.extui %sign3A_382 : i1 to i32
    %sign3A_384 = arith.subi %sign3A_380, %sign3A_383 : i32
    %sign3A_385 = arith.constant 0 : i32
    %sign3A_386 = arith.cmpi sgt, %jit3A_376, %sign3A_385 : i32
    %sign3A_387 = arith.extui %sign3A_386 : i1 to i32
    %sign3A_388 = arith.constant 0 : i32
    %sign3A_389 = arith.cmpi slt, %jit3A_376, %sign3A_388 : i32
    %sign3A_390 = arith.extui %sign3A_389 : i1 to i32
    %sign3A_391 = arith.subi %sign3A_387, %sign3A_390 : i32
    %ne3A_392 = arith.cmpi ne, %sign3A_384, %sign3A_391 : i32
    %rem3A_393 = arith.remsi %add3A_375, %jit3A_376 : i32
    %ne3A_394 = arith.constant 0 : i32
    %ne3A_395 = arith.cmpi ne, %rem3A_393, %ne3A_394 : i32
    %and3A_396 = arith.andi %ne3A_392, %ne3A_395 : i1
    %sub3A_397 = arith.constant 1 : i32
    %sub3A_398 = arith.subi %div3A_377, %sub3A_397 : i32
    %select_n3A_399 = arith.select %and3A_396, %sub3A_398, %div3A_377 : i32
    %jit3A_400 = arith.constant 32 : i32
    %eq3A_401 = arith.constant 0 : i32
    %eq3A_402 = arith.cmpi eq, %jit3A_400, %eq3A_401 : i32
    %jit3A_403 = arith.constant 1 : i32
    %select_n3A_404 = arith.select %eq3A_402, %jit3A_403, %jit3A_400 : i32
    %rem3A_405 = arith.remsi %add3A_375, %select_n3A_404 : i32
    %ne3A_406 = arith.constant 0 : i32
    %ne3A_407 = arith.cmpi ne, %rem3A_405, %ne3A_406 : i32
    %lt3A_408 = arith.constant 0 : i32
    %lt3A_409 = arith.cmpi slt, %rem3A_405, %lt3A_408 : i32
    %lt3A_410 = arith.constant 0 : i32
    %lt3A_411 = arith.cmpi slt, %select_n3A_404, %lt3A_410 : i32
    %ne3A_412 = arith.xori %lt3A_409, %lt3A_411 : i1
    %and3A_413 = arith.andi %ne3A_412, %ne3A_407 : i1
    %add3A_414 = arith.addi %rem3A_405, %select_n3A_404 : i32
    %select_n3A_415 = arith.select %and3A_413, %add3A_414, %rem3A_405 : i32
    %mul3A_416 = arith.constant 128 : i32
    %mul3A_417 = arith.muli %select_n3A_415, %mul3A_416 : i32
    %sub3A_418 = arith.subi %select_n3A_399, %min3A_19 : i32
    %dma_start3A_419 = tpu.memref_slice %arg5[%sub3A_418, %mul3A_417] : memref<2x4096xi32, #tpu.memory_space<vmem>> -> memref<1x128xi32, #tpu.memory_space<vmem>>
    %dma_start3A_420 = tpu.memref_squeeze %dma_start3A_419 : memref<1x128xi32, #tpu.memory_space<vmem>> -> memref<128xi32, #tpu.memory_space<vmem>>
    %dma_start3A_421 = arith.constant 0 : i32
    %dma_start3A_422 = arith.constant 0 : i32
    %dma_start3A_423 = tpu.memref_slice %arg3[%dma_start3A_421, %dma_start3A_422] : memref<100000x128xf32, #tpu.memory_space<hbm>> -> memref<100000x128xf32, #tpu.memory_space<hbm>>
    tpu.enqueue_indirect_dma source(%dma_start3A_423 : memref<100000x128xf32, #tpu.memory_space<hbm>>) target(%arg12 : memref<128x128xf32, #tpu.memory_space<vmem>>) offsets(%dma_start3A_420 : memref<128xi32, #tpu.memory_space<vmem>>) semaphore(%arg19 : memref<!tpu.dma_semaphore, #tpu.memory_space<semaphore_mem>>)
    %dma_wait3A_424 = tpu.memref_slice %arg5[%sub3A_114, %mul3A_113] : memref<2x4096xi32, #tpu.memory_space<vmem>> -> memref<1x128xi32, #tpu.memory_space<vmem>>
    %dma_wait3A_425 = tpu.memref_squeeze %dma_wait3A_424 : memref<1x128xi32, #tpu.memory_space<vmem>> -> memref<128xi32, #tpu.memory_space<vmem>>
    %dma_wait3A_426 = arith.constant 0 : i32
    %dma_wait3A_427 = arith.constant 0 : i32
    %dma_wait3A_428 = tpu.memref_slice %arg3[%dma_wait3A_426, %dma_wait3A_427] : memref<100000x128xf32, #tpu.memory_space<hbm>> -> memref<100000x128xf32, #tpu.memory_space<hbm>>
    tpu.wait_indirect_dma semaphore(%arg14 : memref<!tpu.dma_semaphore, #tpu.memory_space<semaphore_mem>>) src(%dma_wait3A_428 : memref<100000x128xf32, #tpu.memory_space<hbm>>) dst(%arg7 : memref<128x128xf32, #tpu.memory_space<vmem>>)
    %add3A_429 = arith.constant 1 : i32
    %add3A_430 = arith.addi %mul3A_2, %add3A_429 : i32
    %jit3A_431 = arith.constant 32 : i32
    %div3A_432 = arith.divsi %add3A_430, %jit3A_431 : i32
    %sign3A_433 = arith.constant 0 : i32
    %sign3A_434 = arith.cmpi sgt, %add3A_430, %sign3A_433 : i32
    %sign3A_435 = arith.extui %sign3A_434 : i1 to i32
    %sign3A_436 = arith.constant 0 : i32
    %sign3A_437 = arith.cmpi slt, %add3A_430, %sign3A_436 : i32
    %sign3A_438 = arith.extui %sign3A_437 : i1 to i32
    %sign3A_439 = arith.subi %sign3A_435, %sign3A_438 : i32
    %sign3A_440 = arith.constant 0 : i32
    %sign3A_441 = arith.cmpi sgt, %jit3A_431, %sign3A_440 : i32
    %sign3A_442 = arith.extui %sign3A_441 : i1 to i32
    %sign3A_443 = arith.constant 0 : i32
    %sign3A_444 = arith.cmpi slt, %jit3A_431, %sign3A_443 : i32
    %sign3A_445 = arith.extui %sign3A_444 : i1 to i32
    %sign3A_446 = arith.subi %sign3A_442, %sign3A_445 : i32
    %ne3A_447 = arith.cmpi ne, %sign3A_439, %sign3A_446 : i32
    %rem3A_448 = arith.remsi %add3A_430, %jit3A_431 : i32
    %ne3A_449 = arith.constant 0 : i32
    %ne3A_450 = arith.cmpi ne, %rem3A_448, %ne3A_449 : i32
    %and3A_451 = arith.andi %ne3A_447, %ne3A_450 : i1
    %sub3A_452 = arith.constant 1 : i32
    %sub3A_453 = arith.subi %div3A_432, %sub3A_452 : i32
    %select_n3A_454 = arith.select %and3A_451, %sub3A_453, %div3A_432 : i32
    %jit3A_455 = arith.constant 32 : i32
    %eq3A_456 = arith.constant 0 : i32
    %eq3A_457 = arith.cmpi eq, %jit3A_455, %eq3A_456 : i32
    %jit3A_458 = arith.constant 1 : i32
    %select_n3A_459 = arith.select %eq3A_457, %jit3A_458, %jit3A_455 : i32
    %rem3A_460 = arith.remsi %add3A_430, %select_n3A_459 : i32
    %ne3A_461 = arith.constant 0 : i32
    %ne3A_462 = arith.cmpi ne, %rem3A_460, %ne3A_461 : i32
    %lt3A_463 = arith.constant 0 : i32
    %lt3A_464 = arith.cmpi slt, %rem3A_460, %lt3A_463 : i32
    %lt3A_465 = arith.constant 0 : i32
    %lt3A_466 = arith.cmpi slt, %select_n3A_459, %lt3A_465 : i32
    %ne3A_467 = arith.xori %lt3A_464, %lt3A_466 : i1
    %and3A_468 = arith.andi %ne3A_467, %ne3A_462 : i1
    %add3A_469 = arith.addi %rem3A_460, %select_n3A_459 : i32
    %select_n3A_470 = arith.select %and3A_468, %add3A_469, %rem3A_460 : i32
    %mul3A_471 = arith.constant 128 : i32
    %mul3A_472 = arith.muli %select_n3A_470, %mul3A_471 : i32
    %dma_start3A_473 = arith.constant 0 : i32
    %dma_start3A_474 = tpu.memref_slice %arg4[%select_n3A_454, %mul3A_472, %dma_start3A_473] : memref<26x4096x128xf32, #tpu.memory_space<hbm>> -> memref<1x128x128xf32, #tpu.memory_space<hbm>>
    %dma_start3A_475 = tpu.memref_squeeze %dma_start3A_474 : memref<1x128x128xf32, #tpu.memory_space<hbm>> -> memref<128x128xf32, #tpu.memory_space<hbm>>
    %dma_start3A_476 = arith.constant 0 : i32
    %dma_start3A_477 = tpu.memref_slice %arg4[%select_n3A_454, %mul3A_472, %dma_start3A_476] : memref<26x4096x128xf32, #tpu.memory_space<hbm>> -> memref<1x128x128xf32, #tpu.memory_space<hbm>>
    %dma_start3A_478 = tpu.memref_squeeze %dma_start3A_477 : memref<1x128x128xf32, #tpu.memory_space<hbm>> -> memref<128x128xf32, #tpu.memory_space<hbm>>
    tpu.enqueue_dma source(%arg7 : memref<128x128xf32, #tpu.memory_space<vmem>>) target(%dma_start3A_478 : memref<128x128xf32, #tpu.memory_space<hbm>>) target_semaphore(%arg21 : memref<!tpu.dma_semaphore, #tpu.memory_space<semaphore_mem>>)
    %dma_wait3A_479 = arith.constant 0 : i32
    %dma_wait3A_480 = tpu.memref_slice %arg4[%select_n3A_349, %mul3A_367, %dma_wait3A_479] : memref<26x4096x128xf32, #tpu.memory_space<hbm>> -> memref<1x128x128xf32, #tpu.memory_space<hbm>>
    %dma_wait3A_481 = tpu.memref_squeeze %dma_wait3A_480 : memref<1x128x128xf32, #tpu.memory_space<hbm>> -> memref<128x128xf32, #tpu.memory_space<hbm>>
    %dma_wait3A_482 = arith.constant 0 : i32
    %dma_wait3A_483 = tpu.memref_slice %arg4[%select_n3A_349, %mul3A_367, %dma_wait3A_482] : memref<26x4096x128xf32, #tpu.memory_space<hbm>> -> memref<1x128x128xf32, #tpu.memory_space<hbm>>
    %dma_wait3A_484 = tpu.memref_squeeze %dma_wait3A_483 : memref<1x128x128xf32, #tpu.memory_space<hbm>> -> memref<128x128xf32, #tpu.memory_space<hbm>>
    tpu.wait_dma2 semaphore(%arg20 : memref<!tpu.dma_semaphore, #tpu.memory_space<semaphore_mem>>) src(%arg6 : memref<128x128xf32, #tpu.memory_space<vmem>>) dst(%dma_wait3A_484 : memref<128x128xf32, #tpu.memory_space<hbm>>)
    %add3A_485 = arith.constant 7 : i32
    %add3A_486 = arith.addi %mul3A_2, %add3A_485 : i32
    %jit3A_487 = arith.constant 32 : i32
    %div3A_488 = arith.divsi %add3A_486, %jit3A_487 : i32
    %sign3A_489 = arith.constant 0 : i32
    %sign3A_490 = arith.cmpi sgt, %add3A_486, %sign3A_489 : i32
    %sign3A_491 = arith.extui %sign3A_490 : i1 to i32
    %sign3A_492 = arith.constant 0 : i32
    %sign3A_493 = arith.cmpi slt, %add3A_486, %sign3A_492 : i32
    %sign3A_494 = arith.extui %sign3A_493 : i1 to i32
    %sign3A_495 = arith.subi %sign3A_491, %sign3A_494 : i32
    %sign3A_496 = arith.constant 0 : i32
    %sign3A_497 = arith.cmpi sgt, %jit3A_487, %sign3A_496 : i32
    %sign3A_498 = arith.extui %sign3A_497 : i1 to i32
    %sign3A_499 = arith.constant 0 : i32
    %sign3A_500 = arith.cmpi slt, %jit3A_487, %sign3A_499 : i32
    %sign3A_501 = arith.extui %sign3A_500 : i1 to i32
    %sign3A_502 = arith.subi %sign3A_498, %sign3A_501 : i32
    %ne3A_503 = arith.cmpi ne, %sign3A_495, %sign3A_502 : i32
    %rem3A_504 = arith.remsi %add3A_486, %jit3A_487 : i32
    %ne3A_505 = arith.constant 0 : i32
    %ne3A_506 = arith.cmpi ne, %rem3A_504, %ne3A_505 : i32
    %and3A_507 = arith.andi %ne3A_503, %ne3A_506 : i1
    %sub3A_508 = arith.constant 1 : i32
    %sub3A_509 = arith.subi %div3A_488, %sub3A_508 : i32
    %select_n3A_510 = arith.select %and3A_507, %sub3A_509, %div3A_488 : i32
    %jit3A_511 = arith.constant 32 : i32
    %eq3A_512 = arith.constant 0 : i32
    %eq3A_513 = arith.cmpi eq, %jit3A_511, %eq3A_512 : i32
    %jit3A_514 = arith.constant 1 : i32
    %select_n3A_515 = arith.select %eq3A_513, %jit3A_514, %jit3A_511 : i32
    %rem3A_516 = arith.remsi %add3A_486, %select_n3A_515 : i32
    %ne3A_517 = arith.constant 0 : i32
    %ne3A_518 = arith.cmpi ne, %rem3A_516, %ne3A_517 : i32
    %lt3A_519 = arith.constant 0 : i32
    %lt3A_520 = arith.cmpi slt, %rem3A_516, %lt3A_519 : i32
    %lt3A_521 = arith.constant 0 : i32
    %lt3A_522 = arith.cmpi slt, %select_n3A_515, %lt3A_521 : i32
    %ne3A_523 = arith.xori %lt3A_520, %lt3A_522 : i1
    %and3A_524 = arith.andi %ne3A_523, %ne3A_518 : i1
    %add3A_525 = arith.addi %rem3A_516, %select_n3A_515 : i32
    %select_n3A_526 = arith.select %and3A_524, %add3A_525, %rem3A_516 : i32
    %mul3A_527 = arith.constant 128 : i32
    %mul3A_528 = arith.muli %select_n3A_526, %mul3A_527 : i32
    %sub3A_529 = arith.subi %select_n3A_510, %min3A_19 : i32
    %dma_start3A_530 = tpu.memref_slice %arg5[%sub3A_529, %mul3A_528] : memref<2x4096xi32, #tpu.memory_space<vmem>> -> memref<1x128xi32, #tpu.memory_space<vmem>>
    %dma_start3A_531 = tpu.memref_squeeze %dma_start3A_530 : memref<1x128xi32, #tpu.memory_space<vmem>> -> memref<128xi32, #tpu.memory_space<vmem>>
    %dma_start3A_532 = arith.constant 0 : i32
    %dma_start3A_533 = arith.constant 0 : i32
    %dma_start3A_534 = tpu.memref_slice %arg3[%dma_start3A_532, %dma_start3A_533] : memref<100000x128xf32, #tpu.memory_space<hbm>> -> memref<100000x128xf32, #tpu.memory_space<hbm>>
    tpu.enqueue_indirect_dma source(%dma_start3A_534 : memref<100000x128xf32, #tpu.memory_space<hbm>>) target(%arg6 : memref<128x128xf32, #tpu.memory_space<vmem>>) offsets(%dma_start3A_531 : memref<128xi32, #tpu.memory_space<vmem>>) semaphore(%arg13 : memref<!tpu.dma_semaphore, #tpu.memory_space<semaphore_mem>>)
    %dma_wait3A_535 = tpu.memref_slice %arg5[%sub3A_164, %mul3A_163] : memref<2x4096xi32, #tpu.memory_space<vmem>> -> memref<1x128xi32, #tpu.memory_space<vmem>>
    %dma_wait3A_536 = tpu.memref_squeeze %dma_wait3A_535 : memref<1x128xi32, #tpu.memory_space<vmem>> -> memref<128xi32, #tpu.memory_space<vmem>>
    %dma_wait3A_537 = arith.constant 0 : i32
    %dma_wait3A_538 = arith.constant 0 : i32
    %dma_wait3A_539 = tpu.memref_slice %arg3[%dma_wait3A_537, %dma_wait3A_538] : memref<100000x128xf32, #tpu.memory_space<hbm>> -> memref<100000x128xf32, #tpu.memory_space<hbm>>
    tpu.wait_indirect_dma semaphore(%arg15 : memref<!tpu.dma_semaphore, #tpu.memory_space<semaphore_mem>>) src(%dma_wait3A_539 : memref<100000x128xf32, #tpu.memory_space<hbm>>) dst(%arg8 : memref<128x128xf32, #tpu.memory_space<vmem>>)
    %add3A_540 = arith.constant 2 : i32
    %add3A_541 = arith.addi %mul3A_2, %add3A_540 : i32
    %jit3A_542 = arith.constant 32 : i32
    %div3A_543 = arith.divsi %add3A_541, %jit3A_542 : i32
    %sign3A_544 = arith.constant 0 : i32
    %sign3A_545 = arith.cmpi sgt, %add3A_541, %sign3A_544 : i32
    %sign3A_546 = arith.extui %sign3A_545 : i1 to i32
    %sign3A_547 = arith.constant 0 : i32
    %sign3A_548 = arith.cmpi slt, %add3A_541, %sign3A_547 : i32
    %sign3A_549 = arith.extui %sign3A_548 : i1 to i32
    %sign3A_550 = arith.subi %sign3A_546, %sign3A_549 : i32
    %sign3A_551 = arith.constant 0 : i32
    %sign3A_552 = arith.cmpi sgt, %jit3A_542, %sign3A_551 : i32
    %sign3A_553 = arith.extui %sign3A_552 : i1 to i32
    %sign3A_554 = arith.constant 0 : i32
    %sign3A_555 = arith.cmpi slt, %jit3A_542, %sign3A_554 : i32
    %sign3A_556 = arith.extui %sign3A_555 : i1 to i32
    %sign3A_557 = arith.subi %sign3A_553, %sign3A_556 : i32
    %ne3A_558 = arith.cmpi ne, %sign3A_550, %sign3A_557 : i32
    %rem3A_559 = arith.remsi %add3A_541, %jit3A_542 : i32
    %ne3A_560 = arith.constant 0 : i32
    %ne3A_561 = arith.cmpi ne, %rem3A_559, %ne3A_560 : i32
    %and3A_562 = arith.andi %ne3A_558, %ne3A_561 : i1
    %sub3A_563 = arith.constant 1 : i32
    %sub3A_564 = arith.subi %div3A_543, %sub3A_563 : i32
    %select_n3A_565 = arith.select %and3A_562, %sub3A_564, %div3A_543 : i32
    %jit3A_566 = arith.constant 32 : i32
    %eq3A_567 = arith.constant 0 : i32
    %eq3A_568 = arith.cmpi eq, %jit3A_566, %eq3A_567 : i32
    %jit3A_569 = arith.constant 1 : i32
    %select_n3A_570 = arith.select %eq3A_568, %jit3A_569, %jit3A_566 : i32
    %rem3A_571 = arith.remsi %add3A_541, %select_n3A_570 : i32
    %ne3A_572 = arith.constant 0 : i32
    %ne3A_573 = arith.cmpi ne, %rem3A_571, %ne3A_572 : i32
    %lt3A_574 = arith.constant 0 : i32
    %lt3A_575 = arith.cmpi slt, %rem3A_571, %lt3A_574 : i32
    %lt3A_576 = arith.constant 0 : i32
    %lt3A_577 = arith.cmpi slt, %select_n3A_570, %lt3A_576 : i32
    %ne3A_578 = arith.xori %lt3A_575, %lt3A_577 : i1
    %and3A_579 = arith.andi %ne3A_578, %ne3A_573 : i1
    %add3A_580 = arith.addi %rem3A_571, %select_n3A_570 : i32
    %select_n3A_581 = arith.select %and3A_579, %add3A_580, %rem3A_571 : i32
    %mul3A_582 = arith.constant 128 : i32
    %mul3A_583 = arith.muli %select_n3A_581, %mul3A_582 : i32
    %dma_start3A_584 = arith.constant 0 : i32
    %dma_start3A_585 = tpu.memref_slice %arg4[%select_n3A_565, %mul3A_583, %dma_start3A_584] : memref<26x4096x128xf32, #tpu.memory_space<hbm>> -> memref<1x128x128xf32, #tpu.memory_space<hbm>>
    %dma_start3A_586 = tpu.memref_squeeze %dma_start3A_585 : memref<1x128x128xf32, #tpu.memory_space<hbm>> -> memref<128x128xf32, #tpu.memory_space<hbm>>
    %dma_start3A_587 = arith.constant 0 : i32
    %dma_start3A_588 = tpu.memref_slice %arg4[%select_n3A_565, %mul3A_583, %dma_start3A_587] : memref<26x4096x128xf32, #tpu.memory_space<hbm>> -> memref<1x128x128xf32, #tpu.memory_space<hbm>>
    %dma_start3A_589 = tpu.memref_squeeze %dma_start3A_588 : memref<1x128x128xf32, #tpu.memory_space<hbm>> -> memref<128x128xf32, #tpu.memory_space<hbm>>
    tpu.enqueue_dma source(%arg8 : memref<128x128xf32, #tpu.memory_space<vmem>>) target(%dma_start3A_589 : memref<128x128xf32, #tpu.memory_space<hbm>>) target_semaphore(%arg22 : memref<!tpu.dma_semaphore, #tpu.memory_space<semaphore_mem>>)
    %dma_wait3A_590 = arith.constant 0 : i32
    %dma_wait3A_591 = tpu.memref_slice %arg4[%select_n3A_454, %mul3A_472, %dma_wait3A_590] : memref<26x4096x128xf32, #tpu.memory_space<hbm>> -> memref<1x128x128xf32, #tpu.memory_space<hbm>>
    %dma_wait3A_592 = tpu.memref_squeeze %dma_wait3A_591 : memref<1x128x128xf32, #tpu.memory_space<hbm>> -> memref<128x128xf32, #tpu.memory_space<hbm>>
    %dma_wait3A_593 = arith.constant 0 : i32
    %dma_wait3A_594 = tpu.memref_slice %arg4[%select_n3A_454, %mul3A_472, %dma_wait3A_593] : memref<26x4096x128xf32, #tpu.memory_space<hbm>> -> memref<1x128x128xf32, #tpu.memory_space<hbm>>
    %dma_wait3A_595 = tpu.memref_squeeze %dma_wait3A_594 : memref<1x128x128xf32, #tpu.memory_space<hbm>> -> memref<128x128xf32, #tpu.memory_space<hbm>>
    tpu.wait_dma2 semaphore(%arg21 : memref<!tpu.dma_semaphore, #tpu.memory_space<semaphore_mem>>) src(%arg7 : memref<128x128xf32, #tpu.memory_space<vmem>>) dst(%dma_wait3A_595 : memref<128x128xf32, #tpu.memory_space<hbm>>)
    %add3A_596 = arith.constant 8 : i32
    %add3A_597 = arith.addi %mul3A_2, %add3A_596 : i32
    %jit3A_598 = arith.constant 32 : i32
    %div3A_599 = arith.divsi %add3A_597, %jit3A_598 : i32
    %sign3A_600 = arith.constant 0 : i32
    %sign3A_601 = arith.cmpi sgt, %add3A_597, %sign3A_600 : i32
    %sign3A_602 = arith.extui %sign3A_601 : i1 to i32
    %sign3A_603 = arith.constant 0 : i32
    %sign3A_604 = arith.cmpi slt, %add3A_597, %sign3A_603 : i32
    %sign3A_605 = arith.extui %sign3A_604 : i1 to i32
    %sign3A_606 = arith.subi %sign3A_602, %sign3A_605 : i32
    %sign3A_607 = arith.constant 0 : i32
    %sign3A_608 = arith.cmpi sgt, %jit3A_598, %sign3A_607 : i32
    %sign3A_609 = arith.extui %sign3A_608 : i1 to i32
    %sign3A_610 = arith.constant 0 : i32
    %sign3A_611 = arith.cmpi slt, %jit3A_598, %sign3A_610 : i32
    %sign3A_612 = arith.extui %sign3A_611 : i1 to i32
    %sign3A_613 = arith.subi %sign3A_609, %sign3A_612 : i32
    %ne3A_614 = arith.cmpi ne, %sign3A_606, %sign3A_613 : i32
    %rem3A_615 = arith.remsi %add3A_597, %jit3A_598 : i32
    %ne3A_616 = arith.constant 0 : i32
    %ne3A_617 = arith.cmpi ne, %rem3A_615, %ne3A_616 : i32
    %and3A_618 = arith.andi %ne3A_614, %ne3A_617 : i1
    %sub3A_619 = arith.constant 1 : i32
    %sub3A_620 = arith.subi %div3A_599, %sub3A_619 : i32
    %select_n3A_621 = arith.select %and3A_618, %sub3A_620, %div3A_599 : i32
    %jit3A_622 = arith.constant 32 : i32
    %eq3A_623 = arith.constant 0 : i32
    %eq3A_624 = arith.cmpi eq, %jit3A_622, %eq3A_623 : i32
    %jit3A_625 = arith.constant 1 : i32
    %select_n3A_626 = arith.select %eq3A_624, %jit3A_625, %jit3A_622 : i32
    %rem3A_627 = arith.remsi %add3A_597, %select_n3A_626 : i32
    %ne3A_628 = arith.constant 0 : i32
    %ne3A_629 = arith.cmpi ne, %rem3A_627, %ne3A_628 : i32
    %lt3A_630 = arith.constant 0 : i32
    %lt3A_631 = arith.cmpi slt, %rem3A_627, %lt3A_630 : i32
    %lt3A_632 = arith.constant 0 : i32
    %lt3A_633 = arith.cmpi slt, %select_n3A_626, %lt3A_632 : i32
    %ne3A_634 = arith.xori %lt3A_631, %lt3A_633 : i1
    %and3A_635 = arith.andi %ne3A_634, %ne3A_629 : i1
    %add3A_636 = arith.addi %rem3A_627, %select_n3A_626 : i32
    %select_n3A_637 = arith.select %and3A_635, %add3A_636, %rem3A_627 : i32
    %mul3A_638 = arith.constant 128 : i32
    %mul3A_639 = arith.muli %select_n3A_637, %mul3A_638 : i32
    %sub3A_640 = arith.subi %select_n3A_621, %min3A_19 : i32
    %dma_start3A_641 = tpu.memref_slice %arg5[%sub3A_640, %mul3A_639] : memref<2x4096xi32, #tpu.memory_space<vmem>> -> memref<1x128xi32, #tpu.memory_space<vmem>>
    %dma_start3A_642 = tpu.memref_squeeze %dma_start3A_641 : memref<1x128xi32, #tpu.memory_space<vmem>> -> memref<128xi32, #tpu.memory_space<vmem>>
    %dma_start3A_643 = arith.constant 0 : i32
    %dma_start3A_644 = arith.constant 0 : i32
    %dma_start3A_645 = tpu.memref_slice %arg3[%dma_start3A_643, %dma_start3A_644] : memref<100000x128xf32, #tpu.memory_space<hbm>> -> memref<100000x128xf32, #tpu.memory_space<hbm>>
    tpu.enqueue_indirect_dma source(%dma_start3A_645 : memref<100000x128xf32, #tpu.memory_space<hbm>>) target(%arg7 : memref<128x128xf32, #tpu.memory_space<vmem>>) offsets(%dma_start3A_642 : memref<128xi32, #tpu.memory_space<vmem>>) semaphore(%arg14 : memref<!tpu.dma_semaphore, #tpu.memory_space<semaphore_mem>>)
    %dma_wait3A_646 = tpu.memref_slice %arg5[%sub3A_214, %mul3A_213] : memref<2x4096xi32, #tpu.memory_space<vmem>> -> memref<1x128xi32, #tpu.memory_space<vmem>>
    %dma_wait3A_647 = tpu.memref_squeeze %dma_wait3A_646 : memref<1x128xi32, #tpu.memory_space<vmem>> -> memref<128xi32, #tpu.memory_space<vmem>>
    %dma_wait3A_648 = arith.constant 0 : i32
    %dma_wait3A_649 = arith.constant 0 : i32
    %dma_wait3A_650 = tpu.memref_slice %arg3[%dma_wait3A_648, %dma_wait3A_649] : memref<100000x128xf32, #tpu.memory_space<hbm>> -> memref<100000x128xf32, #tpu.memory_space<hbm>>
    tpu.wait_indirect_dma semaphore(%arg16 : memref<!tpu.dma_semaphore, #tpu.memory_space<semaphore_mem>>) src(%dma_wait3A_650 : memref<100000x128xf32, #tpu.memory_space<hbm>>) dst(%arg9 : memref<128x128xf32, #tpu.memory_space<vmem>>)
    %add3A_651 = arith.constant 3 : i32
    %add3A_652 = arith.addi %mul3A_2, %add3A_651 : i32
    %jit3A_653 = arith.constant 32 : i32
    %div3A_654 = arith.divsi %add3A_652, %jit3A_653 : i32
    %sign3A_655 = arith.constant 0 : i32
    %sign3A_656 = arith.cmpi sgt, %add3A_652, %sign3A_655 : i32
    %sign3A_657 = arith.extui %sign3A_656 : i1 to i32
    %sign3A_658 = arith.constant 0 : i32
    %sign3A_659 = arith.cmpi slt, %add3A_652, %sign3A_658 : i32
    %sign3A_660 = arith.extui %sign3A_659 : i1 to i32
    %sign3A_661 = arith.subi %sign3A_657, %sign3A_660 : i32
    %sign3A_662 = arith.constant 0 : i32
    %sign3A_663 = arith.cmpi sgt, %jit3A_653, %sign3A_662 : i32
    %sign3A_664 = arith.extui %sign3A_663 : i1 to i32
    %sign3A_665 = arith.constant 0 : i32
    %sign3A_666 = arith.cmpi slt, %jit3A_653, %sign3A_665 : i32
    %sign3A_667 = arith.extui %sign3A_666 : i1 to i32
    %sign3A_668 = arith.subi %sign3A_664, %sign3A_667 : i32
    %ne3A_669 = arith.cmpi ne, %sign3A_661, %sign3A_668 : i32
    %rem3A_670 = arith.remsi %add3A_652, %jit3A_653 : i32
    %ne3A_671 = arith.constant 0 : i32
    %ne3A_672 = arith.cmpi ne, %rem3A_670, %ne3A_671 : i32
    %and3A_673 = arith.andi %ne3A_669, %ne3A_672 : i1
    %sub3A_674 = arith.constant 1 : i32
    %sub3A_675 = arith.subi %div3A_654, %sub3A_674 : i32
    %select_n3A_676 = arith.select %and3A_673, %sub3A_675, %div3A_654 : i32
    %jit3A_677 = arith.constant 32 : i32
    %eq3A_678 = arith.constant 0 : i32
    %eq3A_679 = arith.cmpi eq, %jit3A_677, %eq3A_678 : i32
    %jit3A_680 = arith.constant 1 : i32
    %select_n3A_681 = arith.select %eq3A_679, %jit3A_680, %jit3A_677 : i32
    %rem3A_682 = arith.remsi %add3A_652, %select_n3A_681 : i32
    %ne3A_683 = arith.constant 0 : i32
    %ne3A_684 = arith.cmpi ne, %rem3A_682, %ne3A_683 : i32
    %lt3A_685 = arith.constant 0 : i32
    %lt3A_686 = arith.cmpi slt, %rem3A_682, %lt3A_685 : i32
    %lt3A_687 = arith.constant 0 : i32
    %lt3A_688 = arith.cmpi slt, %select_n3A_681, %lt3A_687 : i32
    %ne3A_689 = arith.xori %lt3A_686, %lt3A_688 : i1
    %and3A_690 = arith.andi %ne3A_689, %ne3A_684 : i1
    %add3A_691 = arith.addi %rem3A_682, %select_n3A_681 : i32
    %select_n3A_692 = arith.select %and3A_690, %add3A_691, %rem3A_682 : i32
    %mul3A_693 = arith.constant 128 : i32
    %mul3A_694 = arith.muli %select_n3A_692, %mul3A_693 : i32
    %dma_start3A_695 = arith.constant 0 : i32
    %dma_start3A_696 = tpu.memref_slice %arg4[%select_n3A_676, %mul3A_694, %dma_start3A_695] : memref<26x4096x128xf32, #tpu.memory_space<hbm>> -> memref<1x128x128xf32, #tpu.memory_space<hbm>>
    %dma_start3A_697 = tpu.memref_squeeze %dma_start3A_696 : memref<1x128x128xf32, #tpu.memory_space<hbm>> -> memref<128x128xf32, #tpu.memory_space<hbm>>
    %dma_start3A_698 = arith.constant 0 : i32
    %dma_start3A_699 = tpu.memref_slice %arg4[%select_n3A_676, %mul3A_694, %dma_start3A_698] : memref<26x4096x128xf32, #tpu.memory_space<hbm>> -> memref<1x128x128xf32, #tpu.memory_space<hbm>>
    %dma_start3A_700 = tpu.memref_squeeze %dma_start3A_699 : memref<1x128x128xf32, #tpu.memory_space<hbm>> -> memref<128x128xf32, #tpu.memory_space<hbm>>
    tpu.enqueue_dma source(%arg9 : memref<128x128xf32, #tpu.memory_space<vmem>>) target(%dma_start3A_700 : memref<128x128xf32, #tpu.memory_space<hbm>>) target_semaphore(%arg23 : memref<!tpu.dma_semaphore, #tpu.memory_space<semaphore_mem>>)
    %dma_wait3A_701 = arith.constant 0 : i32
    %dma_wait3A_702 = tpu.memref_slice %arg4[%select_n3A_565, %mul3A_583, %dma_wait3A_701] : memref<26x4096x128xf32, #tpu.memory_space<hbm>> -> memref<1x128x128xf32, #tpu.memory_space<hbm>>
    %dma_wait3A_703 = tpu.memref_squeeze %dma_wait3A_702 : memref<1x128x128xf32, #tpu.memory_space<hbm>> -> memref<128x128xf32, #tpu.memory_space<hbm>>
    %dma_wait3A_704 = arith.constant 0 : i32
    %dma_wait3A_705 = tpu.memref_slice %arg4[%select_n3A_565, %mul3A_583, %dma_wait3A_704] : memref<26x4096x128xf32, #tpu.memory_space<hbm>> -> memref<1x128x128xf32, #tpu.memory_space<hbm>>
    %dma_wait3A_706 = tpu.memref_squeeze %dma_wait3A_705 : memref<1x128x128xf32, #tpu.memory_space<hbm>> -> memref<128x128xf32, #tpu.memory_space<hbm>>
    tpu.wait_dma2 semaphore(%arg22 : memref<!tpu.dma_semaphore, #tpu.memory_space<semaphore_mem>>) src(%arg8 : memref<128x128xf32, #tpu.memory_space<vmem>>) dst(%dma_wait3A_706 : memref<128x128xf32, #tpu.memory_space<hbm>>)
    %add3A_707 = arith.constant 9 : i32
    %add3A_708 = arith.addi %mul3A_2, %add3A_707 : i32
    %jit3A_709 = arith.constant 32 : i32
    %div3A_710 = arith.divsi %add3A_708, %jit3A_709 : i32
    %sign3A_711 = arith.constant 0 : i32
    %sign3A_712 = arith.cmpi sgt, %add3A_708, %sign3A_711 : i32
    %sign3A_713 = arith.extui %sign3A_712 : i1 to i32
    %sign3A_714 = arith.constant 0 : i32
    %sign3A_715 = arith.cmpi slt, %add3A_708, %sign3A_714 : i32
    %sign3A_716 = arith.extui %sign3A_715 : i1 to i32
    %sign3A_717 = arith.subi %sign3A_713, %sign3A_716 : i32
    %sign3A_718 = arith.constant 0 : i32
    %sign3A_719 = arith.cmpi sgt, %jit3A_709, %sign3A_718 : i32
    %sign3A_720 = arith.extui %sign3A_719 : i1 to i32
    %sign3A_721 = arith.constant 0 : i32
    %sign3A_722 = arith.cmpi slt, %jit3A_709, %sign3A_721 : i32
    %sign3A_723 = arith.extui %sign3A_722 : i1 to i32
    %sign3A_724 = arith.subi %sign3A_720, %sign3A_723 : i32
    %ne3A_725 = arith.cmpi ne, %sign3A_717, %sign3A_724 : i32
    %rem3A_726 = arith.remsi %add3A_708, %jit3A_709 : i32
    %ne3A_727 = arith.constant 0 : i32
    %ne3A_728 = arith.cmpi ne, %rem3A_726, %ne3A_727 : i32
    %and3A_729 = arith.andi %ne3A_725, %ne3A_728 : i1
    %sub3A_730 = arith.constant 1 : i32
    %sub3A_731 = arith.subi %div3A_710, %sub3A_730 : i32
    %select_n3A_732 = arith.select %and3A_729, %sub3A_731, %div3A_710 : i32
    %jit3A_733 = arith.constant 32 : i32
    %eq3A_734 = arith.constant 0 : i32
    %eq3A_735 = arith.cmpi eq, %jit3A_733, %eq3A_734 : i32
    %jit3A_736 = arith.constant 1 : i32
    %select_n3A_737 = arith.select %eq3A_735, %jit3A_736, %jit3A_733 : i32
    %rem3A_738 = arith.remsi %add3A_708, %select_n3A_737 : i32
    %ne3A_739 = arith.constant 0 : i32
    %ne3A_740 = arith.cmpi ne, %rem3A_738, %ne3A_739 : i32
    %lt3A_741 = arith.constant 0 : i32
    %lt3A_742 = arith.cmpi slt, %rem3A_738, %lt3A_741 : i32
    %lt3A_743 = arith.constant 0 : i32
    %lt3A_744 = arith.cmpi slt, %select_n3A_737, %lt3A_743 : i32
    %ne3A_745 = arith.xori %lt3A_742, %lt3A_744 : i1
    %and3A_746 = arith.andi %ne3A_745, %ne3A_740 : i1
    %add3A_747 = arith.addi %rem3A_738, %select_n3A_737 : i32
    %select_n3A_748 = arith.select %and3A_746, %add3A_747, %rem3A_738 : i32
    %mul3A_749 = arith.constant 128 : i32
    %mul3A_750 = arith.muli %select_n3A_748, %mul3A_749 : i32
    %sub3A_751 = arith.subi %select_n3A_732, %min3A_19 : i32
    %dma_start3A_752 = tpu.memref_slice %arg5[%sub3A_751, %mul3A_750] : memref<2x4096xi32, #tpu.memory_space<vmem>> -> memref<1x128xi32, #tpu.memory_space<vmem>>
    %dma_start3A_753 = tpu.memref_squeeze %dma_start3A_752 : memref<1x128xi32, #tpu.memory_space<vmem>> -> memref<128xi32, #tpu.memory_space<vmem>>
    %dma_start3A_754 = arith.constant 0 : i32
    %dma_start3A_755 = arith.constant 0 : i32
    %dma_start3A_756 = tpu.memref_slice %arg3[%dma_start3A_754, %dma_start3A_755] : memref<100000x128xf32, #tpu.memory_space<hbm>> -> memref<100000x128xf32, #tpu.memory_space<hbm>>
    tpu.enqueue_indirect_dma source(%dma_start3A_756 : memref<100000x128xf32, #tpu.memory_space<hbm>>) target(%arg8 : memref<128x128xf32, #tpu.memory_space<vmem>>) offsets(%dma_start3A_753 : memref<128xi32, #tpu.memory_space<vmem>>) semaphore(%arg15 : memref<!tpu.dma_semaphore, #tpu.memory_space<semaphore_mem>>)
    %dma_wait3A_757 = tpu.memref_slice %arg5[%sub3A_264, %mul3A_263] : memref<2x4096xi32, #tpu.memory_space<vmem>> -> memref<1x128xi32, #tpu.memory_space<vmem>>
    %dma_wait3A_758 = tpu.memref_squeeze %dma_wait3A_757 : memref<1x128xi32, #tpu.memory_space<vmem>> -> memref<128xi32, #tpu.memory_space<vmem>>
    %dma_wait3A_759 = arith.constant 0 : i32
    %dma_wait3A_760 = arith.constant 0 : i32
    %dma_wait3A_761 = tpu.memref_slice %arg3[%dma_wait3A_759, %dma_wait3A_760] : memref<100000x128xf32, #tpu.memory_space<hbm>> -> memref<100000x128xf32, #tpu.memory_space<hbm>>
    tpu.wait_indirect_dma semaphore(%arg17 : memref<!tpu.dma_semaphore, #tpu.memory_space<semaphore_mem>>) src(%dma_wait3A_761 : memref<100000x128xf32, #tpu.memory_space<hbm>>) dst(%arg10 : memref<128x128xf32, #tpu.memory_space<vmem>>)
    %add3A_762 = arith.constant 4 : i32
    %add3A_763 = arith.addi %mul3A_2, %add3A_762 : i32
    %jit3A_764 = arith.constant 32 : i32
    %div3A_765 = arith.divsi %add3A_763, %jit3A_764 : i32
    %sign3A_766 = arith.constant 0 : i32
    %sign3A_767 = arith.cmpi sgt, %add3A_763, %sign3A_766 : i32
    %sign3A_768 = arith.extui %sign3A_767 : i1 to i32
    %sign3A_769 = arith.constant 0 : i32
    %sign3A_770 = arith.cmpi slt, %add3A_763, %sign3A_769 : i32
    %sign3A_771 = arith.extui %sign3A_770 : i1 to i32
    %sign3A_772 = arith.subi %sign3A_768, %sign3A_771 : i32
    %sign3A_773 = arith.constant 0 : i32
    %sign3A_774 = arith.cmpi sgt, %jit3A_764, %sign3A_773 : i32
    %sign3A_775 = arith.extui %sign3A_774 : i1 to i32
    %sign3A_776 = arith.constant 0 : i32
    %sign3A_777 = arith.cmpi slt, %jit3A_764, %sign3A_776 : i32
    %sign3A_778 = arith.extui %sign3A_777 : i1 to i32
    %sign3A_779 = arith.subi %sign3A_775, %sign3A_778 : i32
    %ne3A_780 = arith.cmpi ne, %sign3A_772, %sign3A_779 : i32
    %rem3A_781 = arith.remsi %add3A_763, %jit3A_764 : i32
    %ne3A_782 = arith.constant 0 : i32
    %ne3A_783 = arith.cmpi ne, %rem3A_781, %ne3A_782 : i32
    %and3A_784 = arith.andi %ne3A_780, %ne3A_783 : i1
    %sub3A_785 = arith.constant 1 : i32
    %sub3A_786 = arith.subi %div3A_765, %sub3A_785 : i32
    %select_n3A_787 = arith.select %and3A_784, %sub3A_786, %div3A_765 : i32
    %jit3A_788 = arith.constant 32 : i32
    %eq3A_789 = arith.constant 0 : i32
    %eq3A_790 = arith.cmpi eq, %jit3A_788, %eq3A_789 : i32
    %jit3A_791 = arith.constant 1 : i32
    %select_n3A_792 = arith.select %eq3A_790, %jit3A_791, %jit3A_788 : i32
    %rem3A_793 = arith.remsi %add3A_763, %select_n3A_792 : i32
    %ne3A_794 = arith.constant 0 : i32
    %ne3A_795 = arith.cmpi ne, %rem3A_793, %ne3A_794 : i32
    %lt3A_796 = arith.constant 0 : i32
    %lt3A_797 = arith.cmpi slt, %rem3A_793, %lt3A_796 : i32
    %lt3A_798 = arith.constant 0 : i32
    %lt3A_799 = arith.cmpi slt, %select_n3A_792, %lt3A_798 : i32
    %ne3A_800 = arith.xori %lt3A_797, %lt3A_799 : i1
    %and3A_801 = arith.andi %ne3A_800, %ne3A_795 : i1
    %add3A_802 = arith.addi %rem3A_793, %select_n3A_792 : i32
    %select_n3A_803 = arith.select %and3A_801, %add3A_802, %rem3A_793 : i32
    %mul3A_804 = arith.constant 128 : i32
    %mul3A_805 = arith.muli %select_n3A_803, %mul3A_804 : i32
    %dma_start3A_806 = arith.constant 0 : i32
    %dma_start3A_807 = tpu.memref_slice %arg4[%select_n3A_787, %mul3A_805, %dma_start3A_806] : memref<26x4096x128xf32, #tpu.memory_space<hbm>> -> memref<1x128x128xf32, #tpu.memory_space<hbm>>
    %dma_start3A_808 = tpu.memref_squeeze %dma_start3A_807 : memref<1x128x128xf32, #tpu.memory_space<hbm>> -> memref<128x128xf32, #tpu.memory_space<hbm>>
    %dma_start3A_809 = arith.constant 0 : i32
    %dma_start3A_810 = tpu.memref_slice %arg4[%select_n3A_787, %mul3A_805, %dma_start3A_809] : memref<26x4096x128xf32, #tpu.memory_space<hbm>> -> memref<1x128x128xf32, #tpu.memory_space<hbm>>
    %dma_start3A_811 = tpu.memref_squeeze %dma_start3A_810 : memref<1x128x128xf32, #tpu.memory_space<hbm>> -> memref<128x128xf32, #tpu.memory_space<hbm>>
    tpu.enqueue_dma source(%arg10 : memref<128x128xf32, #tpu.memory_space<vmem>>) target(%dma_start3A_811 : memref<128x128xf32, #tpu.memory_space<hbm>>) target_semaphore(%arg24 : memref<!tpu.dma_semaphore, #tpu.memory_space<semaphore_mem>>)
    %dma_wait3A_812 = arith.constant 0 : i32
    %dma_wait3A_813 = tpu.memref_slice %arg4[%select_n3A_676, %mul3A_694, %dma_wait3A_812] : memref<26x4096x128xf32, #tpu.memory_space<hbm>> -> memref<1x128x128xf32, #tpu.memory_space<hbm>>
    %dma_wait3A_814 = tpu.memref_squeeze %dma_wait3A_813 : memref<1x128x128xf32, #tpu.memory_space<hbm>> -> memref<128x128xf32, #tpu.memory_space<hbm>>
    %dma_wait3A_815 = arith.constant 0 : i32
    %dma_wait3A_816 = tpu.memref_slice %arg4[%select_n3A_676, %mul3A_694, %dma_wait3A_815] : memref<26x4096x128xf32, #tpu.memory_space<hbm>> -> memref<1x128x128xf32, #tpu.memory_space<hbm>>
    %dma_wait3A_817 = tpu.memref_squeeze %dma_wait3A_816 : memref<1x128x128xf32, #tpu.memory_space<hbm>> -> memref<128x128xf32, #tpu.memory_space<hbm>>
    tpu.wait_dma2 semaphore(%arg23 : memref<!tpu.dma_semaphore, #tpu.memory_space<semaphore_mem>>) src(%arg9 : memref<128x128xf32, #tpu.memory_space<vmem>>) dst(%dma_wait3A_817 : memref<128x128xf32, #tpu.memory_space<hbm>>)
    %add3A_818 = arith.constant 10 : i32
    %add3A_819 = arith.addi %mul3A_2, %add3A_818 : i32
    %jit3A_820 = arith.constant 32 : i32
    %div3A_821 = arith.divsi %add3A_819, %jit3A_820 : i32
    %sign3A_822 = arith.constant 0 : i32
    %sign3A_823 = arith.cmpi sgt, %add3A_819, %sign3A_822 : i32
    %sign3A_824 = arith.extui %sign3A_823 : i1 to i32
    %sign3A_825 = arith.constant 0 : i32
    %sign3A_826 = arith.cmpi slt, %add3A_819, %sign3A_825 : i32
    %sign3A_827 = arith.extui %sign3A_826 : i1 to i32
    %sign3A_828 = arith.subi %sign3A_824, %sign3A_827 : i32
    %sign3A_829 = arith.constant 0 : i32
    %sign3A_830 = arith.cmpi sgt, %jit3A_820, %sign3A_829 : i32
    %sign3A_831 = arith.extui %sign3A_830 : i1 to i32
    %sign3A_832 = arith.constant 0 : i32
    %sign3A_833 = arith.cmpi slt, %jit3A_820, %sign3A_832 : i32
    %sign3A_834 = arith.extui %sign3A_833 : i1 to i32
    %sign3A_835 = arith.subi %sign3A_831, %sign3A_834 : i32
    %ne3A_836 = arith.cmpi ne, %sign3A_828, %sign3A_835 : i32
    %rem3A_837 = arith.remsi %add3A_819, %jit3A_820 : i32
    %ne3A_838 = arith.constant 0 : i32
    %ne3A_839 = arith.cmpi ne, %rem3A_837, %ne3A_838 : i32
    %and3A_840 = arith.andi %ne3A_836, %ne3A_839 : i1
    %sub3A_841 = arith.constant 1 : i32
    %sub3A_842 = arith.subi %div3A_821, %sub3A_841 : i32
    %select_n3A_843 = arith.select %and3A_840, %sub3A_842, %div3A_821 : i32
    %jit3A_844 = arith.constant 32 : i32
    %eq3A_845 = arith.constant 0 : i32
    %eq3A_846 = arith.cmpi eq, %jit3A_844, %eq3A_845 : i32
    %jit3A_847 = arith.constant 1 : i32
    %select_n3A_848 = arith.select %eq3A_846, %jit3A_847, %jit3A_844 : i32
    %rem3A_849 = arith.remsi %add3A_819, %select_n3A_848 : i32
    %ne3A_850 = arith.constant 0 : i32
    %ne3A_851 = arith.cmpi ne, %rem3A_849, %ne3A_850 : i32
    %lt3A_852 = arith.constant 0 : i32
    %lt3A_853 = arith.cmpi slt, %rem3A_849, %lt3A_852 : i32
    %lt3A_854 = arith.constant 0 : i32
    %lt3A_855 = arith.cmpi slt, %select_n3A_848, %lt3A_854 : i32
    %ne3A_856 = arith.xori %lt3A_853, %lt3A_855 : i1
    %and3A_857 = arith.andi %ne3A_856, %ne3A_851 : i1
    %add3A_858 = arith.addi %rem3A_849, %select_n3A_848 : i32
    %select_n3A_859 = arith.select %and3A_857, %add3A_858, %rem3A_849 : i32
    %mul3A_860 = arith.constant 128 : i32
    %mul3A_861 = arith.muli %select_n3A_859, %mul3A_860 : i32
    %sub3A_862 = arith.subi %select_n3A_843, %min3A_19 : i32
    %dma_start3A_863 = tpu.memref_slice %arg5[%sub3A_862, %mul3A_861] : memref<2x4096xi32, #tpu.memory_space<vmem>> -> memref<1x128xi32, #tpu.memory_space<vmem>>
    %dma_start3A_864 = tpu.memref_squeeze %dma_start3A_863 : memref<1x128xi32, #tpu.memory_space<vmem>> -> memref<128xi32, #tpu.memory_space<vmem>>
    %dma_start3A_865 = arith.constant 0 : i32
    %dma_start3A_866 = arith.constant 0 : i32
    %dma_start3A_867 = tpu.memref_slice %arg3[%dma_start3A_865, %dma_start3A_866] : memref<100000x128xf32, #tpu.memory_space<hbm>> -> memref<100000x128xf32, #tpu.memory_space<hbm>>
    tpu.enqueue_indirect_dma source(%dma_start3A_867 : memref<100000x128xf32, #tpu.memory_space<hbm>>) target(%arg9 : memref<128x128xf32, #tpu.memory_space<vmem>>) offsets(%dma_start3A_864 : memref<128xi32, #tpu.memory_space<vmem>>) semaphore(%arg16 : memref<!tpu.dma_semaphore, #tpu.memory_space<semaphore_mem>>)
    %dma_wait3A_868 = tpu.memref_slice %arg5[%sub3A_314, %mul3A_313] : memref<2x4096xi32, #tpu.memory_space<vmem>> -> memref<1x128xi32, #tpu.memory_space<vmem>>
    %dma_wait3A_869 = tpu.memref_squeeze %dma_wait3A_868 : memref<1x128xi32, #tpu.memory_space<vmem>> -> memref<128xi32, #tpu.memory_space<vmem>>
    %dma_wait3A_870 = arith.constant 0 : i32
    %dma_wait3A_871 = arith.constant 0 : i32
    %dma_wait3A_872 = tpu.memref_slice %arg3[%dma_wait3A_870, %dma_wait3A_871] : memref<100000x128xf32, #tpu.memory_space<hbm>> -> memref<100000x128xf32, #tpu.memory_space<hbm>>
    tpu.wait_indirect_dma semaphore(%arg18 : memref<!tpu.dma_semaphore, #tpu.memory_space<semaphore_mem>>) src(%dma_wait3A_872 : memref<100000x128xf32, #tpu.memory_space<hbm>>) dst(%arg11 : memref<128x128xf32, #tpu.memory_space<vmem>>)
    %add3A_873 = arith.constant 5 : i32
    %add3A_874 = arith.addi %mul3A_2, %add3A_873 : i32
    %jit3A_875 = arith.constant 32 : i32
    %div3A_876 = arith.divsi %add3A_874, %jit3A_875 : i32
    %sign3A_877 = arith.constant 0 : i32
    %sign3A_878 = arith.cmpi sgt, %add3A_874, %sign3A_877 : i32
    %sign3A_879 = arith.extui %sign3A_878 : i1 to i32
    %sign3A_880 = arith.constant 0 : i32
    %sign3A_881 = arith.cmpi slt, %add3A_874, %sign3A_880 : i32
    %sign3A_882 = arith.extui %sign3A_881 : i1 to i32
    %sign3A_883 = arith.subi %sign3A_879, %sign3A_882 : i32
    %sign3A_884 = arith.constant 0 : i32
    %sign3A_885 = arith.cmpi sgt, %jit3A_875, %sign3A_884 : i32
    %sign3A_886 = arith.extui %sign3A_885 : i1 to i32
    %sign3A_887 = arith.constant 0 : i32
    %sign3A_888 = arith.cmpi slt, %jit3A_875, %sign3A_887 : i32
    %sign3A_889 = arith.extui %sign3A_888 : i1 to i32
    %sign3A_890 = arith.subi %sign3A_886, %sign3A_889 : i32
    %ne3A_891 = arith.cmpi ne, %sign3A_883, %sign3A_890 : i32
    %rem3A_892 = arith.remsi %add3A_874, %jit3A_875 : i32
    %ne3A_893 = arith.constant 0 : i32
    %ne3A_894 = arith.cmpi ne, %rem3A_892, %ne3A_893 : i32
    %and3A_895 = arith.andi %ne3A_891, %ne3A_894 : i1
    %sub3A_896 = arith.constant 1 : i32
    %sub3A_897 = arith.subi %div3A_876, %sub3A_896 : i32
    %select_n3A_898 = arith.select %and3A_895, %sub3A_897, %div3A_876 : i32
    %jit3A_899 = arith.constant 32 : i32
    %eq3A_900 = arith.constant 0 : i32
    %eq3A_901 = arith.cmpi eq, %jit3A_899, %eq3A_900 : i32
    %jit3A_902 = arith.constant 1 : i32
    %select_n3A_903 = arith.select %eq3A_901, %jit3A_902, %jit3A_899 : i32
    %rem3A_904 = arith.remsi %add3A_874, %select_n3A_903 : i32
    %ne3A_905 = arith.constant 0 : i32
    %ne3A_906 = arith.cmpi ne, %rem3A_904, %ne3A_905 : i32
    %lt3A_907 = arith.constant 0 : i32
    %lt3A_908 = arith.cmpi slt, %rem3A_904, %lt3A_907 : i32
    %lt3A_909 = arith.constant 0 : i32
    %lt3A_910 = arith.cmpi slt, %select_n3A_903, %lt3A_909 : i32
    %ne3A_911 = arith.xori %lt3A_908, %lt3A_910 : i1
    %and3A_912 = arith.andi %ne3A_911, %ne3A_906 : i1
    %add3A_913 = arith.addi %rem3A_904, %select_n3A_903 : i32
    %select_n3A_914 = arith.select %and3A_912, %add3A_913, %rem3A_904 : i32
    %mul3A_915 = arith.constant 128 : i32
    %mul3A_916 = arith.muli %select_n3A_914, %mul3A_915 : i32
    %dma_start3A_917 = arith.constant 0 : i32
    %dma_start3A_918 = tpu.memref_slice %arg4[%select_n3A_898, %mul3A_916, %dma_start3A_917] : memref<26x4096x128xf32, #tpu.memory_space<hbm>> -> memref<1x128x128xf32, #tpu.memory_space<hbm>>
    %dma_start3A_919 = tpu.memref_squeeze %dma_start3A_918 : memref<1x128x128xf32, #tpu.memory_space<hbm>> -> memref<128x128xf32, #tpu.memory_space<hbm>>
    %dma_start3A_920 = arith.constant 0 : i32
    %dma_start3A_921 = tpu.memref_slice %arg4[%select_n3A_898, %mul3A_916, %dma_start3A_920] : memref<26x4096x128xf32, #tpu.memory_space<hbm>> -> memref<1x128x128xf32, #tpu.memory_space<hbm>>
    %dma_start3A_922 = tpu.memref_squeeze %dma_start3A_921 : memref<1x128x128xf32, #tpu.memory_space<hbm>> -> memref<128x128xf32, #tpu.memory_space<hbm>>
    tpu.enqueue_dma source(%arg11 : memref<128x128xf32, #tpu.memory_space<vmem>>) target(%dma_start3A_922 : memref<128x128xf32, #tpu.memory_space<hbm>>) target_semaphore(%arg25 : memref<!tpu.dma_semaphore, #tpu.memory_space<semaphore_mem>>)
    %dma_wait3A_923 = arith.constant 0 : i32
    %dma_wait3A_924 = tpu.memref_slice %arg4[%select_n3A_787, %mul3A_805, %dma_wait3A_923] : memref<26x4096x128xf32, #tpu.memory_space<hbm>> -> memref<1x128x128xf32, #tpu.memory_space<hbm>>
    %dma_wait3A_925 = tpu.memref_squeeze %dma_wait3A_924 : memref<1x128x128xf32, #tpu.memory_space<hbm>> -> memref<128x128xf32, #tpu.memory_space<hbm>>
    %dma_wait3A_926 = arith.constant 0 : i32
    %dma_wait3A_927 = tpu.memref_slice %arg4[%select_n3A_787, %mul3A_805, %dma_wait3A_926] : memref<26x4096x128xf32, #tpu.memory_space<hbm>> -> memref<1x128x128xf32, #tpu.memory_space<hbm>>
    %dma_wait3A_928 = tpu.memref_squeeze %dma_wait3A_927 : memref<1x128x128xf32, #tpu.memory_space<hbm>> -> memref<128x128xf32, #tpu.memory_space<hbm>>
    tpu.wait_dma2 semaphore(%arg24 : memref<!tpu.dma_semaphore, #tpu.memory_space<semaphore_mem>>) src(%arg10 : memref<128x128xf32, #tpu.memory_space<vmem>>) dst(%dma_wait3A_928 : memref<128x128xf32, #tpu.memory_space<hbm>>)
    %add3A_929 = arith.constant 11 : i32
    %add3A_930 = arith.addi %mul3A_2, %add3A_929 : i32
    %jit3A_931 = arith.constant 32 : i32
    %div3A_932 = arith.divsi %add3A_930, %jit3A_931 : i32
    %sign3A_933 = arith.constant 0 : i32
    %sign3A_934 = arith.cmpi sgt, %add3A_930, %sign3A_933 : i32
    %sign3A_935 = arith.extui %sign3A_934 : i1 to i32
    %sign3A_936 = arith.constant 0 : i32
    %sign3A_937 = arith.cmpi slt, %add3A_930, %sign3A_936 : i32
    %sign3A_938 = arith.extui %sign3A_937 : i1 to i32
    %sign3A_939 = arith.subi %sign3A_935, %sign3A_938 : i32
    %sign3A_940 = arith.constant 0 : i32
    %sign3A_941 = arith.cmpi sgt, %jit3A_931, %sign3A_940 : i32
    %sign3A_942 = arith.extui %sign3A_941 : i1 to i32
    %sign3A_943 = arith.constant 0 : i32
    %sign3A_944 = arith.cmpi slt, %jit3A_931, %sign3A_943 : i32
    %sign3A_945 = arith.extui %sign3A_944 : i1 to i32
    %sign3A_946 = arith.subi %sign3A_942, %sign3A_945 : i32
    %ne3A_947 = arith.cmpi ne, %sign3A_939, %sign3A_946 : i32
    %rem3A_948 = arith.remsi %add3A_930, %jit3A_931 : i32
    %ne3A_949 = arith.constant 0 : i32
    %ne3A_950 = arith.cmpi ne, %rem3A_948, %ne3A_949 : i32
    %and3A_951 = arith.andi %ne3A_947, %ne3A_950 : i1
    %sub3A_952 = arith.constant 1 : i32
    %sub3A_953 = arith.subi %div3A_932, %sub3A_952 : i32
    %select_n3A_954 = arith.select %and3A_951, %sub3A_953, %div3A_932 : i32
    %jit3A_955 = arith.constant 32 : i32
    %eq3A_956 = arith.constant 0 : i32
    %eq3A_957 = arith.cmpi eq, %jit3A_955, %eq3A_956 : i32
    %jit3A_958 = arith.constant 1 : i32
    %select_n3A_959 = arith.select %eq3A_957, %jit3A_958, %jit3A_955 : i32
    %rem3A_960 = arith.remsi %add3A_930, %select_n3A_959 : i32
    %ne3A_961 = arith.constant 0 : i32
    %ne3A_962 = arith.cmpi ne, %rem3A_960, %ne3A_961 : i32
    %lt3A_963 = arith.constant 0 : i32
    %lt3A_964 = arith.cmpi slt, %rem3A_960, %lt3A_963 : i32
    %lt3A_965 = arith.constant 0 : i32
    %lt3A_966 = arith.cmpi slt, %select_n3A_959, %lt3A_965 : i32
    %ne3A_967 = arith.xori %lt3A_964, %lt3A_966 : i1
    %and3A_968 = arith.andi %ne3A_967, %ne3A_962 : i1
    %add3A_969 = arith.addi %rem3A_960, %select_n3A_959 : i32
    %select_n3A_970 = arith.select %and3A_968, %add3A_969, %rem3A_960 : i32
    %mul3A_971 = arith.constant 128 : i32
    %mul3A_972 = arith.muli %select_n3A_970, %mul3A_971 : i32
    %sub3A_973 = arith.subi %select_n3A_954, %min3A_19 : i32
    %dma_start3A_974 = tpu.memref_slice %arg5[%sub3A_973, %mul3A_972] : memref<2x4096xi32, #tpu.memory_space<vmem>> -> memref<1x128xi32, #tpu.memory_space<vmem>>
    %dma_start3A_975 = tpu.memref_squeeze %dma_start3A_974 : memref<1x128xi32, #tpu.memory_space<vmem>> -> memref<128xi32, #tpu.memory_space<vmem>>
    %dma_start3A_976 = arith.constant 0 : i32
    %dma_start3A_977 = arith.constant 0 : i32
    %dma_start3A_978 = tpu.memref_slice %arg3[%dma_start3A_976, %dma_start3A_977] : memref<100000x128xf32, #tpu.memory_space<hbm>> -> memref<100000x128xf32, #tpu.memory_space<hbm>>
    tpu.enqueue_indirect_dma source(%dma_start3A_978 : memref<100000x128xf32, #tpu.memory_space<hbm>>) target(%arg10 : memref<128x128xf32, #tpu.memory_space<vmem>>) offsets(%dma_start3A_975 : memref<128xi32, #tpu.memory_space<vmem>>) semaphore(%arg17 : memref<!tpu.dma_semaphore, #tpu.memory_space<semaphore_mem>>)
    %dma_wait3A_979 = tpu.memref_slice %arg5[%sub3A_418, %mul3A_417] : memref<2x4096xi32, #tpu.memory_space<vmem>> -> memref<1x128xi32, #tpu.memory_space<vmem>>
    %dma_wait3A_980 = tpu.memref_squeeze %dma_wait3A_979 : memref<1x128xi32, #tpu.memory_space<vmem>> -> memref<128xi32, #tpu.memory_space<vmem>>
    %dma_wait3A_981 = arith.constant 0 : i32
    %dma_wait3A_982 = arith.constant 0 : i32
    %dma_wait3A_983 = tpu.memref_slice %arg3[%dma_wait3A_981, %dma_wait3A_982] : memref<100000x128xf32, #tpu.memory_space<hbm>> -> memref<100000x128xf32, #tpu.memory_space<hbm>>
    tpu.wait_indirect_dma semaphore(%arg19 : memref<!tpu.dma_semaphore, #tpu.memory_space<semaphore_mem>>) src(%dma_wait3A_983 : memref<100000x128xf32, #tpu.memory_space<hbm>>) dst(%arg12 : memref<128x128xf32, #tpu.memory_space<vmem>>)
    %add3A_984 = arith.constant 6 : i32
    %add3A_985 = arith.addi %mul3A_2, %add3A_984 : i32
    %jit3A_986 = arith.constant 32 : i32
    %div3A_987 = arith.divsi %add3A_985, %jit3A_986 : i32
    %sign3A_988 = arith.constant 0 : i32
    %sign3A_989 = arith.cmpi sgt, %add3A_985, %sign3A_988 : i32
    %sign3A_990 = arith.extui %sign3A_989 : i1 to i32
    %sign3A_991 = arith.constant 0 : i32
    %sign3A_992 = arith.cmpi slt, %add3A_985, %sign3A_991 : i32
    %sign3A_993 = arith.extui %sign3A_992 : i1 to i32
    %sign3A_994 = arith.subi %sign3A_990, %sign3A_993 : i32
    %sign3A_995 = arith.constant 0 : i32
    %sign3A_996 = arith.cmpi sgt, %jit3A_986, %sign3A_995 : i32
    %sign3A_997 = arith.extui %sign3A_996 : i1 to i32
    %sign3A_998 = arith.constant 0 : i32
    %sign3A_999 = arith.cmpi slt, %jit3A_986, %sign3A_998 : i32
    %sign3A_1000 = arith.extui %sign3A_999 : i1 to i32
    %sign3A_1001 = arith.subi %sign3A_997, %sign3A_1000 : i32
    %ne3A_1002 = arith.cmpi ne, %sign3A_994, %sign3A_1001 : i32
    %rem3A_1003 = arith.remsi %add3A_985, %jit3A_986 : i32
    %ne3A_1004 = arith.constant 0 : i32
    %ne3A_1005 = arith.cmpi ne, %rem3A_1003, %ne3A_1004 : i32
    %and3A_1006 = arith.andi %ne3A_1002, %ne3A_1005 : i1
    %sub3A_1007 = arith.constant 1 : i32
    %sub3A_1008 = arith.subi %div3A_987, %sub3A_1007 : i32
    %select_n3A_1009 = arith.select %and3A_1006, %sub3A_1008, %div3A_987 : i32
    %jit3A_1010 = arith.constant 32 : i32
    %eq3A_1011 = arith.constant 0 : i32
    %eq3A_1012 = arith.cmpi eq, %jit3A_1010, %eq3A_1011 : i32
    %jit3A_1013 = arith.constant 1 : i32
    %select_n3A_1014 = arith.select %eq3A_1012, %jit3A_1013, %jit3A_1010 : i32
    %rem3A_1015 = arith.remsi %add3A_985, %select_n3A_1014 : i32
    %ne3A_1016 = arith.constant 0 : i32
    %ne3A_1017 = arith.cmpi ne, %rem3A_1015, %ne3A_1016 : i32
    %lt3A_1018 = arith.constant 0 : i32
    %lt3A_1019 = arith.cmpi slt, %rem3A_1015, %lt3A_1018 : i32
    %lt3A_1020 = arith.constant 0 : i32
    %lt3A_1021 = arith.cmpi slt, %select_n3A_1014, %lt3A_1020 : i32
    %ne3A_1022 = arith.xori %lt3A_1019, %lt3A_1021 : i1
    %and3A_1023 = arith.andi %ne3A_1022, %ne3A_1017 : i1
    %add3A_1024 = arith.addi %rem3A_1015, %select_n3A_1014 : i32
    %select_n3A_1025 = arith.select %and3A_1023, %add3A_1024, %rem3A_1015 : i32
    %mul3A_1026 = arith.constant 128 : i32
    %mul3A_1027 = arith.muli %select_n3A_1025, %mul3A_1026 : i32
    %dma_start3A_1028 = arith.constant 0 : i32
    %dma_start3A_1029 = tpu.memref_slice %arg4[%select_n3A_1009, %mul3A_1027, %dma_start3A_1028] : memref<26x4096x128xf32, #tpu.memory_space<hbm>> -> memref<1x128x128xf32, #tpu.memory_space<hbm>>
    %dma_start3A_1030 = tpu.memref_squeeze %dma_start3A_1029 : memref<1x128x128xf32, #tpu.memory_space<hbm>> -> memref<128x128xf32, #tpu.memory_space<hbm>>
    %dma_start3A_1031 = arith.constant 0 : i32
    %dma_start3A_1032 = tpu.memref_slice %arg4[%select_n3A_1009, %mul3A_1027, %dma_start3A_1031] : memref<26x4096x128xf32, #tpu.memory_space<hbm>> -> memref<1x128x128xf32, #tpu.memory_space<hbm>>
    %dma_start3A_1033 = tpu.memref_squeeze %dma_start3A_1032 : memref<1x128x128xf32, #tpu.memory_space<hbm>> -> memref<128x128xf32, #tpu.memory_space<hbm>>
    tpu.enqueue_dma source(%arg12 : memref<128x128xf32, #tpu.memory_space<vmem>>) target(%dma_start3A_1033 : memref<128x128xf32, #tpu.memory_space<hbm>>) target_semaphore(%arg26 : memref<!tpu.dma_semaphore, #tpu.memory_space<semaphore_mem>>)
    %dma_wait3A_1034 = arith.constant 0 : i32
    %dma_wait3A_1035 = tpu.memref_slice %arg4[%select_n3A_898, %mul3A_916, %dma_wait3A_1034] : memref<26x4096x128xf32, #tpu.memory_space<hbm>> -> memref<1x128x128xf32, #tpu.memory_space<hbm>>
    %dma_wait3A_1036 = tpu.memref_squeeze %dma_wait3A_1035 : memref<1x128x128xf32, #tpu.memory_space<hbm>> -> memref<128x128xf32, #tpu.memory_space<hbm>>
    %dma_wait3A_1037 = arith.constant 0 : i32
    %dma_wait3A_1038 = tpu.memref_slice %arg4[%select_n3A_898, %mul3A_916, %dma_wait3A_1037] : memref<26x4096x128xf32, #tpu.memory_space<hbm>> -> memref<1x128x128xf32, #tpu.memory_space<hbm>>
    %dma_wait3A_1039 = tpu.memref_squeeze %dma_wait3A_1038 : memref<1x128x128xf32, #tpu.memory_space<hbm>> -> memref<128x128xf32, #tpu.memory_space<hbm>>
    tpu.wait_dma2 semaphore(%arg25 : memref<!tpu.dma_semaphore, #tpu.memory_space<semaphore_mem>>) src(%arg11 : memref<128x128xf32, #tpu.memory_space<vmem>>) dst(%dma_wait3A_1039 : memref<128x128xf32, #tpu.memory_space<hbm>>)
    %add3A_1040 = arith.constant 12 : i32
    %add3A_1041 = arith.addi %mul3A_2, %add3A_1040 : i32
    %jit3A_1042 = arith.constant 32 : i32
    %div3A_1043 = arith.divsi %add3A_1041, %jit3A_1042 : i32
    %sign3A_1044 = arith.constant 0 : i32
    %sign3A_1045 = arith.cmpi sgt, %add3A_1041, %sign3A_1044 : i32
    %sign3A_1046 = arith.extui %sign3A_1045 : i1 to i32
    %sign3A_1047 = arith.constant 0 : i32
    %sign3A_1048 = arith.cmpi slt, %add3A_1041, %sign3A_1047 : i32
    %sign3A_1049 = arith.extui %sign3A_1048 : i1 to i32
    %sign3A_1050 = arith.subi %sign3A_1046, %sign3A_1049 : i32
    %sign3A_1051 = arith.constant 0 : i32
    %sign3A_1052 = arith.cmpi sgt, %jit3A_1042, %sign3A_1051 : i32
    %sign3A_1053 = arith.extui %sign3A_1052 : i1 to i32
    %sign3A_1054 = arith.constant 0 : i32
    %sign3A_1055 = arith.cmpi slt, %jit3A_1042, %sign3A_1054 : i32
    %sign3A_1056 = arith.extui %sign3A_1055 : i1 to i32
    %sign3A_1057 = arith.subi %sign3A_1053, %sign3A_1056 : i32
    %ne3A_1058 = arith.cmpi ne, %sign3A_1050, %sign3A_1057 : i32
    %rem3A_1059 = arith.remsi %add3A_1041, %jit3A_1042 : i32
    %ne3A_1060 = arith.constant 0 : i32
    %ne3A_1061 = arith.cmpi ne, %rem3A_1059, %ne3A_1060 : i32
    %and3A_1062 = arith.andi %ne3A_1058, %ne3A_1061 : i1
    %sub3A_1063 = arith.constant 1 : i32
    %sub3A_1064 = arith.subi %div3A_1043, %sub3A_1063 : i32
    %select_n3A_1065 = arith.select %and3A_1062, %sub3A_1064, %div3A_1043 : i32
    %jit3A_1066 = arith.constant 32 : i32
    %eq3A_1067 = arith.constant 0 : i32
    %eq3A_1068 = arith.cmpi eq, %jit3A_1066, %eq3A_1067 : i32
    %jit3A_1069 = arith.constant 1 : i32
    %select_n3A_1070 = arith.select %eq3A_1068, %jit3A_1069, %jit3A_1066 : i32
    %rem3A_1071 = arith.remsi %add3A_1041, %select_n3A_1070 : i32
    %ne3A_1072 = arith.constant 0 : i32
    %ne3A_1073 = arith.cmpi ne, %rem3A_1071, %ne3A_1072 : i32
    %lt3A_1074 = arith.constant 0 : i32
    %lt3A_1075 = arith.cmpi slt, %rem3A_1071, %lt3A_1074 : i32
    %lt3A_1076 = arith.constant 0 : i32
    %lt3A_1077 = arith.cmpi slt, %select_n3A_1070, %lt3A_1076 : i32
    %ne3A_1078 = arith.xori %lt3A_1075, %lt3A_1077 : i1
    %and3A_1079 = arith.andi %ne3A_1078, %ne3A_1073 : i1
    %add3A_1080 = arith.addi %rem3A_1071, %select_n3A_1070 : i32
    %select_n3A_1081 = arith.select %and3A_1079, %add3A_1080, %rem3A_1071 : i32
    %mul3A_1082 = arith.constant 128 : i32
    %mul3A_1083 = arith.muli %select_n3A_1081, %mul3A_1082 : i32
    %sub3A_1084 = arith.subi %select_n3A_1065, %min3A_19 : i32
    %dma_start3A_1085 = tpu.memref_slice %arg5[%sub3A_1084, %mul3A_1083] : memref<2x4096xi32, #tpu.memory_space<vmem>> -> memref<1x128xi32, #tpu.memory_space<vmem>>
    %dma_start3A_1086 = tpu.memref_squeeze %dma_start3A_1085 : memref<1x128xi32, #tpu.memory_space<vmem>> -> memref<128xi32, #tpu.memory_space<vmem>>
    %dma_start3A_1087 = arith.constant 0 : i32
    %dma_start3A_1088 = arith.constant 0 : i32
    %dma_start3A_1089 = tpu.memref_slice %arg3[%dma_start3A_1087, %dma_start3A_1088] : memref<100000x128xf32, #tpu.memory_space<hbm>> -> memref<100000x128xf32, #tpu.memory_space<hbm>>
    tpu.enqueue_indirect_dma source(%dma_start3A_1089 : memref<100000x128xf32, #tpu.memory_space<hbm>>) target(%arg11 : memref<128x128xf32, #tpu.memory_space<vmem>>) offsets(%dma_start3A_1086 : memref<128xi32, #tpu.memory_space<vmem>>) semaphore(%arg18 : memref<!tpu.dma_semaphore, #tpu.memory_space<semaphore_mem>>)
    %dma_wait3A_1090 = tpu.memref_slice %arg5[%sub3A_529, %mul3A_528] : memref<2x4096xi32, #tpu.memory_space<vmem>> -> memref<1x128xi32, #tpu.memory_space<vmem>>
    %dma_wait3A_1091 = tpu.memref_squeeze %dma_wait3A_1090 : memref<1x128xi32, #tpu.memory_space<vmem>> -> memref<128xi32, #tpu.memory_space<vmem>>
    %dma_wait3A_1092 = arith.constant 0 : i32
    %dma_wait3A_1093 = arith.constant 0 : i32
    %dma_wait3A_1094 = tpu.memref_slice %arg3[%dma_wait3A_1092, %dma_wait3A_1093] : memref<100000x128xf32, #tpu.memory_space<hbm>> -> memref<100000x128xf32, #tpu.memory_space<hbm>>
    tpu.wait_indirect_dma semaphore(%arg13 : memref<!tpu.dma_semaphore, #tpu.memory_space<semaphore_mem>>) src(%dma_wait3A_1094 : memref<100000x128xf32, #tpu.memory_space<hbm>>) dst(%arg6 : memref<128x128xf32, #tpu.memory_space<vmem>>)
    %add3A_1095 = arith.constant 7 : i32
    %add3A_1096 = arith.addi %mul3A_2, %add3A_1095 : i32
    %jit3A_1097 = arith.constant 32 : i32
    %div3A_1098 = arith.divsi %add3A_1096, %jit3A_1097 : i32
    %sign3A_1099 = arith.constant 0 : i32
    %sign3A_1100 = arith.cmpi sgt, %add3A_1096, %sign3A_1099 : i32
    %sign3A_1101 = arith.extui %sign3A_1100 : i1 to i32
    %sign3A_1102 = arith.constant 0 : i32
    %sign3A_1103 = arith.cmpi slt, %add3A_1096, %sign3A_1102 : i32
    %sign3A_1104 = arith.extui %sign3A_1103 : i1 to i32
    %sign3A_1105 = arith.subi %sign3A_1101, %sign3A_1104 : i32
    %sign3A_1106 = arith.constant 0 : i32
    %sign3A_1107 = arith.cmpi sgt, %jit3A_1097, %sign3A_1106 : i32
    %sign3A_1108 = arith.extui %sign3A_1107 : i1 to i32
    %sign3A_1109 = arith.constant 0 : i32
    %sign3A_1110 = arith.cmpi slt, %jit3A_1097, %sign3A_1109 : i32
    %sign3A_1111 = arith.extui %sign3A_1110 : i1 to i32
    %sign3A_1112 = arith.subi %sign3A_1108, %sign3A_1111 : i32
    %ne3A_1113 = arith.cmpi ne, %sign3A_1105, %sign3A_1112 : i32
    %rem3A_1114 = arith.remsi %add3A_1096, %jit3A_1097 : i32
    %ne3A_1115 = arith.constant 0 : i32
    %ne3A_1116 = arith.cmpi ne, %rem3A_1114, %ne3A_1115 : i32
    %and3A_1117 = arith.andi %ne3A_1113, %ne3A_1116 : i1
    %sub3A_1118 = arith.constant 1 : i32
    %sub3A_1119 = arith.subi %div3A_1098, %sub3A_1118 : i32
    %select_n3A_1120 = arith.select %and3A_1117, %sub3A_1119, %div3A_1098 : i32
    %jit3A_1121 = arith.constant 32 : i32
    %eq3A_1122 = arith.constant 0 : i32
    %eq3A_1123 = arith.cmpi eq, %jit3A_1121, %eq3A_1122 : i32
    %jit3A_1124 = arith.constant 1 : i32
    %select_n3A_1125 = arith.select %eq3A_1123, %jit3A_1124, %jit3A_1121 : i32
    %rem3A_1126 = arith.remsi %add3A_1096, %select_n3A_1125 : i32
    %ne3A_1127 = arith.constant 0 : i32
    %ne3A_1128 = arith.cmpi ne, %rem3A_1126, %ne3A_1127 : i32
    %lt3A_1129 = arith.constant 0 : i32
    %lt3A_1130 = arith.cmpi slt, %rem3A_1126, %lt3A_1129 : i32
    %lt3A_1131 = arith.constant 0 : i32
    %lt3A_1132 = arith.cmpi slt, %select_n3A_1125, %lt3A_1131 : i32
    %ne3A_1133 = arith.xori %lt3A_1130, %lt3A_1132 : i1
    %and3A_1134 = arith.andi %ne3A_1133, %ne3A_1128 : i1
    %add3A_1135 = arith.addi %rem3A_1126, %select_n3A_1125 : i32
    %select_n3A_1136 = arith.select %and3A_1134, %add3A_1135, %rem3A_1126 : i32
    %mul3A_1137 = arith.constant 128 : i32
    %mul3A_1138 = arith.muli %select_n3A_1136, %mul3A_1137 : i32
    %dma_start3A_1139 = arith.constant 0 : i32
    %dma_start3A_1140 = tpu.memref_slice %arg4[%select_n3A_1120, %mul3A_1138, %dma_start3A_1139] : memref<26x4096x128xf32, #tpu.memory_space<hbm>> -> memref<1x128x128xf32, #tpu.memory_space<hbm>>
    %dma_start3A_1141 = tpu.memref_squeeze %dma_start3A_1140 : memref<1x128x128xf32, #tpu.memory_space<hbm>> -> memref<128x128xf32, #tpu.memory_space<hbm>>
    %dma_start3A_1142 = arith.constant 0 : i32
    %dma_start3A_1143 = tpu.memref_slice %arg4[%select_n3A_1120, %mul3A_1138, %dma_start3A_1142] : memref<26x4096x128xf32, #tpu.memory_space<hbm>> -> memref<1x128x128xf32, #tpu.memory_space<hbm>>
    %dma_start3A_1144 = tpu.memref_squeeze %dma_start3A_1143 : memref<1x128x128xf32, #tpu.memory_space<hbm>> -> memref<128x128xf32, #tpu.memory_space<hbm>>
    tpu.enqueue_dma source(%arg6 : memref<128x128xf32, #tpu.memory_space<vmem>>) target(%dma_start3A_1144 : memref<128x128xf32, #tpu.memory_space<hbm>>) target_semaphore(%arg20 : memref<!tpu.dma_semaphore, #tpu.memory_space<semaphore_mem>>)
    %dma_wait3A_1145 = arith.constant 0 : i32
    %dma_wait3A_1146 = tpu.memref_slice %arg4[%select_n3A_1009, %mul3A_1027, %dma_wait3A_1145] : memref<26x4096x128xf32, #tpu.memory_space<hbm>> -> memref<1x128x128xf32, #tpu.memory_space<hbm>>
    %dma_wait3A_1147 = tpu.memref_squeeze %dma_wait3A_1146 : memref<1x128x128xf32, #tpu.memory_space<hbm>> -> memref<128x128xf32, #tpu.memory_space<hbm>>
    %dma_wait3A_1148 = arith.constant 0 : i32
    %dma_wait3A_1149 = tpu.memref_slice %arg4[%select_n3A_1009, %mul3A_1027, %dma_wait3A_1148] : memref<26x4096x128xf32, #tpu.memory_space<hbm>> -> memref<1x128x128xf32, #tpu.memory_space<hbm>>
    %dma_wait3A_1150 = tpu.memref_squeeze %dma_wait3A_1149 : memref<1x128x128xf32, #tpu.memory_space<hbm>> -> memref<128x128xf32, #tpu.memory_space<hbm>>
    tpu.wait_dma2 semaphore(%arg26 : memref<!tpu.dma_semaphore, #tpu.memory_space<semaphore_mem>>) src(%arg12 : memref<128x128xf32, #tpu.memory_space<vmem>>) dst(%dma_wait3A_1150 : memref<128x128xf32, #tpu.memory_space<hbm>>)
    %add3A_1151 = arith.constant 13 : i32
    %add3A_1152 = arith.addi %mul3A_2, %add3A_1151 : i32
    %jit3A_1153 = arith.constant 32 : i32
    %div3A_1154 = arith.divsi %add3A_1152, %jit3A_1153 : i32
    %sign3A_1155 = arith.constant 0 : i32
    %sign3A_1156 = arith.cmpi sgt, %add3A_1152, %sign3A_1155 : i32
    %sign3A_1157 = arith.extui %sign3A_1156 : i1 to i32
    %sign3A_1158 = arith.constant 0 : i32
    %sign3A_1159 = arith.cmpi slt, %add3A_1152, %sign3A_1158 : i32
    %sign3A_1160 = arith.extui %sign3A_1159 : i1 to i32
    %sign3A_1161 = arith.subi %sign3A_1157, %sign3A_1160 : i32
    %sign3A_1162 = arith.constant 0 : i32
    %sign3A_1163 = arith.cmpi sgt, %jit3A_1153, %sign3A_1162 : i32
    %sign3A_1164 = arith.extui %sign3A_1163 : i1 to i32
    %sign3A_1165 = arith.constant 0 : i32
    %sign3A_1166 = arith.cmpi slt, %jit3A_1153, %sign3A_1165 : i32
    %sign3A_1167 = arith.extui %sign3A_1166 : i1 to i32
    %sign3A_1168 = arith.subi %sign3A_1164, %sign3A_1167 : i32
    %ne3A_1169 = arith.cmpi ne, %sign3A_1161, %sign3A_1168 : i32
    %rem3A_1170 = arith.remsi %add3A_1152, %jit3A_1153 : i32
    %ne3A_1171 = arith.constant 0 : i32
    %ne3A_1172 = arith.cmpi ne, %rem3A_1170, %ne3A_1171 : i32
    %and3A_1173 = arith.andi %ne3A_1169, %ne3A_1172 : i1
    %sub3A_1174 = arith.constant 1 : i32
    %sub3A_1175 = arith.subi %div3A_1154, %sub3A_1174 : i32
    %select_n3A_1176 = arith.select %and3A_1173, %sub3A_1175, %div3A_1154 : i32
    %jit3A_1177 = arith.constant 32 : i32
    %eq3A_1178 = arith.constant 0 : i32
    %eq3A_1179 = arith.cmpi eq, %jit3A_1177, %eq3A_1178 : i32
    %jit3A_1180 = arith.constant 1 : i32
    %select_n3A_1181 = arith.select %eq3A_1179, %jit3A_1180, %jit3A_1177 : i32
    %rem3A_1182 = arith.remsi %add3A_1152, %select_n3A_1181 : i32
    %ne3A_1183 = arith.constant 0 : i32
    %ne3A_1184 = arith.cmpi ne, %rem3A_1182, %ne3A_1183 : i32
    %lt3A_1185 = arith.constant 0 : i32
    %lt3A_1186 = arith.cmpi slt, %rem3A_1182, %lt3A_1185 : i32
    %lt3A_1187 = arith.constant 0 : i32
    %lt3A_1188 = arith.cmpi slt, %select_n3A_1181, %lt3A_1187 : i32
    %ne3A_1189 = arith.xori %lt3A_1186, %lt3A_1188 : i1
    %and3A_1190 = arith.andi %ne3A_1189, %ne3A_1184 : i1
    %add3A_1191 = arith.addi %rem3A_1182, %select_n3A_1181 : i32
    %select_n3A_1192 = arith.select %and3A_1190, %add3A_1191, %rem3A_1182 : i32
    %mul3A_1193 = arith.constant 128 : i32
    %mul3A_1194 = arith.muli %select_n3A_1192, %mul3A_1193 : i32
    %sub3A_1195 = arith.subi %select_n3A_1176, %min3A_19 : i32
    %dma_start3A_1196 = tpu.memref_slice %arg5[%sub3A_1195, %mul3A_1194] : memref<2x4096xi32, #tpu.memory_space<vmem>> -> memref<1x128xi32, #tpu.memory_space<vmem>>
    %dma_start3A_1197 = tpu.memref_squeeze %dma_start3A_1196 : memref<1x128xi32, #tpu.memory_space<vmem>> -> memref<128xi32, #tpu.memory_space<vmem>>
    %dma_start3A_1198 = arith.constant 0 : i32
    %dma_start3A_1199 = arith.constant 0 : i32
    %dma_start3A_1200 = tpu.memref_slice %arg3[%dma_start3A_1198, %dma_start3A_1199] : memref<100000x128xf32, #tpu.memory_space<hbm>> -> memref<100000x128xf32, #tpu.memory_space<hbm>>
    tpu.enqueue_indirect_dma source(%dma_start3A_1200 : memref<100000x128xf32, #tpu.memory_space<hbm>>) target(%arg12 : memref<128x128xf32, #tpu.memory_space<vmem>>) offsets(%dma_start3A_1197 : memref<128xi32, #tpu.memory_space<vmem>>) semaphore(%arg19 : memref<!tpu.dma_semaphore, #tpu.memory_space<semaphore_mem>>)
    %dma_wait3A_1201 = tpu.memref_slice %arg5[%sub3A_640, %mul3A_639] : memref<2x4096xi32, #tpu.memory_space<vmem>> -> memref<1x128xi32, #tpu.memory_space<vmem>>
    %dma_wait3A_1202 = tpu.memref_squeeze %dma_wait3A_1201 : memref<1x128xi32, #tpu.memory_space<vmem>> -> memref<128xi32, #tpu.memory_space<vmem>>
    %dma_wait3A_1203 = arith.constant 0 : i32
    %dma_wait3A_1204 = arith.constant 0 : i32
    %dma_wait3A_1205 = tpu.memref_slice %arg3[%dma_wait3A_1203, %dma_wait3A_1204] : memref<100000x128xf32, #tpu.memory_space<hbm>> -> memref<100000x128xf32, #tpu.memory_space<hbm>>
    tpu.wait_indirect_dma semaphore(%arg14 : memref<!tpu.dma_semaphore, #tpu.memory_space<semaphore_mem>>) src(%dma_wait3A_1205 : memref<100000x128xf32, #tpu.memory_space<hbm>>) dst(%arg7 : memref<128x128xf32, #tpu.memory_space<vmem>>)
    %add3A_1206 = arith.constant 8 : i32
    %add3A_1207 = arith.addi %mul3A_2, %add3A_1206 : i32
    %jit3A_1208 = arith.constant 32 : i32
    %div3A_1209 = arith.divsi %add3A_1207, %jit3A_1208 : i32
    %sign3A_1210 = arith.constant 0 : i32
    %sign3A_1211 = arith.cmpi sgt, %add3A_1207, %sign3A_1210 : i32
    %sign3A_1212 = arith.extui %sign3A_1211 : i1 to i32
    %sign3A_1213 = arith.constant 0 : i32
    %sign3A_1214 = arith.cmpi slt, %add3A_1207, %sign3A_1213 : i32
    %sign3A_1215 = arith.extui %sign3A_1214 : i1 to i32
    %sign3A_1216 = arith.subi %sign3A_1212, %sign3A_1215 : i32
    %sign3A_1217 = arith.constant 0 : i32
    %sign3A_1218 = arith.cmpi sgt, %jit3A_1208, %sign3A_1217 : i32
    %sign3A_1219 = arith.extui %sign3A_1218 : i1 to i32
    %sign3A_1220 = arith.constant 0 : i32
    %sign3A_1221 = arith.cmpi slt, %jit3A_1208, %sign3A_1220 : i32
    %sign3A_1222 = arith.extui %sign3A_1221 : i1 to i32
    %sign3A_1223 = arith.subi %sign3A_1219, %sign3A_1222 : i32
    %ne3A_1224 = arith.cmpi ne, %sign3A_1216, %sign3A_1223 : i32
    %rem3A_1225 = arith.remsi %add3A_1207, %jit3A_1208 : i32
    %ne3A_1226 = arith.constant 0 : i32
    %ne3A_1227 = arith.cmpi ne, %rem3A_1225, %ne3A_1226 : i32
    %and3A_1228 = arith.andi %ne3A_1224, %ne3A_1227 : i1
    %sub3A_1229 = arith.constant 1 : i32
    %sub3A_1230 = arith.subi %div3A_1209, %sub3A_1229 : i32
    %select_n3A_1231 = arith.select %and3A_1228, %sub3A_1230, %div3A_1209 : i32
    %jit3A_1232 = arith.constant 32 : i32
    %eq3A_1233 = arith.constant 0 : i32
    %eq3A_1234 = arith.cmpi eq, %jit3A_1232, %eq3A_1233 : i32
    %jit3A_1235 = arith.constant 1 : i32
    %select_n3A_1236 = arith.select %eq3A_1234, %jit3A_1235, %jit3A_1232 : i32
    %rem3A_1237 = arith.remsi %add3A_1207, %select_n3A_1236 : i32
    %ne3A_1238 = arith.constant 0 : i32
    %ne3A_1239 = arith.cmpi ne, %rem3A_1237, %ne3A_1238 : i32
    %lt3A_1240 = arith.constant 0 : i32
    %lt3A_1241 = arith.cmpi slt, %rem3A_1237, %lt3A_1240 : i32
    %lt3A_1242 = arith.constant 0 : i32
    %lt3A_1243 = arith.cmpi slt, %select_n3A_1236, %lt3A_1242 : i32
    %ne3A_1244 = arith.xori %lt3A_1241, %lt3A_1243 : i1
    %and3A_1245 = arith.andi %ne3A_1244, %ne3A_1239 : i1
    %add3A_1246 = arith.addi %rem3A_1237, %select_n3A_1236 : i32
    %select_n3A_1247 = arith.select %and3A_1245, %add3A_1246, %rem3A_1237 : i32
    %mul3A_1248 = arith.constant 128 : i32
    %mul3A_1249 = arith.muli %select_n3A_1247, %mul3A_1248 : i32
    %dma_start3A_1250 = arith.constant 0 : i32
    %dma_start3A_1251 = tpu.memref_slice %arg4[%select_n3A_1231, %mul3A_1249, %dma_start3A_1250] : memref<26x4096x128xf32, #tpu.memory_space<hbm>> -> memref<1x128x128xf32, #tpu.memory_space<hbm>>
    %dma_start3A_1252 = tpu.memref_squeeze %dma_start3A_1251 : memref<1x128x128xf32, #tpu.memory_space<hbm>> -> memref<128x128xf32, #tpu.memory_space<hbm>>
    %dma_start3A_1253 = arith.constant 0 : i32
    %dma_start3A_1254 = tpu.memref_slice %arg4[%select_n3A_1231, %mul3A_1249, %dma_start3A_1253] : memref<26x4096x128xf32, #tpu.memory_space<hbm>> -> memref<1x128x128xf32, #tpu.memory_space<hbm>>
    %dma_start3A_1255 = tpu.memref_squeeze %dma_start3A_1254 : memref<1x128x128xf32, #tpu.memory_space<hbm>> -> memref<128x128xf32, #tpu.memory_space<hbm>>
    tpu.enqueue_dma source(%arg7 : memref<128x128xf32, #tpu.memory_space<vmem>>) target(%dma_start3A_1255 : memref<128x128xf32, #tpu.memory_space<hbm>>) target_semaphore(%arg21 : memref<!tpu.dma_semaphore, #tpu.memory_space<semaphore_mem>>)
    %dma_wait3A_1256 = arith.constant 0 : i32
    %dma_wait3A_1257 = tpu.memref_slice %arg4[%select_n3A_1120, %mul3A_1138, %dma_wait3A_1256] : memref<26x4096x128xf32, #tpu.memory_space<hbm>> -> memref<1x128x128xf32, #tpu.memory_space<hbm>>
    %dma_wait3A_1258 = tpu.memref_squeeze %dma_wait3A_1257 : memref<1x128x128xf32, #tpu.memory_space<hbm>> -> memref<128x128xf32, #tpu.memory_space<hbm>>
    %dma_wait3A_1259 = arith.constant 0 : i32
    %dma_wait3A_1260 = tpu.memref_slice %arg4[%select_n3A_1120, %mul3A_1138, %dma_wait3A_1259] : memref<26x4096x128xf32, #tpu.memory_space<hbm>> -> memref<1x128x128xf32, #tpu.memory_space<hbm>>
    %dma_wait3A_1261 = tpu.memref_squeeze %dma_wait3A_1260 : memref<1x128x128xf32, #tpu.memory_space<hbm>> -> memref<128x128xf32, #tpu.memory_space<hbm>>
    tpu.wait_dma2 semaphore(%arg20 : memref<!tpu.dma_semaphore, #tpu.memory_space<semaphore_mem>>) src(%arg6 : memref<128x128xf32, #tpu.memory_space<vmem>>) dst(%dma_wait3A_1261 : memref<128x128xf32, #tpu.memory_space<hbm>>)
    %add3A_1262 = arith.constant 14 : i32
    %add3A_1263 = arith.addi %mul3A_2, %add3A_1262 : i32
    %jit3A_1264 = arith.constant 32 : i32
    %div3A_1265 = arith.divsi %add3A_1263, %jit3A_1264 : i32
    %sign3A_1266 = arith.constant 0 : i32
    %sign3A_1267 = arith.cmpi sgt, %add3A_1263, %sign3A_1266 : i32
    %sign3A_1268 = arith.extui %sign3A_1267 : i1 to i32
    %sign3A_1269 = arith.constant 0 : i32
    %sign3A_1270 = arith.cmpi slt, %add3A_1263, %sign3A_1269 : i32
    %sign3A_1271 = arith.extui %sign3A_1270 : i1 to i32
    %sign3A_1272 = arith.subi %sign3A_1268, %sign3A_1271 : i32
    %sign3A_1273 = arith.constant 0 : i32
    %sign3A_1274 = arith.cmpi sgt, %jit3A_1264, %sign3A_1273 : i32
    %sign3A_1275 = arith.extui %sign3A_1274 : i1 to i32
    %sign3A_1276 = arith.constant 0 : i32
    %sign3A_1277 = arith.cmpi slt, %jit3A_1264, %sign3A_1276 : i32
    %sign3A_1278 = arith.extui %sign3A_1277 : i1 to i32
    %sign3A_1279 = arith.subi %sign3A_1275, %sign3A_1278 : i32
    %ne3A_1280 = arith.cmpi ne, %sign3A_1272, %sign3A_1279 : i32
    %rem3A_1281 = arith.remsi %add3A_1263, %jit3A_1264 : i32
    %ne3A_1282 = arith.constant 0 : i32
    %ne3A_1283 = arith.cmpi ne, %rem3A_1281, %ne3A_1282 : i32
    %and3A_1284 = arith.andi %ne3A_1280, %ne3A_1283 : i1
    %sub3A_1285 = arith.constant 1 : i32
    %sub3A_1286 = arith.subi %div3A_1265, %sub3A_1285 : i32
    %select_n3A_1287 = arith.select %and3A_1284, %sub3A_1286, %div3A_1265 : i32
    %jit3A_1288 = arith.constant 32 : i32
    %eq3A_1289 = arith.constant 0 : i32
    %eq3A_1290 = arith.cmpi eq, %jit3A_1288, %eq3A_1289 : i32
    %jit3A_1291 = arith.constant 1 : i32
    %select_n3A_1292 = arith.select %eq3A_1290, %jit3A_1291, %jit3A_1288 : i32
    %rem3A_1293 = arith.remsi %add3A_1263, %select_n3A_1292 : i32
    %ne3A_1294 = arith.constant 0 : i32
    %ne3A_1295 = arith.cmpi ne, %rem3A_1293, %ne3A_1294 : i32
    %lt3A_1296 = arith.constant 0 : i32
    %lt3A_1297 = arith.cmpi slt, %rem3A_1293, %lt3A_1296 : i32
    %lt3A_1298 = arith.constant 0 : i32
    %lt3A_1299 = arith.cmpi slt, %select_n3A_1292, %lt3A_1298 : i32
    %ne3A_1300 = arith.xori %lt3A_1297, %lt3A_1299 : i1
    %and3A_1301 = arith.andi %ne3A_1300, %ne3A_1295 : i1
    %add3A_1302 = arith.addi %rem3A_1293, %select_n3A_1292 : i32
    %select_n3A_1303 = arith.select %and3A_1301, %add3A_1302, %rem3A_1293 : i32
    %mul3A_1304 = arith.constant 128 : i32
    %mul3A_1305 = arith.muli %select_n3A_1303, %mul3A_1304 : i32
    %sub3A_1306 = arith.subi %select_n3A_1287, %min3A_19 : i32
    %dma_start3A_1307 = tpu.memref_slice %arg5[%sub3A_1306, %mul3A_1305] : memref<2x4096xi32, #tpu.memory_space<vmem>> -> memref<1x128xi32, #tpu.memory_space<vmem>>
    %dma_start3A_1308 = tpu.memref_squeeze %dma_start3A_1307 : memref<1x128xi32, #tpu.memory_space<vmem>> -> memref<128xi32, #tpu.memory_space<vmem>>
    %dma_start3A_1309 = arith.constant 0 : i32
    %dma_start3A_1310 = arith.constant 0 : i32
    %dma_start3A_1311 = tpu.memref_slice %arg3[%dma_start3A_1309, %dma_start3A_1310] : memref<100000x128xf32, #tpu.memory_space<hbm>> -> memref<100000x128xf32, #tpu.memory_space<hbm>>
    tpu.enqueue_indirect_dma source(%dma_start3A_1311 : memref<100000x128xf32, #tpu.memory_space<hbm>>) target(%arg6 : memref<128x128xf32, #tpu.memory_space<vmem>>) offsets(%dma_start3A_1308 : memref<128xi32, #tpu.memory_space<vmem>>) semaphore(%arg13 : memref<!tpu.dma_semaphore, #tpu.memory_space<semaphore_mem>>)
    %dma_wait3A_1312 = tpu.memref_slice %arg5[%sub3A_751, %mul3A_750] : memref<2x4096xi32, #tpu.memory_space<vmem>> -> memref<1x128xi32, #tpu.memory_space<vmem>>
    %dma_wait3A_1313 = tpu.memref_squeeze %dma_wait3A_1312 : memref<1x128xi32, #tpu.memory_space<vmem>> -> memref<128xi32, #tpu.memory_space<vmem>>
    %dma_wait3A_1314 = arith.constant 0 : i32
    %dma_wait3A_1315 = arith.constant 0 : i32
    %dma_wait3A_1316 = tpu.memref_slice %arg3[%dma_wait3A_1314, %dma_wait3A_1315] : memref<100000x128xf32, #tpu.memory_space<hbm>> -> memref<100000x128xf32, #tpu.memory_space<hbm>>
    tpu.wait_indirect_dma semaphore(%arg15 : memref<!tpu.dma_semaphore, #tpu.memory_space<semaphore_mem>>) src(%dma_wait3A_1316 : memref<100000x128xf32, #tpu.memory_space<hbm>>) dst(%arg8 : memref<128x128xf32, #tpu.memory_space<vmem>>)
    %add3A_1317 = arith.constant 9 : i32
    %add3A_1318 = arith.addi %mul3A_2, %add3A_1317 : i32
    %jit3A_1319 = arith.constant 32 : i32
    %div3A_1320 = arith.divsi %add3A_1318, %jit3A_1319 : i32
    %sign3A_1321 = arith.constant 0 : i32
    %sign3A_1322 = arith.cmpi sgt, %add3A_1318, %sign3A_1321 : i32
    %sign3A_1323 = arith.extui %sign3A_1322 : i1 to i32
    %sign3A_1324 = arith.constant 0 : i32
    %sign3A_1325 = arith.cmpi slt, %add3A_1318, %sign3A_1324 : i32
    %sign3A_1326 = arith.extui %sign3A_1325 : i1 to i32
    %sign3A_1327 = arith.subi %sign3A_1323, %sign3A_1326 : i32
    %sign3A_1328 = arith.constant 0 : i32
    %sign3A_1329 = arith.cmpi sgt, %jit3A_1319, %sign3A_1328 : i32
    %sign3A_1330 = arith.extui %sign3A_1329 : i1 to i32
    %sign3A_1331 = arith.constant 0 : i32
    %sign3A_1332 = arith.cmpi slt, %jit3A_1319, %sign3A_1331 : i32
    %sign3A_1333 = arith.extui %sign3A_1332 : i1 to i32
    %sign3A_1334 = arith.subi %sign3A_1330, %sign3A_1333 : i32
    %ne3A_1335 = arith.cmpi ne, %sign3A_1327, %sign3A_1334 : i32
    %rem3A_1336 = arith.remsi %add3A_1318, %jit3A_1319 : i32
    %ne3A_1337 = arith.constant 0 : i32
    %ne3A_1338 = arith.cmpi ne, %rem3A_1336, %ne3A_1337 : i32
    %and3A_1339 = arith.andi %ne3A_1335, %ne3A_1338 : i1
    %sub3A_1340 = arith.constant 1 : i32
    %sub3A_1341 = arith.subi %div3A_1320, %sub3A_1340 : i32
    %select_n3A_1342 = arith.select %and3A_1339, %sub3A_1341, %div3A_1320 : i32
    %jit3A_1343 = arith.constant 32 : i32
    %eq3A_1344 = arith.constant 0 : i32
    %eq3A_1345 = arith.cmpi eq, %jit3A_1343, %eq3A_1344 : i32
    %jit3A_1346 = arith.constant 1 : i32
    %select_n3A_1347 = arith.select %eq3A_1345, %jit3A_1346, %jit3A_1343 : i32
    %rem3A_1348 = arith.remsi %add3A_1318, %select_n3A_1347 : i32
    %ne3A_1349 = arith.constant 0 : i32
    %ne3A_1350 = arith.cmpi ne, %rem3A_1348, %ne3A_1349 : i32
    %lt3A_1351 = arith.constant 0 : i32
    %lt3A_1352 = arith.cmpi slt, %rem3A_1348, %lt3A_1351 : i32
    %lt3A_1353 = arith.constant 0 : i32
    %lt3A_1354 = arith.cmpi slt, %select_n3A_1347, %lt3A_1353 : i32
    %ne3A_1355 = arith.xori %lt3A_1352, %lt3A_1354 : i1
    %and3A_1356 = arith.andi %ne3A_1355, %ne3A_1350 : i1
    %add3A_1357 = arith.addi %rem3A_1348, %select_n3A_1347 : i32
    %select_n3A_1358 = arith.select %and3A_1356, %add3A_1357, %rem3A_1348 : i32
    %mul3A_1359 = arith.constant 128 : i32
    %mul3A_1360 = arith.muli %select_n3A_1358, %mul3A_1359 : i32
    %dma_start3A_1361 = arith.constant 0 : i32
    %dma_start3A_1362 = tpu.memref_slice %arg4[%select_n3A_1342, %mul3A_1360, %dma_start3A_1361] : memref<26x4096x128xf32, #tpu.memory_space<hbm>> -> memref<1x128x128xf32, #tpu.memory_space<hbm>>
    %dma_start3A_1363 = tpu.memref_squeeze %dma_start3A_1362 : memref<1x128x128xf32, #tpu.memory_space<hbm>> -> memref<128x128xf32, #tpu.memory_space<hbm>>
    %dma_start3A_1364 = arith.constant 0 : i32
    %dma_start3A_1365 = tpu.memref_slice %arg4[%select_n3A_1342, %mul3A_1360, %dma_start3A_1364] : memref<26x4096x128xf32, #tpu.memory_space<hbm>> -> memref<1x128x128xf32, #tpu.memory_space<hbm>>
    %dma_start3A_1366 = tpu.memref_squeeze %dma_start3A_1365 : memref<1x128x128xf32, #tpu.memory_space<hbm>> -> memref<128x128xf32, #tpu.memory_space<hbm>>
    tpu.enqueue_dma source(%arg8 : memref<128x128xf32, #tpu.memory_space<vmem>>) target(%dma_start3A_1366 : memref<128x128xf32, #tpu.memory_space<hbm>>) target_semaphore(%arg22 : memref<!tpu.dma_semaphore, #tpu.memory_space<semaphore_mem>>)
    %dma_wait3A_1367 = arith.constant 0 : i32
    %dma_wait3A_1368 = tpu.memref_slice %arg4[%select_n3A_1231, %mul3A_1249, %dma_wait3A_1367] : memref<26x4096x128xf32, #tpu.memory_space<hbm>> -> memref<1x128x128xf32, #tpu.memory_space<hbm>>
    %dma_wait3A_1369 = tpu.memref_squeeze %dma_wait3A_1368 : memref<1x128x128xf32, #tpu.memory_space<hbm>> -> memref<128x128xf32, #tpu.memory_space<hbm>>
    %dma_wait3A_1370 = arith.constant 0 : i32
    %dma_wait3A_1371 = tpu.memref_slice %arg4[%select_n3A_1231, %mul3A_1249, %dma_wait3A_1370] : memref<26x4096x128xf32, #tpu.memory_space<hbm>> -> memref<1x128x128xf32, #tpu.memory_space<hbm>>
    %dma_wait3A_1372 = tpu.memref_squeeze %dma_wait3A_1371 : memref<1x128x128xf32, #tpu.memory_space<hbm>> -> memref<128x128xf32, #tpu.memory_space<hbm>>
    tpu.wait_dma2 semaphore(%arg21 : memref<!tpu.dma_semaphore, #tpu.memory_space<semaphore_mem>>) src(%arg7 : memref<128x128xf32, #tpu.memory_space<vmem>>) dst(%dma_wait3A_1372 : memref<128x128xf32, #tpu.memory_space<hbm>>)
    %add3A_1373 = arith.constant 15 : i32
    %add3A_1374 = arith.addi %mul3A_2, %add3A_1373 : i32
    %jit3A_1375 = arith.constant 32 : i32
    %div3A_1376 = arith.divsi %add3A_1374, %jit3A_1375 : i32
    %sign3A_1377 = arith.constant 0 : i32
    %sign3A_1378 = arith.cmpi sgt, %add3A_1374, %sign3A_1377 : i32
    %sign3A_1379 = arith.extui %sign3A_1378 : i1 to i32
    %sign3A_1380 = arith.constant 0 : i32
    %sign3A_1381 = arith.cmpi slt, %add3A_1374, %sign3A_1380 : i32
    %sign3A_1382 = arith.extui %sign3A_1381 : i1 to i32
    %sign3A_1383 = arith.subi %sign3A_1379, %sign3A_1382 : i32
    %sign3A_1384 = arith.constant 0 : i32
    %sign3A_1385 = arith.cmpi sgt, %jit3A_1375, %sign3A_1384 : i32
    %sign3A_1386 = arith.extui %sign3A_1385 : i1 to i32
    %sign3A_1387 = arith.constant 0 : i32
    %sign3A_1388 = arith.cmpi slt, %jit3A_1375, %sign3A_1387 : i32
    %sign3A_1389 = arith.extui %sign3A_1388 : i1 to i32
    %sign3A_1390 = arith.subi %sign3A_1386, %sign3A_1389 : i32
    %ne3A_1391 = arith.cmpi ne, %sign3A_1383, %sign3A_1390 : i32
    %rem3A_1392 = arith.remsi %add3A_1374, %jit3A_1375 : i32
    %ne3A_1393 = arith.constant 0 : i32
    %ne3A_1394 = arith.cmpi ne, %rem3A_1392, %ne3A_1393 : i32
    %and3A_1395 = arith.andi %ne3A_1391, %ne3A_1394 : i1
    %sub3A_1396 = arith.constant 1 : i32
    %sub3A_1397 = arith.subi %div3A_1376, %sub3A_1396 : i32
    %select_n3A_1398 = arith.select %and3A_1395, %sub3A_1397, %div3A_1376 : i32
    %jit3A_1399 = arith.constant 32 : i32
    %eq3A_1400 = arith.constant 0 : i32
    %eq3A_1401 = arith.cmpi eq, %jit3A_1399, %eq3A_1400 : i32
    %jit3A_1402 = arith.constant 1 : i32
    %select_n3A_1403 = arith.select %eq3A_1401, %jit3A_1402, %jit3A_1399 : i32
    %rem3A_1404 = arith.remsi %add3A_1374, %select_n3A_1403 : i32
    %ne3A_1405 = arith.constant 0 : i32
    %ne3A_1406 = arith.cmpi ne, %rem3A_1404, %ne3A_1405 : i32
    %lt3A_1407 = arith.constant 0 : i32
    %lt3A_1408 = arith.cmpi slt, %rem3A_1404, %lt3A_1407 : i32
    %lt3A_1409 = arith.constant 0 : i32
    %lt3A_1410 = arith.cmpi slt, %select_n3A_1403, %lt3A_1409 : i32
    %ne3A_1411 = arith.xori %lt3A_1408, %lt3A_1410 : i1
    %and3A_1412 = arith.andi %ne3A_1411, %ne3A_1406 : i1
    %add3A_1413 = arith.addi %rem3A_1404, %select_n3A_1403 : i32
    %select_n3A_1414 = arith.select %and3A_1412, %add3A_1413, %rem3A_1404 : i32
    %mul3A_1415 = arith.constant 128 : i32
    %mul3A_1416 = arith.muli %select_n3A_1414, %mul3A_1415 : i32
    %sub3A_1417 = arith.subi %select_n3A_1398, %min3A_19 : i32
    %dma_start3A_1418 = tpu.memref_slice %arg5[%sub3A_1417, %mul3A_1416] : memref<2x4096xi32, #tpu.memory_space<vmem>> -> memref<1x128xi32, #tpu.memory_space<vmem>>
    %dma_start3A_1419 = tpu.memref_squeeze %dma_start3A_1418 : memref<1x128xi32, #tpu.memory_space<vmem>> -> memref<128xi32, #tpu.memory_space<vmem>>
    %dma_start3A_1420 = arith.constant 0 : i32
    %dma_start3A_1421 = arith.constant 0 : i32
    %dma_start3A_1422 = tpu.memref_slice %arg3[%dma_start3A_1420, %dma_start3A_1421] : memref<100000x128xf32, #tpu.memory_space<hbm>> -> memref<100000x128xf32, #tpu.memory_space<hbm>>
    tpu.enqueue_indirect_dma source(%dma_start3A_1422 : memref<100000x128xf32, #tpu.memory_space<hbm>>) target(%arg7 : memref<128x128xf32, #tpu.memory_space<vmem>>) offsets(%dma_start3A_1419 : memref<128xi32, #tpu.memory_space<vmem>>) semaphore(%arg14 : memref<!tpu.dma_semaphore, #tpu.memory_space<semaphore_mem>>)
    %dma_wait3A_1423 = tpu.memref_slice %arg5[%sub3A_862, %mul3A_861] : memref<2x4096xi32, #tpu.memory_space<vmem>> -> memref<1x128xi32, #tpu.memory_space<vmem>>
    %dma_wait3A_1424 = tpu.memref_squeeze %dma_wait3A_1423 : memref<1x128xi32, #tpu.memory_space<vmem>> -> memref<128xi32, #tpu.memory_space<vmem>>
    %dma_wait3A_1425 = arith.constant 0 : i32
    %dma_wait3A_1426 = arith.constant 0 : i32
    %dma_wait3A_1427 = tpu.memref_slice %arg3[%dma_wait3A_1425, %dma_wait3A_1426] : memref<100000x128xf32, #tpu.memory_space<hbm>> -> memref<100000x128xf32, #tpu.memory_space<hbm>>
    tpu.wait_indirect_dma semaphore(%arg16 : memref<!tpu.dma_semaphore, #tpu.memory_space<semaphore_mem>>) src(%dma_wait3A_1427 : memref<100000x128xf32, #tpu.memory_space<hbm>>) dst(%arg9 : memref<128x128xf32, #tpu.memory_space<vmem>>)
    %add3A_1428 = arith.constant 10 : i32
    %add3A_1429 = arith.addi %mul3A_2, %add3A_1428 : i32
    %jit3A_1430 = arith.constant 32 : i32
    %div3A_1431 = arith.divsi %add3A_1429, %jit3A_1430 : i32
    %sign3A_1432 = arith.constant 0 : i32
    %sign3A_1433 = arith.cmpi sgt, %add3A_1429, %sign3A_1432 : i32
    %sign3A_1434 = arith.extui %sign3A_1433 : i1 to i32
    %sign3A_1435 = arith.constant 0 : i32
    %sign3A_1436 = arith.cmpi slt, %add3A_1429, %sign3A_1435 : i32
    %sign3A_1437 = arith.extui %sign3A_1436 : i1 to i32
    %sign3A_1438 = arith.subi %sign3A_1434, %sign3A_1437 : i32
    %sign3A_1439 = arith.constant 0 : i32
    %sign3A_1440 = arith.cmpi sgt, %jit3A_1430, %sign3A_1439 : i32
    %sign3A_1441 = arith.extui %sign3A_1440 : i1 to i32
    %sign3A_1442 = arith.constant 0 : i32
    %sign3A_1443 = arith.cmpi slt, %jit3A_1430, %sign3A_1442 : i32
    %sign3A_1444 = arith.extui %sign3A_1443 : i1 to i32
    %sign3A_1445 = arith.subi %sign3A_1441, %sign3A_1444 : i32
    %ne3A_1446 = arith.cmpi ne, %sign3A_1438, %sign3A_1445 : i32
    %rem3A_1447 = arith.remsi %add3A_1429, %jit3A_1430 : i32
    %ne3A_1448 = arith.constant 0 : i32
    %ne3A_1449 = arith.cmpi ne, %rem3A_1447, %ne3A_1448 : i32
    %and3A_1450 = arith.andi %ne3A_1446, %ne3A_1449 : i1
    %sub3A_1451 = arith.constant 1 : i32
    %sub3A_1452 = arith.subi %div3A_1431, %sub3A_1451 : i32
    %select_n3A_1453 = arith.select %and3A_1450, %sub3A_1452, %div3A_1431 : i32
    %jit3A_1454 = arith.constant 32 : i32
    %eq3A_1455 = arith.constant 0 : i32
    %eq3A_1456 = arith.cmpi eq, %jit3A_1454, %eq3A_1455 : i32
    %jit3A_1457 = arith.constant 1 : i32
    %select_n3A_1458 = arith.select %eq3A_1456, %jit3A_1457, %jit3A_1454 : i32
    %rem3A_1459 = arith.remsi %add3A_1429, %select_n3A_1458 : i32
    %ne3A_1460 = arith.constant 0 : i32
    %ne3A_1461 = arith.cmpi ne, %rem3A_1459, %ne3A_1460 : i32
    %lt3A_1462 = arith.constant 0 : i32
    %lt3A_1463 = arith.cmpi slt, %rem3A_1459, %lt3A_1462 : i32
    %lt3A_1464 = arith.constant 0 : i32
    %lt3A_1465 = arith.cmpi slt, %select_n3A_1458, %lt3A_1464 : i32
    %ne3A_1466 = arith.xori %lt3A_1463, %lt3A_1465 : i1
    %and3A_1467 = arith.andi %ne3A_1466, %ne3A_1461 : i1
    %add3A_1468 = arith.addi %rem3A_1459, %select_n3A_1458 : i32
    %select_n3A_1469 = arith.select %and3A_1467, %add3A_1468, %rem3A_1459 : i32
    %mul3A_1470 = arith.constant 128 : i32
    %mul3A_1471 = arith.muli %select_n3A_1469, %mul3A_1470 : i32
    %dma_start3A_1472 = arith.constant 0 : i32
    %dma_start3A_1473 = tpu.memref_slice %arg4[%select_n3A_1453, %mul3A_1471, %dma_start3A_1472] : memref<26x4096x128xf32, #tpu.memory_space<hbm>> -> memref<1x128x128xf32, #tpu.memory_space<hbm>>
    %dma_start3A_1474 = tpu.memref_squeeze %dma_start3A_1473 : memref<1x128x128xf32, #tpu.memory_space<hbm>> -> memref<128x128xf32, #tpu.memory_space<hbm>>
    %dma_start3A_1475 = arith.constant 0 : i32
    %dma_start3A_1476 = tpu.memref_slice %arg4[%select_n3A_1453, %mul3A_1471, %dma_start3A_1475] : memref<26x4096x128xf32, #tpu.memory_space<hbm>> -> memref<1x128x128xf32, #tpu.memory_space<hbm>>
    %dma_start3A_1477 = tpu.memref_squeeze %dma_start3A_1476 : memref<1x128x128xf32, #tpu.memory_space<hbm>> -> memref<128x128xf32, #tpu.memory_space<hbm>>
    tpu.enqueue_dma source(%arg9 : memref<128x128xf32, #tpu.memory_space<vmem>>) target(%dma_start3A_1477 : memref<128x128xf32, #tpu.memory_space<hbm>>) target_semaphore(%arg23 : memref<!tpu.dma_semaphore, #tpu.memory_space<semaphore_mem>>)
    %dma_wait3A_1478 = arith.constant 0 : i32
    %dma_wait3A_1479 = tpu.memref_slice %arg4[%select_n3A_1342, %mul3A_1360, %dma_wait3A_1478] : memref<26x4096x128xf32, #tpu.memory_space<hbm>> -> memref<1x128x128xf32, #tpu.memory_space<hbm>>
    %dma_wait3A_1480 = tpu.memref_squeeze %dma_wait3A_1479 : memref<1x128x128xf32, #tpu.memory_space<hbm>> -> memref<128x128xf32, #tpu.memory_space<hbm>>
    %dma_wait3A_1481 = arith.constant 0 : i32
    %dma_wait3A_1482 = tpu.memref_slice %arg4[%select_n3A_1342, %mul3A_1360, %dma_wait3A_1481] : memref<26x4096x128xf32, #tpu.memory_space<hbm>> -> memref<1x128x128xf32, #tpu.memory_space<hbm>>
    %dma_wait3A_1483 = tpu.memref_squeeze %dma_wait3A_1482 : memref<1x128x128xf32, #tpu.memory_space<hbm>> -> memref<128x128xf32, #tpu.memory_space<hbm>>
    tpu.wait_dma2 semaphore(%arg22 : memref<!tpu.dma_semaphore, #tpu.memory_space<semaphore_mem>>) src(%arg8 : memref<128x128xf32, #tpu.memory_space<vmem>>) dst(%dma_wait3A_1483 : memref<128x128xf32, #tpu.memory_space<hbm>>)
    %add3A_1484 = arith.constant 16 : i32
    %add3A_1485 = arith.addi %mul3A_2, %add3A_1484 : i32
    %jit3A_1486 = arith.constant 32 : i32
    %div3A_1487 = arith.divsi %add3A_1485, %jit3A_1486 : i32
    %sign3A_1488 = arith.constant 0 : i32
    %sign3A_1489 = arith.cmpi sgt, %add3A_1485, %sign3A_1488 : i32
    %sign3A_1490 = arith.extui %sign3A_1489 : i1 to i32
    %sign3A_1491 = arith.constant 0 : i32
    %sign3A_1492 = arith.cmpi slt, %add3A_1485, %sign3A_1491 : i32
    %sign3A_1493 = arith.extui %sign3A_1492 : i1 to i32
    %sign3A_1494 = arith.subi %sign3A_1490, %sign3A_1493 : i32
    %sign3A_1495 = arith.constant 0 : i32
    %sign3A_1496 = arith.cmpi sgt, %jit3A_1486, %sign3A_1495 : i32
    %sign3A_1497 = arith.extui %sign3A_1496 : i1 to i32
    %sign3A_1498 = arith.constant 0 : i32
    %sign3A_1499 = arith.cmpi slt, %jit3A_1486, %sign3A_1498 : i32
    %sign3A_1500 = arith.extui %sign3A_1499 : i1 to i32
    %sign3A_1501 = arith.subi %sign3A_1497, %sign3A_1500 : i32
    %ne3A_1502 = arith.cmpi ne, %sign3A_1494, %sign3A_1501 : i32
    %rem3A_1503 = arith.remsi %add3A_1485, %jit3A_1486 : i32
    %ne3A_1504 = arith.constant 0 : i32
    %ne3A_1505 = arith.cmpi ne, %rem3A_1503, %ne3A_1504 : i32
    %and3A_1506 = arith.andi %ne3A_1502, %ne3A_1505 : i1
    %sub3A_1507 = arith.constant 1 : i32
    %sub3A_1508 = arith.subi %div3A_1487, %sub3A_1507 : i32
    %select_n3A_1509 = arith.select %and3A_1506, %sub3A_1508, %div3A_1487 : i32
    %jit3A_1510 = arith.constant 32 : i32
    %eq3A_1511 = arith.constant 0 : i32
    %eq3A_1512 = arith.cmpi eq, %jit3A_1510, %eq3A_1511 : i32
    %jit3A_1513 = arith.constant 1 : i32
    %select_n3A_1514 = arith.select %eq3A_1512, %jit3A_1513, %jit3A_1510 : i32
    %rem3A_1515 = arith.remsi %add3A_1485, %select_n3A_1514 : i32
    %ne3A_1516 = arith.constant 0 : i32
    %ne3A_1517 = arith.cmpi ne, %rem3A_1515, %ne3A_1516 : i32
    %lt3A_1518 = arith.constant 0 : i32
    %lt3A_1519 = arith.cmpi slt, %rem3A_1515, %lt3A_1518 : i32
    %lt3A_1520 = arith.constant 0 : i32
    %lt3A_1521 = arith.cmpi slt, %select_n3A_1514, %lt3A_1520 : i32
    %ne3A_1522 = arith.xori %lt3A_1519, %lt3A_1521 : i1
    %and3A_1523 = arith.andi %ne3A_1522, %ne3A_1517 : i1
    %add3A_1524 = arith.addi %rem3A_1515, %select_n3A_1514 : i32
    %select_n3A_1525 = arith.select %and3A_1523, %add3A_1524, %rem3A_1515 : i32
    %mul3A_1526 = arith.constant 128 : i32
    %mul3A_1527 = arith.muli %select_n3A_1525, %mul3A_1526 : i32
    %sub3A_1528 = arith.subi %select_n3A_1509, %min3A_19 : i32
    %dma_start3A_1529 = tpu.memref_slice %arg5[%sub3A_1528, %mul3A_1527] : memref<2x4096xi32, #tpu.memory_space<vmem>> -> memref<1x128xi32, #tpu.memory_space<vmem>>
    %dma_start3A_1530 = tpu.memref_squeeze %dma_start3A_1529 : memref<1x128xi32, #tpu.memory_space<vmem>> -> memref<128xi32, #tpu.memory_space<vmem>>
    %dma_start3A_1531 = arith.constant 0 : i32
    %dma_start3A_1532 = arith.constant 0 : i32
    %dma_start3A_1533 = tpu.memref_slice %arg3[%dma_start3A_1531, %dma_start3A_1532] : memref<100000x128xf32, #tpu.memory_space<hbm>> -> memref<100000x128xf32, #tpu.memory_space<hbm>>
    tpu.enqueue_indirect_dma source(%dma_start3A_1533 : memref<100000x128xf32, #tpu.memory_space<hbm>>) target(%arg8 : memref<128x128xf32, #tpu.memory_space<vmem>>) offsets(%dma_start3A_1530 : memref<128xi32, #tpu.memory_space<vmem>>) semaphore(%arg15 : memref<!tpu.dma_semaphore, #tpu.memory_space<semaphore_mem>>)
    %dma_wait3A_1534 = tpu.memref_slice %arg5[%sub3A_973, %mul3A_972] : memref<2x4096xi32, #tpu.memory_space<vmem>> -> memref<1x128xi32, #tpu.memory_space<vmem>>
    %dma_wait3A_1535 = tpu.memref_squeeze %dma_wait3A_1534 : memref<1x128xi32, #tpu.memory_space<vmem>> -> memref<128xi32, #tpu.memory_space<vmem>>
    %dma_wait3A_1536 = arith.constant 0 : i32
    %dma_wait3A_1537 = arith.constant 0 : i32
    %dma_wait3A_1538 = tpu.memref_slice %arg3[%dma_wait3A_1536, %dma_wait3A_1537] : memref<100000x128xf32, #tpu.memory_space<hbm>> -> memref<100000x128xf32, #tpu.memory_space<hbm>>
    tpu.wait_indirect_dma semaphore(%arg17 : memref<!tpu.dma_semaphore, #tpu.memory_space<semaphore_mem>>) src(%dma_wait3A_1538 : memref<100000x128xf32, #tpu.memory_space<hbm>>) dst(%arg10 : memref<128x128xf32, #tpu.memory_space<vmem>>)
    %add3A_1539 = arith.constant 11 : i32
    %add3A_1540 = arith.addi %mul3A_2, %add3A_1539 : i32
    %jit3A_1541 = arith.constant 32 : i32
    %div3A_1542 = arith.divsi %add3A_1540, %jit3A_1541 : i32
    %sign3A_1543 = arith.constant 0 : i32
    %sign3A_1544 = arith.cmpi sgt, %add3A_1540, %sign3A_1543 : i32
    %sign3A_1545 = arith.extui %sign3A_1544 : i1 to i32
    %sign3A_1546 = arith.constant 0 : i32
    %sign3A_1547 = arith.cmpi slt, %add3A_1540, %sign3A_1546 : i32
    %sign3A_1548 = arith.extui %sign3A_1547 : i1 to i32
    %sign3A_1549 = arith.subi %sign3A_1545, %sign3A_1548 : i32
    %sign3A_1550 = arith.constant 0 : i32
    %sign3A_1551 = arith.cmpi sgt, %jit3A_1541, %sign3A_1550 : i32
    %sign3A_1552 = arith.extui %sign3A_1551 : i1 to i32
    %sign3A_1553 = arith.constant 0 : i32
    %sign3A_1554 = arith.cmpi slt, %jit3A_1541, %sign3A_1553 : i32
    %sign3A_1555 = arith.extui %sign3A_1554 : i1 to i32
    %sign3A_1556 = arith.subi %sign3A_1552, %sign3A_1555 : i32
    %ne3A_1557 = arith.cmpi ne, %sign3A_1549, %sign3A_1556 : i32
    %rem3A_1558 = arith.remsi %add3A_1540, %jit3A_1541 : i32
    %ne3A_1559 = arith.constant 0 : i32
    %ne3A_1560 = arith.cmpi ne, %rem3A_1558, %ne3A_1559 : i32
    %and3A_1561 = arith.andi %ne3A_1557, %ne3A_1560 : i1
    %sub3A_1562 = arith.constant 1 : i32
    %sub3A_1563 = arith.subi %div3A_1542, %sub3A_1562 : i32
    %select_n3A_1564 = arith.select %and3A_1561, %sub3A_1563, %div3A_1542 : i32
    %jit3A_1565 = arith.constant 32 : i32
    %eq3A_1566 = arith.constant 0 : i32
    %eq3A_1567 = arith.cmpi eq, %jit3A_1565, %eq3A_1566 : i32
    %jit3A_1568 = arith.constant 1 : i32
    %select_n3A_1569 = arith.select %eq3A_1567, %jit3A_1568, %jit3A_1565 : i32
    %rem3A_1570 = arith.remsi %add3A_1540, %select_n3A_1569 : i32
    %ne3A_1571 = arith.constant 0 : i32
    %ne3A_1572 = arith.cmpi ne, %rem3A_1570, %ne3A_1571 : i32
    %lt3A_1573 = arith.constant 0 : i32
    %lt3A_1574 = arith.cmpi slt, %rem3A_1570, %lt3A_1573 : i32
    %lt3A_1575 = arith.constant 0 : i32
    %lt3A_1576 = arith.cmpi slt, %select_n3A_1569, %lt3A_1575 : i32
    %ne3A_1577 = arith.xori %lt3A_1574, %lt3A_1576 : i1
    %and3A_1578 = arith.andi %ne3A_1577, %ne3A_1572 : i1
    %add3A_1579 = arith.addi %rem3A_1570, %select_n3A_1569 : i32
    %select_n3A_1580 = arith.select %and3A_1578, %add3A_1579, %rem3A_1570 : i32
    %mul3A_1581 = arith.constant 128 : i32
    %mul3A_1582 = arith.muli %select_n3A_1580, %mul3A_1581 : i32
    %dma_start3A_1583 = arith.constant 0 : i32
    %dma_start3A_1584 = tpu.memref_slice %arg4[%select_n3A_1564, %mul3A_1582, %dma_start3A_1583] : memref<26x4096x128xf32, #tpu.memory_space<hbm>> -> memref<1x128x128xf32, #tpu.memory_space<hbm>>
    %dma_start3A_1585 = tpu.memref_squeeze %dma_start3A_1584 : memref<1x128x128xf32, #tpu.memory_space<hbm>> -> memref<128x128xf32, #tpu.memory_space<hbm>>
    %dma_start3A_1586 = arith.constant 0 : i32
    %dma_start3A_1587 = tpu.memref_slice %arg4[%select_n3A_1564, %mul3A_1582, %dma_start3A_1586] : memref<26x4096x128xf32, #tpu.memory_space<hbm>> -> memref<1x128x128xf32, #tpu.memory_space<hbm>>
    %dma_start3A_1588 = tpu.memref_squeeze %dma_start3A_1587 : memref<1x128x128xf32, #tpu.memory_space<hbm>> -> memref<128x128xf32, #tpu.memory_space<hbm>>
    tpu.enqueue_dma source(%arg10 : memref<128x128xf32, #tpu.memory_space<vmem>>) target(%dma_start3A_1588 : memref<128x128xf32, #tpu.memory_space<hbm>>) target_semaphore(%arg24 : memref<!tpu.dma_semaphore, #tpu.memory_space<semaphore_mem>>)
    %dma_wait3A_1589 = arith.constant 0 : i32
    %dma_wait3A_1590 = tpu.memref_slice %arg4[%select_n3A_1453, %mul3A_1471, %dma_wait3A_1589] : memref<26x4096x128xf32, #tpu.memory_space<hbm>> -> memref<1x128x128xf32, #tpu.memory_space<hbm>>
    %dma_wait3A_1591 = tpu.memref_squeeze %dma_wait3A_1590 : memref<1x128x128xf32, #tpu.memory_space<hbm>> -> memref<128x128xf32, #tpu.memory_space<hbm>>
    %dma_wait3A_1592 = arith.constant 0 : i32
    %dma_wait3A_1593 = tpu.memref_slice %arg4[%select_n3A_1453, %mul3A_1471, %dma_wait3A_1592] : memref<26x4096x128xf32, #tpu.memory_space<hbm>> -> memref<1x128x128xf32, #tpu.memory_space<hbm>>
    %dma_wait3A_1594 = tpu.memref_squeeze %dma_wait3A_1593 : memref<1x128x128xf32, #tpu.memory_space<hbm>> -> memref<128x128xf32, #tpu.memory_space<hbm>>
    tpu.wait_dma2 semaphore(%arg23 : memref<!tpu.dma_semaphore, #tpu.memory_space<semaphore_mem>>) src(%arg9 : memref<128x128xf32, #tpu.memory_space<vmem>>) dst(%dma_wait3A_1594 : memref<128x128xf32, #tpu.memory_space<hbm>>)
    %add3A_1595 = arith.constant 17 : i32
    %add3A_1596 = arith.addi %mul3A_2, %add3A_1595 : i32
    %jit3A_1597 = arith.constant 32 : i32
    %div3A_1598 = arith.divsi %add3A_1596, %jit3A_1597 : i32
    %sign3A_1599 = arith.constant 0 : i32
    %sign3A_1600 = arith.cmpi sgt, %add3A_1596, %sign3A_1599 : i32
    %sign3A_1601 = arith.extui %sign3A_1600 : i1 to i32
    %sign3A_1602 = arith.constant 0 : i32
    %sign3A_1603 = arith.cmpi slt, %add3A_1596, %sign3A_1602 : i32
    %sign3A_1604 = arith.extui %sign3A_1603 : i1 to i32
    %sign3A_1605 = arith.subi %sign3A_1601, %sign3A_1604 : i32
    %sign3A_1606 = arith.constant 0 : i32
    %sign3A_1607 = arith.cmpi sgt, %jit3A_1597, %sign3A_1606 : i32
    %sign3A_1608 = arith.extui %sign3A_1607 : i1 to i32
    %sign3A_1609 = arith.constant 0 : i32
    %sign3A_1610 = arith.cmpi slt, %jit3A_1597, %sign3A_1609 : i32
    %sign3A_1611 = arith.extui %sign3A_1610 : i1 to i32
    %sign3A_1612 = arith.subi %sign3A_1608, %sign3A_1611 : i32
    %ne3A_1613 = arith.cmpi ne, %sign3A_1605, %sign3A_1612 : i32
    %rem3A_1614 = arith.remsi %add3A_1596, %jit3A_1597 : i32
    %ne3A_1615 = arith.constant 0 : i32
    %ne3A_1616 = arith.cmpi ne, %rem3A_1614, %ne3A_1615 : i32
    %and3A_1617 = arith.andi %ne3A_1613, %ne3A_1616 : i1
    %sub3A_1618 = arith.constant 1 : i32
    %sub3A_1619 = arith.subi %div3A_1598, %sub3A_1618 : i32
    %select_n3A_1620 = arith.select %and3A_1617, %sub3A_1619, %div3A_1598 : i32
    %jit3A_1621 = arith.constant 32 : i32
    %eq3A_1622 = arith.constant 0 : i32
    %eq3A_1623 = arith.cmpi eq, %jit3A_1621, %eq3A_1622 : i32
    %jit3A_1624 = arith.constant 1 : i32
    %select_n3A_1625 = arith.select %eq3A_1623, %jit3A_1624, %jit3A_1621 : i32
    %rem3A_1626 = arith.remsi %add3A_1596, %select_n3A_1625 : i32
    %ne3A_1627 = arith.constant 0 : i32
    %ne3A_1628 = arith.cmpi ne, %rem3A_1626, %ne3A_1627 : i32
    %lt3A_1629 = arith.constant 0 : i32
    %lt3A_1630 = arith.cmpi slt, %rem3A_1626, %lt3A_1629 : i32
    %lt3A_1631 = arith.constant 0 : i32
    %lt3A_1632 = arith.cmpi slt, %select_n3A_1625, %lt3A_1631 : i32
    %ne3A_1633 = arith.xori %lt3A_1630, %lt3A_1632 : i1
    %and3A_1634 = arith.andi %ne3A_1633, %ne3A_1628 : i1
    %add3A_1635 = arith.addi %rem3A_1626, %select_n3A_1625 : i32
    %select_n3A_1636 = arith.select %and3A_1634, %add3A_1635, %rem3A_1626 : i32
    %mul3A_1637 = arith.constant 128 : i32
    %mul3A_1638 = arith.muli %select_n3A_1636, %mul3A_1637 : i32
    %sub3A_1639 = arith.subi %select_n3A_1620, %min3A_19 : i32
    %dma_start3A_1640 = tpu.memref_slice %arg5[%sub3A_1639, %mul3A_1638] : memref<2x4096xi32, #tpu.memory_space<vmem>> -> memref<1x128xi32, #tpu.memory_space<vmem>>
    %dma_start3A_1641 = tpu.memref_squeeze %dma_start3A_1640 : memref<1x128xi32, #tpu.memory_space<vmem>> -> memref<128xi32, #tpu.memory_space<vmem>>
    %dma_start3A_1642 = arith.constant 0 : i32
    %dma_start3A_1643 = arith.constant 0 : i32
    %dma_start3A_1644 = tpu.memref_slice %arg3[%dma_start3A_1642, %dma_start3A_1643] : memref<100000x128xf32, #tpu.memory_space<hbm>> -> memref<100000x128xf32, #tpu.memory_space<hbm>>
    tpu.enqueue_indirect_dma source(%dma_start3A_1644 : memref<100000x128xf32, #tpu.memory_space<hbm>>) target(%arg9 : memref<128x128xf32, #tpu.memory_space<vmem>>) offsets(%dma_start3A_1641 : memref<128xi32, #tpu.memory_space<vmem>>) semaphore(%arg16 : memref<!tpu.dma_semaphore, #tpu.memory_space<semaphore_mem>>)
    %dma_wait3A_1645 = tpu.memref_slice %arg5[%sub3A_1084, %mul3A_1083] : memref<2x4096xi32, #tpu.memory_space<vmem>> -> memref<1x128xi32, #tpu.memory_space<vmem>>
    %dma_wait3A_1646 = tpu.memref_squeeze %dma_wait3A_1645 : memref<1x128xi32, #tpu.memory_space<vmem>> -> memref<128xi32, #tpu.memory_space<vmem>>
    %dma_wait3A_1647 = arith.constant 0 : i32
    %dma_wait3A_1648 = arith.constant 0 : i32
    %dma_wait3A_1649 = tpu.memref_slice %arg3[%dma_wait3A_1647, %dma_wait3A_1648] : memref<100000x128xf32, #tpu.memory_space<hbm>> -> memref<100000x128xf32, #tpu.memory_space<hbm>>
    tpu.wait_indirect_dma semaphore(%arg18 : memref<!tpu.dma_semaphore, #tpu.memory_space<semaphore_mem>>) src(%dma_wait3A_1649 : memref<100000x128xf32, #tpu.memory_space<hbm>>) dst(%arg11 : memref<128x128xf32, #tpu.memory_space<vmem>>)
    %add3A_1650 = arith.constant 12 : i32
    %add3A_1651 = arith.addi %mul3A_2, %add3A_1650 : i32
    %jit3A_1652 = arith.constant 32 : i32
    %div3A_1653 = arith.divsi %add3A_1651, %jit3A_1652 : i32
    %sign3A_1654 = arith.constant 0 : i32
    %sign3A_1655 = arith.cmpi sgt, %add3A_1651, %sign3A_1654 : i32
    %sign3A_1656 = arith.extui %sign3A_1655 : i1 to i32
    %sign3A_1657 = arith.constant 0 : i32
    %sign3A_1658 = arith.cmpi slt, %add3A_1651, %sign3A_1657 : i32
    %sign3A_1659 = arith.extui %sign3A_1658 : i1 to i32
    %sign3A_1660 = arith.subi %sign3A_1656, %sign3A_1659 : i32
    %sign3A_1661 = arith.constant 0 : i32
    %sign3A_1662 = arith.cmpi sgt, %jit3A_1652, %sign3A_1661 : i32
    %sign3A_1663 = arith.extui %sign3A_1662 : i1 to i32
    %sign3A_1664 = arith.constant 0 : i32
    %sign3A_1665 = arith.cmpi slt, %jit3A_1652, %sign3A_1664 : i32
    %sign3A_1666 = arith.extui %sign3A_1665 : i1 to i32
    %sign3A_1667 = arith.subi %sign3A_1663, %sign3A_1666 : i32
    %ne3A_1668 = arith.cmpi ne, %sign3A_1660, %sign3A_1667 : i32
    %rem3A_1669 = arith.remsi %add3A_1651, %jit3A_1652 : i32
    %ne3A_1670 = arith.constant 0 : i32
    %ne3A_1671 = arith.cmpi ne, %rem3A_1669, %ne3A_1670 : i32
    %and3A_1672 = arith.andi %ne3A_1668, %ne3A_1671 : i1
    %sub3A_1673 = arith.constant 1 : i32
    %sub3A_1674 = arith.subi %div3A_1653, %sub3A_1673 : i32
    %select_n3A_1675 = arith.select %and3A_1672, %sub3A_1674, %div3A_1653 : i32
    %jit3A_1676 = arith.constant 32 : i32
    %eq3A_1677 = arith.constant 0 : i32
    %eq3A_1678 = arith.cmpi eq, %jit3A_1676, %eq3A_1677 : i32
    %jit3A_1679 = arith.constant 1 : i32
    %select_n3A_1680 = arith.select %eq3A_1678, %jit3A_1679, %jit3A_1676 : i32
    %rem3A_1681 = arith.remsi %add3A_1651, %select_n3A_1680 : i32
    %ne3A_1682 = arith.constant 0 : i32
    %ne3A_1683 = arith.cmpi ne, %rem3A_1681, %ne3A_1682 : i32
    %lt3A_1684 = arith.constant 0 : i32
    %lt3A_1685 = arith.cmpi slt, %rem3A_1681, %lt3A_1684 : i32
    %lt3A_1686 = arith.constant 0 : i32
    %lt3A_1687 = arith.cmpi slt, %select_n3A_1680, %lt3A_1686 : i32
    %ne3A_1688 = arith.xori %lt3A_1685, %lt3A_1687 : i1
    %and3A_1689 = arith.andi %ne3A_1688, %ne3A_1683 : i1
    %add3A_1690 = arith.addi %rem3A_1681, %select_n3A_1680 : i32
    %select_n3A_1691 = arith.select %and3A_1689, %add3A_1690, %rem3A_1681 : i32
    %mul3A_1692 = arith.constant 128 : i32
    %mul3A_1693 = arith.muli %select_n3A_1691, %mul3A_1692 : i32
    %dma_start3A_1694 = arith.constant 0 : i32
    %dma_start3A_1695 = tpu.memref_slice %arg4[%select_n3A_1675, %mul3A_1693, %dma_start3A_1694] : memref<26x4096x128xf32, #tpu.memory_space<hbm>> -> memref<1x128x128xf32, #tpu.memory_space<hbm>>
    %dma_start3A_1696 = tpu.memref_squeeze %dma_start3A_1695 : memref<1x128x128xf32, #tpu.memory_space<hbm>> -> memref<128x128xf32, #tpu.memory_space<hbm>>
    %dma_start3A_1697 = arith.constant 0 : i32
    %dma_start3A_1698 = tpu.memref_slice %arg4[%select_n3A_1675, %mul3A_1693, %dma_start3A_1697] : memref<26x4096x128xf32, #tpu.memory_space<hbm>> -> memref<1x128x128xf32, #tpu.memory_space<hbm>>
    %dma_start3A_1699 = tpu.memref_squeeze %dma_start3A_1698 : memref<1x128x128xf32, #tpu.memory_space<hbm>> -> memref<128x128xf32, #tpu.memory_space<hbm>>
    tpu.enqueue_dma source(%arg11 : memref<128x128xf32, #tpu.memory_space<vmem>>) target(%dma_start3A_1699 : memref<128x128xf32, #tpu.memory_space<hbm>>) target_semaphore(%arg25 : memref<!tpu.dma_semaphore, #tpu.memory_space<semaphore_mem>>)
    %dma_wait3A_1700 = arith.constant 0 : i32
    %dma_wait3A_1701 = tpu.memref_slice %arg4[%select_n3A_1564, %mul3A_1582, %dma_wait3A_1700] : memref<26x4096x128xf32, #tpu.memory_space<hbm>> -> memref<1x128x128xf32, #tpu.memory_space<hbm>>
    %dma_wait3A_1702 = tpu.memref_squeeze %dma_wait3A_1701 : memref<1x128x128xf32, #tpu.memory_space<hbm>> -> memref<128x128xf32, #tpu.memory_space<hbm>>
    %dma_wait3A_1703 = arith.constant 0 : i32
    %dma_wait3A_1704 = tpu.memref_slice %arg4[%select_n3A_1564, %mul3A_1582, %dma_wait3A_1703] : memref<26x4096x128xf32, #tpu.memory_space<hbm>> -> memref<1x128x128xf32, #tpu.memory_space<hbm>>
    %dma_wait3A_1705 = tpu.memref_squeeze %dma_wait3A_1704 : memref<1x128x128xf32, #tpu.memory_space<hbm>> -> memref<128x128xf32, #tpu.memory_space<hbm>>
    tpu.wait_dma2 semaphore(%arg24 : memref<!tpu.dma_semaphore, #tpu.memory_space<semaphore_mem>>) src(%arg10 : memref<128x128xf32, #tpu.memory_space<vmem>>) dst(%dma_wait3A_1705 : memref<128x128xf32, #tpu.memory_space<hbm>>)
    %add3A_1706 = arith.constant 18 : i32
    %add3A_1707 = arith.addi %mul3A_2, %add3A_1706 : i32
    %jit3A_1708 = arith.constant 32 : i32
    %div3A_1709 = arith.divsi %add3A_1707, %jit3A_1708 : i32
    %sign3A_1710 = arith.constant 0 : i32
    %sign3A_1711 = arith.cmpi sgt, %add3A_1707, %sign3A_1710 : i32
    %sign3A_1712 = arith.extui %sign3A_1711 : i1 to i32
    %sign3A_1713 = arith.constant 0 : i32
    %sign3A_1714 = arith.cmpi slt, %add3A_1707, %sign3A_1713 : i32
    %sign3A_1715 = arith.extui %sign3A_1714 : i1 to i32
    %sign3A_1716 = arith.subi %sign3A_1712, %sign3A_1715 : i32
    %sign3A_1717 = arith.constant 0 : i32
    %sign3A_1718 = arith.cmpi sgt, %jit3A_1708, %sign3A_1717 : i32
    %sign3A_1719 = arith.extui %sign3A_1718 : i1 to i32
    %sign3A_1720 = arith.constant 0 : i32
    %sign3A_1721 = arith.cmpi slt, %jit3A_1708, %sign3A_1720 : i32
    %sign3A_1722 = arith.extui %sign3A_1721 : i1 to i32
    %sign3A_1723 = arith.subi %sign3A_1719, %sign3A_1722 : i32
    %ne3A_1724 = arith.cmpi ne, %sign3A_1716, %sign3A_1723 : i32
    %rem3A_1725 = arith.remsi %add3A_1707, %jit3A_1708 : i32
    %ne3A_1726 = arith.constant 0 : i32
    %ne3A_1727 = arith.cmpi ne, %rem3A_1725, %ne3A_1726 : i32
    %and3A_1728 = arith.andi %ne3A_1724, %ne3A_1727 : i1
    %sub3A_1729 = arith.constant 1 : i32
    %sub3A_1730 = arith.subi %div3A_1709, %sub3A_1729 : i32
    %select_n3A_1731 = arith.select %and3A_1728, %sub3A_1730, %div3A_1709 : i32
    %jit3A_1732 = arith.constant 32 : i32
    %eq3A_1733 = arith.constant 0 : i32
    %eq3A_1734 = arith.cmpi eq, %jit3A_1732, %eq3A_1733 : i32
    %jit3A_1735 = arith.constant 1 : i32
    %select_n3A_1736 = arith.select %eq3A_1734, %jit3A_1735, %jit3A_1732 : i32
    %rem3A_1737 = arith.remsi %add3A_1707, %select_n3A_1736 : i32
    %ne3A_1738 = arith.constant 0 : i32
    %ne3A_1739 = arith.cmpi ne, %rem3A_1737, %ne3A_1738 : i32
    %lt3A_1740 = arith.constant 0 : i32
    %lt3A_1741 = arith.cmpi slt, %rem3A_1737, %lt3A_1740 : i32
    %lt3A_1742 = arith.constant 0 : i32
    %lt3A_1743 = arith.cmpi slt, %select_n3A_1736, %lt3A_1742 : i32
    %ne3A_1744 = arith.xori %lt3A_1741, %lt3A_1743 : i1
    %and3A_1745 = arith.andi %ne3A_1744, %ne3A_1739 : i1
    %add3A_1746 = arith.addi %rem3A_1737, %select_n3A_1736 : i32
    %select_n3A_1747 = arith.select %and3A_1745, %add3A_1746, %rem3A_1737 : i32
    %mul3A_1748 = arith.constant 128 : i32
    %mul3A_1749 = arith.muli %select_n3A_1747, %mul3A_1748 : i32
    %sub3A_1750 = arith.subi %select_n3A_1731, %min3A_19 : i32
    %dma_start3A_1751 = tpu.memref_slice %arg5[%sub3A_1750, %mul3A_1749] : memref<2x4096xi32, #tpu.memory_space<vmem>> -> memref<1x128xi32, #tpu.memory_space<vmem>>
    %dma_start3A_1752 = tpu.memref_squeeze %dma_start3A_1751 : memref<1x128xi32, #tpu.memory_space<vmem>> -> memref<128xi32, #tpu.memory_space<vmem>>
    %dma_start3A_1753 = arith.constant 0 : i32
    %dma_start3A_1754 = arith.constant 0 : i32
    %dma_start3A_1755 = tpu.memref_slice %arg3[%dma_start3A_1753, %dma_start3A_1754] : memref<100000x128xf32, #tpu.memory_space<hbm>> -> memref<100000x128xf32, #tpu.memory_space<hbm>>
    tpu.enqueue_indirect_dma source(%dma_start3A_1755 : memref<100000x128xf32, #tpu.memory_space<hbm>>) target(%arg10 : memref<128x128xf32, #tpu.memory_space<vmem>>) offsets(%dma_start3A_1752 : memref<128xi32, #tpu.memory_space<vmem>>) semaphore(%arg17 : memref<!tpu.dma_semaphore, #tpu.memory_space<semaphore_mem>>)
    %dma_wait3A_1756 = tpu.memref_slice %arg5[%sub3A_1195, %mul3A_1194] : memref<2x4096xi32, #tpu.memory_space<vmem>> -> memref<1x128xi32, #tpu.memory_space<vmem>>
    %dma_wait3A_1757 = tpu.memref_squeeze %dma_wait3A_1756 : memref<1x128xi32, #tpu.memory_space<vmem>> -> memref<128xi32, #tpu.memory_space<vmem>>
    %dma_wait3A_1758 = arith.constant 0 : i32
    %dma_wait3A_1759 = arith.constant 0 : i32
    %dma_wait3A_1760 = tpu.memref_slice %arg3[%dma_wait3A_1758, %dma_wait3A_1759] : memref<100000x128xf32, #tpu.memory_space<hbm>> -> memref<100000x128xf32, #tpu.memory_space<hbm>>
    tpu.wait_indirect_dma semaphore(%arg19 : memref<!tpu.dma_semaphore, #tpu.memory_space<semaphore_mem>>) src(%dma_wait3A_1760 : memref<100000x128xf32, #tpu.memory_space<hbm>>) dst(%arg12 : memref<128x128xf32, #tpu.memory_space<vmem>>)
    %add3A_1761 = arith.constant 13 : i32
    %add3A_1762 = arith.addi %mul3A_2, %add3A_1761 : i32
    %jit3A_1763 = arith.constant 32 : i32
    %div3A_1764 = arith.divsi %add3A_1762, %jit3A_1763 : i32
    %sign3A_1765 = arith.constant 0 : i32
    %sign3A_1766 = arith.cmpi sgt, %add3A_1762, %sign3A_1765 : i32
    %sign3A_1767 = arith.extui %sign3A_1766 : i1 to i32
    %sign3A_1768 = arith.constant 0 : i32
    %sign3A_1769 = arith.cmpi slt, %add3A_1762, %sign3A_1768 : i32
    %sign3A_1770 = arith.extui %sign3A_1769 : i1 to i32
    %sign3A_1771 = arith.subi %sign3A_1767, %sign3A_1770 : i32
    %sign3A_1772 = arith.constant 0 : i32
    %sign3A_1773 = arith.cmpi sgt, %jit3A_1763, %sign3A_1772 : i32
    %sign3A_1774 = arith.extui %sign3A_1773 : i1 to i32
    %sign3A_1775 = arith.constant 0 : i32
    %sign3A_1776 = arith.cmpi slt, %jit3A_1763, %sign3A_1775 : i32
    %sign3A_1777 = arith.extui %sign3A_1776 : i1 to i32
    %sign3A_1778 = arith.subi %sign3A_1774, %sign3A_1777 : i32
    %ne3A_1779 = arith.cmpi ne, %sign3A_1771, %sign3A_1778 : i32
    %rem3A_1780 = arith.remsi %add3A_1762, %jit3A_1763 : i32
    %ne3A_1781 = arith.constant 0 : i32
    %ne3A_1782 = arith.cmpi ne, %rem3A_1780, %ne3A_1781 : i32
    %and3A_1783 = arith.andi %ne3A_1779, %ne3A_1782 : i1
    %sub3A_1784 = arith.constant 1 : i32
    %sub3A_1785 = arith.subi %div3A_1764, %sub3A_1784 : i32
    %select_n3A_1786 = arith.select %and3A_1783, %sub3A_1785, %div3A_1764 : i32
    %jit3A_1787 = arith.constant 32 : i32
    %eq3A_1788 = arith.constant 0 : i32
    %eq3A_1789 = arith.cmpi eq, %jit3A_1787, %eq3A_1788 : i32
    %jit3A_1790 = arith.constant 1 : i32
    %select_n3A_1791 = arith.select %eq3A_1789, %jit3A_1790, %jit3A_1787 : i32
    %rem3A_1792 = arith.remsi %add3A_1762, %select_n3A_1791 : i32
    %ne3A_1793 = arith.constant 0 : i32
    %ne3A_1794 = arith.cmpi ne, %rem3A_1792, %ne3A_1793 : i32
    %lt3A_1795 = arith.constant 0 : i32
    %lt3A_1796 = arith.cmpi slt, %rem3A_1792, %lt3A_1795 : i32
    %lt3A_1797 = arith.constant 0 : i32
    %lt3A_1798 = arith.cmpi slt, %select_n3A_1791, %lt3A_1797 : i32
    %ne3A_1799 = arith.xori %lt3A_1796, %lt3A_1798 : i1
    %and3A_1800 = arith.andi %ne3A_1799, %ne3A_1794 : i1
    %add3A_1801 = arith.addi %rem3A_1792, %select_n3A_1791 : i32
    %select_n3A_1802 = arith.select %and3A_1800, %add3A_1801, %rem3A_1792 : i32
    %mul3A_1803 = arith.constant 128 : i32
    %mul3A_1804 = arith.muli %select_n3A_1802, %mul3A_1803 : i32
    %dma_start3A_1805 = arith.constant 0 : i32
    %dma_start3A_1806 = tpu.memref_slice %arg4[%select_n3A_1786, %mul3A_1804, %dma_start3A_1805] : memref<26x4096x128xf32, #tpu.memory_space<hbm>> -> memref<1x128x128xf32, #tpu.memory_space<hbm>>
    %dma_start3A_1807 = tpu.memref_squeeze %dma_start3A_1806 : memref<1x128x128xf32, #tpu.memory_space<hbm>> -> memref<128x128xf32, #tpu.memory_space<hbm>>
    %dma_start3A_1808 = arith.constant 0 : i32
    %dma_start3A_1809 = tpu.memref_slice %arg4[%select_n3A_1786, %mul3A_1804, %dma_start3A_1808] : memref<26x4096x128xf32, #tpu.memory_space<hbm>> -> memref<1x128x128xf32, #tpu.memory_space<hbm>>
    %dma_start3A_1810 = tpu.memref_squeeze %dma_start3A_1809 : memref<1x128x128xf32, #tpu.memory_space<hbm>> -> memref<128x128xf32, #tpu.memory_space<hbm>>
    tpu.enqueue_dma source(%arg12 : memref<128x128xf32, #tpu.memory_space<vmem>>) target(%dma_start3A_1810 : memref<128x128xf32, #tpu.memory_space<hbm>>) target_semaphore(%arg26 : memref<!tpu.dma_semaphore, #tpu.memory_space<semaphore_mem>>)
    %dma_wait3A_1811 = arith.constant 0 : i32
    %dma_wait3A_1812 = tpu.memref_slice %arg4[%select_n3A_1675, %mul3A_1693, %dma_wait3A_1811] : memref<26x4096x128xf32, #tpu.memory_space<hbm>> -> memref<1x128x128xf32, #tpu.memory_space<hbm>>
    %dma_wait3A_1813 = tpu.memref_squeeze %dma_wait3A_1812 : memref<1x128x128xf32, #tpu.memory_space<hbm>> -> memref<128x128xf32, #tpu.memory_space<hbm>>
    %dma_wait3A_1814 = arith.constant 0 : i32
    %dma_wait3A_1815 = tpu.memref_slice %arg4[%select_n3A_1675, %mul3A_1693, %dma_wait3A_1814] : memref<26x4096x128xf32, #tpu.memory_space<hbm>> -> memref<1x128x128xf32, #tpu.memory_space<hbm>>
    %dma_wait3A_1816 = tpu.memref_squeeze %dma_wait3A_1815 : memref<1x128x128xf32, #tpu.memory_space<hbm>> -> memref<128x128xf32, #tpu.memory_space<hbm>>
    tpu.wait_dma2 semaphore(%arg25 : memref<!tpu.dma_semaphore, #tpu.memory_space<semaphore_mem>>) src(%arg11 : memref<128x128xf32, #tpu.memory_space<vmem>>) dst(%dma_wait3A_1816 : memref<128x128xf32, #tpu.memory_space<hbm>>)
    %add3A_1817 = arith.constant 19 : i32
    %add3A_1818 = arith.addi %mul3A_2, %add3A_1817 : i32
    %jit3A_1819 = arith.constant 32 : i32
    %div3A_1820 = arith.divsi %add3A_1818, %jit3A_1819 : i32
    %sign3A_1821 = arith.constant 0 : i32
    %sign3A_1822 = arith.cmpi sgt, %add3A_1818, %sign3A_1821 : i32
    %sign3A_1823 = arith.extui %sign3A_1822 : i1 to i32
    %sign3A_1824 = arith.constant 0 : i32
    %sign3A_1825 = arith.cmpi slt, %add3A_1818, %sign3A_1824 : i32
    %sign3A_1826 = arith.extui %sign3A_1825 : i1 to i32
    %sign3A_1827 = arith.subi %sign3A_1823, %sign3A_1826 : i32
    %sign3A_1828 = arith.constant 0 : i32
    %sign3A_1829 = arith.cmpi sgt, %jit3A_1819, %sign3A_1828 : i32
    %sign3A_1830 = arith.extui %sign3A_1829 : i1 to i32
    %sign3A_1831 = arith.constant 0 : i32
    %sign3A_1832 = arith.cmpi slt, %jit3A_1819, %sign3A_1831 : i32
    %sign3A_1833 = arith.extui %sign3A_1832 : i1 to i32
    %sign3A_1834 = arith.subi %sign3A_1830, %sign3A_1833 : i32
    %ne3A_1835 = arith.cmpi ne, %sign3A_1827, %sign3A_1834 : i32
    %rem3A_1836 = arith.remsi %add3A_1818, %jit3A_1819 : i32
    %ne3A_1837 = arith.constant 0 : i32
    %ne3A_1838 = arith.cmpi ne, %rem3A_1836, %ne3A_1837 : i32
    %and3A_1839 = arith.andi %ne3A_1835, %ne3A_1838 : i1
    %sub3A_1840 = arith.constant 1 : i32
    %sub3A_1841 = arith.subi %div3A_1820, %sub3A_1840 : i32
    %select_n3A_1842 = arith.select %and3A_1839, %sub3A_1841, %div3A_1820 : i32
    %jit3A_1843 = arith.constant 32 : i32
    %eq3A_1844 = arith.constant 0 : i32
    %eq3A_1845 = arith.cmpi eq, %jit3A_1843, %eq3A_1844 : i32
    %jit3A_1846 = arith.constant 1 : i32
    %select_n3A_1847 = arith.select %eq3A_1845, %jit3A_1846, %jit3A_1843 : i32
    %rem3A_1848 = arith.remsi %add3A_1818, %select_n3A_1847 : i32
    %ne3A_1849 = arith.constant 0 : i32
    %ne3A_1850 = arith.cmpi ne, %rem3A_1848, %ne3A_1849 : i32
    %lt3A_1851 = arith.constant 0 : i32
    %lt3A_1852 = arith.cmpi slt, %rem3A_1848, %lt3A_1851 : i32
    %lt3A_1853 = arith.constant 0 : i32
    %lt3A_1854 = arith.cmpi slt, %select_n3A_1847, %lt3A_1853 : i32
    %ne3A_1855 = arith.xori %lt3A_1852, %lt3A_1854 : i1
    %and3A_1856 = arith.andi %ne3A_1855, %ne3A_1850 : i1
    %add3A_1857 = arith.addi %rem3A_1848, %select_n3A_1847 : i32
    %select_n3A_1858 = arith.select %and3A_1856, %add3A_1857, %rem3A_1848 : i32
    %mul3A_1859 = arith.constant 128 : i32
    %mul3A_1860 = arith.muli %select_n3A_1858, %mul3A_1859 : i32
    %sub3A_1861 = arith.subi %select_n3A_1842, %min3A_19 : i32
    %dma_start3A_1862 = tpu.memref_slice %arg5[%sub3A_1861, %mul3A_1860] : memref<2x4096xi32, #tpu.memory_space<vmem>> -> memref<1x128xi32, #tpu.memory_space<vmem>>
    %dma_start3A_1863 = tpu.memref_squeeze %dma_start3A_1862 : memref<1x128xi32, #tpu.memory_space<vmem>> -> memref<128xi32, #tpu.memory_space<vmem>>
    %dma_start3A_1864 = arith.constant 0 : i32
    %dma_start3A_1865 = arith.constant 0 : i32
    %dma_start3A_1866 = tpu.memref_slice %arg3[%dma_start3A_1864, %dma_start3A_1865] : memref<100000x128xf32, #tpu.memory_space<hbm>> -> memref<100000x128xf32, #tpu.memory_space<hbm>>
    tpu.enqueue_indirect_dma source(%dma_start3A_1866 : memref<100000x128xf32, #tpu.memory_space<hbm>>) target(%arg11 : memref<128x128xf32, #tpu.memory_space<vmem>>) offsets(%dma_start3A_1863 : memref<128xi32, #tpu.memory_space<vmem>>) semaphore(%arg18 : memref<!tpu.dma_semaphore, #tpu.memory_space<semaphore_mem>>)
    %dma_wait3A_1867 = tpu.memref_slice %arg5[%sub3A_1306, %mul3A_1305] : memref<2x4096xi32, #tpu.memory_space<vmem>> -> memref<1x128xi32, #tpu.memory_space<vmem>>
    %dma_wait3A_1868 = tpu.memref_squeeze %dma_wait3A_1867 : memref<1x128xi32, #tpu.memory_space<vmem>> -> memref<128xi32, #tpu.memory_space<vmem>>
    %dma_wait3A_1869 = arith.constant 0 : i32
    %dma_wait3A_1870 = arith.constant 0 : i32
    %dma_wait3A_1871 = tpu.memref_slice %arg3[%dma_wait3A_1869, %dma_wait3A_1870] : memref<100000x128xf32, #tpu.memory_space<hbm>> -> memref<100000x128xf32, #tpu.memory_space<hbm>>
    tpu.wait_indirect_dma semaphore(%arg13 : memref<!tpu.dma_semaphore, #tpu.memory_space<semaphore_mem>>) src(%dma_wait3A_1871 : memref<100000x128xf32, #tpu.memory_space<hbm>>) dst(%arg6 : memref<128x128xf32, #tpu.memory_space<vmem>>)
    %add3A_1872 = arith.constant 14 : i32
    %add3A_1873 = arith.addi %mul3A_2, %add3A_1872 : i32
    %jit3A_1874 = arith.constant 32 : i32
    %div3A_1875 = arith.divsi %add3A_1873, %jit3A_1874 : i32
    %sign3A_1876 = arith.constant 0 : i32
    %sign3A_1877 = arith.cmpi sgt, %add3A_1873, %sign3A_1876 : i32
    %sign3A_1878 = arith.extui %sign3A_1877 : i1 to i32
    %sign3A_1879 = arith.constant 0 : i32
    %sign3A_1880 = arith.cmpi slt, %add3A_1873, %sign3A_1879 : i32
    %sign3A_1881 = arith.extui %sign3A_1880 : i1 to i32
    %sign3A_1882 = arith.subi %sign3A_1878, %sign3A_1881 : i32
    %sign3A_1883 = arith.constant 0 : i32
    %sign3A_1884 = arith.cmpi sgt, %jit3A_1874, %sign3A_1883 : i32
    %sign3A_1885 = arith.extui %sign3A_1884 : i1 to i32
    %sign3A_1886 = arith.constant 0 : i32
    %sign3A_1887 = arith.cmpi slt, %jit3A_1874, %sign3A_1886 : i32
    %sign3A_1888 = arith.extui %sign3A_1887 : i1 to i32
    %sign3A_1889 = arith.subi %sign3A_1885, %sign3A_1888 : i32
    %ne3A_1890 = arith.cmpi ne, %sign3A_1882, %sign3A_1889 : i32
    %rem3A_1891 = arith.remsi %add3A_1873, %jit3A_1874 : i32
    %ne3A_1892 = arith.constant 0 : i32
    %ne3A_1893 = arith.cmpi ne, %rem3A_1891, %ne3A_1892 : i32
    %and3A_1894 = arith.andi %ne3A_1890, %ne3A_1893 : i1
    %sub3A_1895 = arith.constant 1 : i32
    %sub3A_1896 = arith.subi %div3A_1875, %sub3A_1895 : i32
    %select_n3A_1897 = arith.select %and3A_1894, %sub3A_1896, %div3A_1875 : i32
    %jit3A_1898 = arith.constant 32 : i32
    %eq3A_1899 = arith.constant 0 : i32
    %eq3A_1900 = arith.cmpi eq, %jit3A_1898, %eq3A_1899 : i32
    %jit3A_1901 = arith.constant 1 : i32
    %select_n3A_1902 = arith.select %eq3A_1900, %jit3A_1901, %jit3A_1898 : i32
    %rem3A_1903 = arith.remsi %add3A_1873, %select_n3A_1902 : i32
    %ne3A_1904 = arith.constant 0 : i32
    %ne3A_1905 = arith.cmpi ne, %rem3A_1903, %ne3A_1904 : i32
    %lt3A_1906 = arith.constant 0 : i32
    %lt3A_1907 = arith.cmpi slt, %rem3A_1903, %lt3A_1906 : i32
    %lt3A_1908 = arith.constant 0 : i32
    %lt3A_1909 = arith.cmpi slt, %select_n3A_1902, %lt3A_1908 : i32
    %ne3A_1910 = arith.xori %lt3A_1907, %lt3A_1909 : i1
    %and3A_1911 = arith.andi %ne3A_1910, %ne3A_1905 : i1
    %add3A_1912 = arith.addi %rem3A_1903, %select_n3A_1902 : i32
    %select_n3A_1913 = arith.select %and3A_1911, %add3A_1912, %rem3A_1903 : i32
    %mul3A_1914 = arith.constant 128 : i32
    %mul3A_1915 = arith.muli %select_n3A_1913, %mul3A_1914 : i32
    %dma_start3A_1916 = arith.constant 0 : i32
    %dma_start3A_1917 = tpu.memref_slice %arg4[%select_n3A_1897, %mul3A_1915, %dma_start3A_1916] : memref<26x4096x128xf32, #tpu.memory_space<hbm>> -> memref<1x128x128xf32, #tpu.memory_space<hbm>>
    %dma_start3A_1918 = tpu.memref_squeeze %dma_start3A_1917 : memref<1x128x128xf32, #tpu.memory_space<hbm>> -> memref<128x128xf32, #tpu.memory_space<hbm>>
    %dma_start3A_1919 = arith.constant 0 : i32
    %dma_start3A_1920 = tpu.memref_slice %arg4[%select_n3A_1897, %mul3A_1915, %dma_start3A_1919] : memref<26x4096x128xf32, #tpu.memory_space<hbm>> -> memref<1x128x128xf32, #tpu.memory_space<hbm>>
    %dma_start3A_1921 = tpu.memref_squeeze %dma_start3A_1920 : memref<1x128x128xf32, #tpu.memory_space<hbm>> -> memref<128x128xf32, #tpu.memory_space<hbm>>
    tpu.enqueue_dma source(%arg6 : memref<128x128xf32, #tpu.memory_space<vmem>>) target(%dma_start3A_1921 : memref<128x128xf32, #tpu.memory_space<hbm>>) target_semaphore(%arg20 : memref<!tpu.dma_semaphore, #tpu.memory_space<semaphore_mem>>)
    %dma_wait3A_1922 = arith.constant 0 : i32
    %dma_wait3A_1923 = tpu.memref_slice %arg4[%select_n3A_1786, %mul3A_1804, %dma_wait3A_1922] : memref<26x4096x128xf32, #tpu.memory_space<hbm>> -> memref<1x128x128xf32, #tpu.memory_space<hbm>>
    %dma_wait3A_1924 = tpu.memref_squeeze %dma_wait3A_1923 : memref<1x128x128xf32, #tpu.memory_space<hbm>> -> memref<128x128xf32, #tpu.memory_space<hbm>>
    %dma_wait3A_1925 = arith.constant 0 : i32
    %dma_wait3A_1926 = tpu.memref_slice %arg4[%select_n3A_1786, %mul3A_1804, %dma_wait3A_1925] : memref<26x4096x128xf32, #tpu.memory_space<hbm>> -> memref<1x128x128xf32, #tpu.memory_space<hbm>>
    %dma_wait3A_1927 = tpu.memref_squeeze %dma_wait3A_1926 : memref<1x128x128xf32, #tpu.memory_space<hbm>> -> memref<128x128xf32, #tpu.memory_space<hbm>>
    tpu.wait_dma2 semaphore(%arg26 : memref<!tpu.dma_semaphore, #tpu.memory_space<semaphore_mem>>) src(%arg12 : memref<128x128xf32, #tpu.memory_space<vmem>>) dst(%dma_wait3A_1927 : memref<128x128xf32, #tpu.memory_space<hbm>>)
    %add3A_1928 = arith.constant 20 : i32
    %add3A_1929 = arith.addi %mul3A_2, %add3A_1928 : i32
    %jit3A_1930 = arith.constant 32 : i32
    %div3A_1931 = arith.divsi %add3A_1929, %jit3A_1930 : i32
    %sign3A_1932 = arith.constant 0 : i32
    %sign3A_1933 = arith.cmpi sgt, %add3A_1929, %sign3A_1932 : i32
    %sign3A_1934 = arith.extui %sign3A_1933 : i1 to i32
    %sign3A_1935 = arith.constant 0 : i32
    %sign3A_1936 = arith.cmpi slt, %add3A_1929, %sign3A_1935 : i32
    %sign3A_1937 = arith.extui %sign3A_1936 : i1 to i32
    %sign3A_1938 = arith.subi %sign3A_1934, %sign3A_1937 : i32
    %sign3A_1939 = arith.constant 0 : i32
    %sign3A_1940 = arith.cmpi sgt, %jit3A_1930, %sign3A_1939 : i32
    %sign3A_1941 = arith.extui %sign3A_1940 : i1 to i32
    %sign3A_1942 = arith.constant 0 : i32
    %sign3A_1943 = arith.cmpi slt, %jit3A_1930, %sign3A_1942 : i32
    %sign3A_1944 = arith.extui %sign3A_1943 : i1 to i32
    %sign3A_1945 = arith.subi %sign3A_1941, %sign3A_1944 : i32
    %ne3A_1946 = arith.cmpi ne, %sign3A_1938, %sign3A_1945 : i32
    %rem3A_1947 = arith.remsi %add3A_1929, %jit3A_1930 : i32
    %ne3A_1948 = arith.constant 0 : i32
    %ne3A_1949 = arith.cmpi ne, %rem3A_1947, %ne3A_1948 : i32
    %and3A_1950 = arith.andi %ne3A_1946, %ne3A_1949 : i1
    %sub3A_1951 = arith.constant 1 : i32
    %sub3A_1952 = arith.subi %div3A_1931, %sub3A_1951 : i32
    %select_n3A_1953 = arith.select %and3A_1950, %sub3A_1952, %div3A_1931 : i32
    %jit3A_1954 = arith.constant 32 : i32
    %eq3A_1955 = arith.constant 0 : i32
    %eq3A_1956 = arith.cmpi eq, %jit3A_1954, %eq3A_1955 : i32
    %jit3A_1957 = arith.constant 1 : i32
    %select_n3A_1958 = arith.select %eq3A_1956, %jit3A_1957, %jit3A_1954 : i32
    %rem3A_1959 = arith.remsi %add3A_1929, %select_n3A_1958 : i32
    %ne3A_1960 = arith.constant 0 : i32
    %ne3A_1961 = arith.cmpi ne, %rem3A_1959, %ne3A_1960 : i32
    %lt3A_1962 = arith.constant 0 : i32
    %lt3A_1963 = arith.cmpi slt, %rem3A_1959, %lt3A_1962 : i32
    %lt3A_1964 = arith.constant 0 : i32
    %lt3A_1965 = arith.cmpi slt, %select_n3A_1958, %lt3A_1964 : i32
    %ne3A_1966 = arith.xori %lt3A_1963, %lt3A_1965 : i1
    %and3A_1967 = arith.andi %ne3A_1966, %ne3A_1961 : i1
    %add3A_1968 = arith.addi %rem3A_1959, %select_n3A_1958 : i32
    %select_n3A_1969 = arith.select %and3A_1967, %add3A_1968, %rem3A_1959 : i32
    %mul3A_1970 = arith.constant 128 : i32
    %mul3A_1971 = arith.muli %select_n3A_1969, %mul3A_1970 : i32
    %sub3A_1972 = arith.subi %select_n3A_1953, %min3A_19 : i32
    %dma_start3A_1973 = tpu.memref_slice %arg5[%sub3A_1972, %mul3A_1971] : memref<2x4096xi32, #tpu.memory_space<vmem>> -> memref<1x128xi32, #tpu.memory_space<vmem>>
    %dma_start3A_1974 = tpu.memref_squeeze %dma_start3A_1973 : memref<1x128xi32, #tpu.memory_space<vmem>> -> memref<128xi32, #tpu.memory_space<vmem>>
    %dma_start3A_1975 = arith.constant 0 : i32
    %dma_start3A_1976 = arith.constant 0 : i32
    %dma_start3A_1977 = tpu.memref_slice %arg3[%dma_start3A_1975, %dma_start3A_1976] : memref<100000x128xf32, #tpu.memory_space<hbm>> -> memref<100000x128xf32, #tpu.memory_space<hbm>>
    tpu.enqueue_indirect_dma source(%dma_start3A_1977 : memref<100000x128xf32, #tpu.memory_space<hbm>>) target(%arg12 : memref<128x128xf32, #tpu.memory_space<vmem>>) offsets(%dma_start3A_1974 : memref<128xi32, #tpu.memory_space<vmem>>) semaphore(%arg19 : memref<!tpu.dma_semaphore, #tpu.memory_space<semaphore_mem>>)
    %dma_wait3A_1978 = tpu.memref_slice %arg5[%sub3A_1417, %mul3A_1416] : memref<2x4096xi32, #tpu.memory_space<vmem>> -> memref<1x128xi32, #tpu.memory_space<vmem>>
    %dma_wait3A_1979 = tpu.memref_squeeze %dma_wait3A_1978 : memref<1x128xi32, #tpu.memory_space<vmem>> -> memref<128xi32, #tpu.memory_space<vmem>>
    %dma_wait3A_1980 = arith.constant 0 : i32
    %dma_wait3A_1981 = arith.constant 0 : i32
    %dma_wait3A_1982 = tpu.memref_slice %arg3[%dma_wait3A_1980, %dma_wait3A_1981] : memref<100000x128xf32, #tpu.memory_space<hbm>> -> memref<100000x128xf32, #tpu.memory_space<hbm>>
    tpu.wait_indirect_dma semaphore(%arg14 : memref<!tpu.dma_semaphore, #tpu.memory_space<semaphore_mem>>) src(%dma_wait3A_1982 : memref<100000x128xf32, #tpu.memory_space<hbm>>) dst(%arg7 : memref<128x128xf32, #tpu.memory_space<vmem>>)
    %add3A_1983 = arith.constant 15 : i32
    %add3A_1984 = arith.addi %mul3A_2, %add3A_1983 : i32
    %jit3A_1985 = arith.constant 32 : i32
    %div3A_1986 = arith.divsi %add3A_1984, %jit3A_1985 : i32
    %sign3A_1987 = arith.constant 0 : i32
    %sign3A_1988 = arith.cmpi sgt, %add3A_1984, %sign3A_1987 : i32
    %sign3A_1989 = arith.extui %sign3A_1988 : i1 to i32
    %sign3A_1990 = arith.constant 0 : i32
    %sign3A_1991 = arith.cmpi slt, %add3A_1984, %sign3A_1990 : i32
    %sign3A_1992 = arith.extui %sign3A_1991 : i1 to i32
    %sign3A_1993 = arith.subi %sign3A_1989, %sign3A_1992 : i32
    %sign3A_1994 = arith.constant 0 : i32
    %sign3A_1995 = arith.cmpi sgt, %jit3A_1985, %sign3A_1994 : i32
    %sign3A_1996 = arith.extui %sign3A_1995 : i1 to i32
    %sign3A_1997 = arith.constant 0 : i32
    %sign3A_1998 = arith.cmpi slt, %jit3A_1985, %sign3A_1997 : i32
    %sign3A_1999 = arith.extui %sign3A_1998 : i1 to i32
    %sign3A_2000 = arith.subi %sign3A_1996, %sign3A_1999 : i32
    %ne3A_2001 = arith.cmpi ne, %sign3A_1993, %sign3A_2000 : i32
    %rem3A_2002 = arith.remsi %add3A_1984, %jit3A_1985 : i32
    %ne3A_2003 = arith.constant 0 : i32
    %ne3A_2004 = arith.cmpi ne, %rem3A_2002, %ne3A_2003 : i32
    %and3A_2005 = arith.andi %ne3A_2001, %ne3A_2004 : i1
    %sub3A_2006 = arith.constant 1 : i32
    %sub3A_2007 = arith.subi %div3A_1986, %sub3A_2006 : i32
    %select_n3A_2008 = arith.select %and3A_2005, %sub3A_2007, %div3A_1986 : i32
    %jit3A_2009 = arith.constant 32 : i32
    %eq3A_2010 = arith.constant 0 : i32
    %eq3A_2011 = arith.cmpi eq, %jit3A_2009, %eq3A_2010 : i32
    %jit3A_2012 = arith.constant 1 : i32
    %select_n3A_2013 = arith.select %eq3A_2011, %jit3A_2012, %jit3A_2009 : i32
    %rem3A_2014 = arith.remsi %add3A_1984, %select_n3A_2013 : i32
    %ne3A_2015 = arith.constant 0 : i32
    %ne3A_2016 = arith.cmpi ne, %rem3A_2014, %ne3A_2015 : i32
    %lt3A_2017 = arith.constant 0 : i32
    %lt3A_2018 = arith.cmpi slt, %rem3A_2014, %lt3A_2017 : i32
    %lt3A_2019 = arith.constant 0 : i32
    %lt3A_2020 = arith.cmpi slt, %select_n3A_2013, %lt3A_2019 : i32
    %ne3A_2021 = arith.xori %lt3A_2018, %lt3A_2020 : i1
    %and3A_2022 = arith.andi %ne3A_2021, %ne3A_2016 : i1
    %add3A_2023 = arith.addi %rem3A_2014, %select_n3A_2013 : i32
    %select_n3A_2024 = arith.select %and3A_2022, %add3A_2023, %rem3A_2014 : i32
    %mul3A_2025 = arith.constant 128 : i32
    %mul3A_2026 = arith.muli %select_n3A_2024, %mul3A_2025 : i32
    %dma_start3A_2027 = arith.constant 0 : i32
    %dma_start3A_2028 = tpu.memref_slice %arg4[%select_n3A_2008, %mul3A_2026, %dma_start3A_2027] : memref<26x4096x128xf32, #tpu.memory_space<hbm>> -> memref<1x128x128xf32, #tpu.memory_space<hbm>>
    %dma_start3A_2029 = tpu.memref_squeeze %dma_start3A_2028 : memref<1x128x128xf32, #tpu.memory_space<hbm>> -> memref<128x128xf32, #tpu.memory_space<hbm>>
    %dma_start3A_2030 = arith.constant 0 : i32
    %dma_start3A_2031 = tpu.memref_slice %arg4[%select_n3A_2008, %mul3A_2026, %dma_start3A_2030] : memref<26x4096x128xf32, #tpu.memory_space<hbm>> -> memref<1x128x128xf32, #tpu.memory_space<hbm>>
    %dma_start3A_2032 = tpu.memref_squeeze %dma_start3A_2031 : memref<1x128x128xf32, #tpu.memory_space<hbm>> -> memref<128x128xf32, #tpu.memory_space<hbm>>
    tpu.enqueue_dma source(%arg7 : memref<128x128xf32, #tpu.memory_space<vmem>>) target(%dma_start3A_2032 : memref<128x128xf32, #tpu.memory_space<hbm>>) target_semaphore(%arg21 : memref<!tpu.dma_semaphore, #tpu.memory_space<semaphore_mem>>)
    %dma_wait3A_2033 = arith.constant 0 : i32
    %dma_wait3A_2034 = tpu.memref_slice %arg4[%select_n3A_1897, %mul3A_1915, %dma_wait3A_2033] : memref<26x4096x128xf32, #tpu.memory_space<hbm>> -> memref<1x128x128xf32, #tpu.memory_space<hbm>>
    %dma_wait3A_2035 = tpu.memref_squeeze %dma_wait3A_2034 : memref<1x128x128xf32, #tpu.memory_space<hbm>> -> memref<128x128xf32, #tpu.memory_space<hbm>>
    %dma_wait3A_2036 = arith.constant 0 : i32
    %dma_wait3A_2037 = tpu.memref_slice %arg4[%select_n3A_1897, %mul3A_1915, %dma_wait3A_2036] : memref<26x4096x128xf32, #tpu.memory_space<hbm>> -> memref<1x128x128xf32, #tpu.memory_space<hbm>>
    %dma_wait3A_2038 = tpu.memref_squeeze %dma_wait3A_2037 : memref<1x128x128xf32, #tpu.memory_space<hbm>> -> memref<128x128xf32, #tpu.memory_space<hbm>>
    tpu.wait_dma2 semaphore(%arg20 : memref<!tpu.dma_semaphore, #tpu.memory_space<semaphore_mem>>) src(%arg6 : memref<128x128xf32, #tpu.memory_space<vmem>>) dst(%dma_wait3A_2038 : memref<128x128xf32, #tpu.memory_space<hbm>>)
    %add3A_2039 = arith.constant 21 : i32
    %add3A_2040 = arith.addi %mul3A_2, %add3A_2039 : i32
    %jit3A_2041 = arith.constant 32 : i32
    %div3A_2042 = arith.divsi %add3A_2040, %jit3A_2041 : i32
    %sign3A_2043 = arith.constant 0 : i32
    %sign3A_2044 = arith.cmpi sgt, %add3A_2040, %sign3A_2043 : i32
    %sign3A_2045 = arith.extui %sign3A_2044 : i1 to i32
    %sign3A_2046 = arith.constant 0 : i32
    %sign3A_2047 = arith.cmpi slt, %add3A_2040, %sign3A_2046 : i32
    %sign3A_2048 = arith.extui %sign3A_2047 : i1 to i32
    %sign3A_2049 = arith.subi %sign3A_2045, %sign3A_2048 : i32
    %sign3A_2050 = arith.constant 0 : i32
    %sign3A_2051 = arith.cmpi sgt, %jit3A_2041, %sign3A_2050 : i32
    %sign3A_2052 = arith.extui %sign3A_2051 : i1 to i32
    %sign3A_2053 = arith.constant 0 : i32
    %sign3A_2054 = arith.cmpi slt, %jit3A_2041, %sign3A_2053 : i32
    %sign3A_2055 = arith.extui %sign3A_2054 : i1 to i32
    %sign3A_2056 = arith.subi %sign3A_2052, %sign3A_2055 : i32
    %ne3A_2057 = arith.cmpi ne, %sign3A_2049, %sign3A_2056 : i32
    %rem3A_2058 = arith.remsi %add3A_2040, %jit3A_2041 : i32
    %ne3A_2059 = arith.constant 0 : i32
    %ne3A_2060 = arith.cmpi ne, %rem3A_2058, %ne3A_2059 : i32
    %and3A_2061 = arith.andi %ne3A_2057, %ne3A_2060 : i1
    %sub3A_2062 = arith.constant 1 : i32
    %sub3A_2063 = arith.subi %div3A_2042, %sub3A_2062 : i32
    %select_n3A_2064 = arith.select %and3A_2061, %sub3A_2063, %div3A_2042 : i32
    %jit3A_2065 = arith.constant 32 : i32
    %eq3A_2066 = arith.constant 0 : i32
    %eq3A_2067 = arith.cmpi eq, %jit3A_2065, %eq3A_2066 : i32
    %jit3A_2068 = arith.constant 1 : i32
    %select_n3A_2069 = arith.select %eq3A_2067, %jit3A_2068, %jit3A_2065 : i32
    %rem3A_2070 = arith.remsi %add3A_2040, %select_n3A_2069 : i32
    %ne3A_2071 = arith.constant 0 : i32
    %ne3A_2072 = arith.cmpi ne, %rem3A_2070, %ne3A_2071 : i32
    %lt3A_2073 = arith.constant 0 : i32
    %lt3A_2074 = arith.cmpi slt, %rem3A_2070, %lt3A_2073 : i32
    %lt3A_2075 = arith.constant 0 : i32
    %lt3A_2076 = arith.cmpi slt, %select_n3A_2069, %lt3A_2075 : i32
    %ne3A_2077 = arith.xori %lt3A_2074, %lt3A_2076 : i1
    %and3A_2078 = arith.andi %ne3A_2077, %ne3A_2072 : i1
    %add3A_2079 = arith.addi %rem3A_2070, %select_n3A_2069 : i32
    %select_n3A_2080 = arith.select %and3A_2078, %add3A_2079, %rem3A_2070 : i32
    %mul3A_2081 = arith.constant 128 : i32
    %mul3A_2082 = arith.muli %select_n3A_2080, %mul3A_2081 : i32
    %sub3A_2083 = arith.subi %select_n3A_2064, %min3A_19 : i32
    %dma_start3A_2084 = tpu.memref_slice %arg5[%sub3A_2083, %mul3A_2082] : memref<2x4096xi32, #tpu.memory_space<vmem>> -> memref<1x128xi32, #tpu.memory_space<vmem>>
    %dma_start3A_2085 = tpu.memref_squeeze %dma_start3A_2084 : memref<1x128xi32, #tpu.memory_space<vmem>> -> memref<128xi32, #tpu.memory_space<vmem>>
    %dma_start3A_2086 = arith.constant 0 : i32
    %dma_start3A_2087 = arith.constant 0 : i32
    %dma_start3A_2088 = tpu.memref_slice %arg3[%dma_start3A_2086, %dma_start3A_2087] : memref<100000x128xf32, #tpu.memory_space<hbm>> -> memref<100000x128xf32, #tpu.memory_space<hbm>>
    tpu.enqueue_indirect_dma source(%dma_start3A_2088 : memref<100000x128xf32, #tpu.memory_space<hbm>>) target(%arg6 : memref<128x128xf32, #tpu.memory_space<vmem>>) offsets(%dma_start3A_2085 : memref<128xi32, #tpu.memory_space<vmem>>) semaphore(%arg13 : memref<!tpu.dma_semaphore, #tpu.memory_space<semaphore_mem>>)
    %dma_wait3A_2089 = tpu.memref_slice %arg5[%sub3A_1528, %mul3A_1527] : memref<2x4096xi32, #tpu.memory_space<vmem>> -> memref<1x128xi32, #tpu.memory_space<vmem>>
    %dma_wait3A_2090 = tpu.memref_squeeze %dma_wait3A_2089 : memref<1x128xi32, #tpu.memory_space<vmem>> -> memref<128xi32, #tpu.memory_space<vmem>>
    %dma_wait3A_2091 = arith.constant 0 : i32
    %dma_wait3A_2092 = arith.constant 0 : i32
    %dma_wait3A_2093 = tpu.memref_slice %arg3[%dma_wait3A_2091, %dma_wait3A_2092] : memref<100000x128xf32, #tpu.memory_space<hbm>> -> memref<100000x128xf32, #tpu.memory_space<hbm>>
    tpu.wait_indirect_dma semaphore(%arg15 : memref<!tpu.dma_semaphore, #tpu.memory_space<semaphore_mem>>) src(%dma_wait3A_2093 : memref<100000x128xf32, #tpu.memory_space<hbm>>) dst(%arg8 : memref<128x128xf32, #tpu.memory_space<vmem>>)
    %add3A_2094 = arith.constant 16 : i32
    %add3A_2095 = arith.addi %mul3A_2, %add3A_2094 : i32
    %jit3A_2096 = arith.constant 32 : i32
    %div3A_2097 = arith.divsi %add3A_2095, %jit3A_2096 : i32
    %sign3A_2098 = arith.constant 0 : i32
    %sign3A_2099 = arith.cmpi sgt, %add3A_2095, %sign3A_2098 : i32
    %sign3A_2100 = arith.extui %sign3A_2099 : i1 to i32
    %sign3A_2101 = arith.constant 0 : i32
    %sign3A_2102 = arith.cmpi slt, %add3A_2095, %sign3A_2101 : i32
    %sign3A_2103 = arith.extui %sign3A_2102 : i1 to i32
    %sign3A_2104 = arith.subi %sign3A_2100, %sign3A_2103 : i32
    %sign3A_2105 = arith.constant 0 : i32
    %sign3A_2106 = arith.cmpi sgt, %jit3A_2096, %sign3A_2105 : i32
    %sign3A_2107 = arith.extui %sign3A_2106 : i1 to i32
    %sign3A_2108 = arith.constant 0 : i32
    %sign3A_2109 = arith.cmpi slt, %jit3A_2096, %sign3A_2108 : i32
    %sign3A_2110 = arith.extui %sign3A_2109 : i1 to i32
    %sign3A_2111 = arith.subi %sign3A_2107, %sign3A_2110 : i32
    %ne3A_2112 = arith.cmpi ne, %sign3A_2104, %sign3A_2111 : i32
    %rem3A_2113 = arith.remsi %add3A_2095, %jit3A_2096 : i32
    %ne3A_2114 = arith.constant 0 : i32
    %ne3A_2115 = arith.cmpi ne, %rem3A_2113, %ne3A_2114 : i32
    %and3A_2116 = arith.andi %ne3A_2112, %ne3A_2115 : i1
    %sub3A_2117 = arith.constant 1 : i32
    %sub3A_2118 = arith.subi %div3A_2097, %sub3A_2117 : i32
    %select_n3A_2119 = arith.select %and3A_2116, %sub3A_2118, %div3A_2097 : i32
    %jit3A_2120 = arith.constant 32 : i32
    %eq3A_2121 = arith.constant 0 : i32
    %eq3A_2122 = arith.cmpi eq, %jit3A_2120, %eq3A_2121 : i32
    %jit3A_2123 = arith.constant 1 : i32
    %select_n3A_2124 = arith.select %eq3A_2122, %jit3A_2123, %jit3A_2120 : i32
    %rem3A_2125 = arith.remsi %add3A_2095, %select_n3A_2124 : i32
    %ne3A_2126 = arith.constant 0 : i32
    %ne3A_2127 = arith.cmpi ne, %rem3A_2125, %ne3A_2126 : i32
    %lt3A_2128 = arith.constant 0 : i32
    %lt3A_2129 = arith.cmpi slt, %rem3A_2125, %lt3A_2128 : i32
    %lt3A_2130 = arith.constant 0 : i32
    %lt3A_2131 = arith.cmpi slt, %select_n3A_2124, %lt3A_2130 : i32
    %ne3A_2132 = arith.xori %lt3A_2129, %lt3A_2131 : i1
    %and3A_2133 = arith.andi %ne3A_2132, %ne3A_2127 : i1
    %add3A_2134 = arith.addi %rem3A_2125, %select_n3A_2124 : i32
    %select_n3A_2135 = arith.select %and3A_2133, %add3A_2134, %rem3A_2125 : i32
    %mul3A_2136 = arith.constant 128 : i32
    %mul3A_2137 = arith.muli %select_n3A_2135, %mul3A_2136 : i32
    %dma_start3A_2138 = arith.constant 0 : i32
    %dma_start3A_2139 = tpu.memref_slice %arg4[%select_n3A_2119, %mul3A_2137, %dma_start3A_2138] : memref<26x4096x128xf32, #tpu.memory_space<hbm>> -> memref<1x128x128xf32, #tpu.memory_space<hbm>>
    %dma_start3A_2140 = tpu.memref_squeeze %dma_start3A_2139 : memref<1x128x128xf32, #tpu.memory_space<hbm>> -> memref<128x128xf32, #tpu.memory_space<hbm>>
    %dma_start3A_2141 = arith.constant 0 : i32
    %dma_start3A_2142 = tpu.memref_slice %arg4[%select_n3A_2119, %mul3A_2137, %dma_start3A_2141] : memref<26x4096x128xf32, #tpu.memory_space<hbm>> -> memref<1x128x128xf32, #tpu.memory_space<hbm>>
    %dma_start3A_2143 = tpu.memref_squeeze %dma_start3A_2142 : memref<1x128x128xf32, #tpu.memory_space<hbm>> -> memref<128x128xf32, #tpu.memory_space<hbm>>
    tpu.enqueue_dma source(%arg8 : memref<128x128xf32, #tpu.memory_space<vmem>>) target(%dma_start3A_2143 : memref<128x128xf32, #tpu.memory_space<hbm>>) target_semaphore(%arg22 : memref<!tpu.dma_semaphore, #tpu.memory_space<semaphore_mem>>)
    %dma_wait3A_2144 = arith.constant 0 : i32
    %dma_wait3A_2145 = tpu.memref_slice %arg4[%select_n3A_2008, %mul3A_2026, %dma_wait3A_2144] : memref<26x4096x128xf32, #tpu.memory_space<hbm>> -> memref<1x128x128xf32, #tpu.memory_space<hbm>>
    %dma_wait3A_2146 = tpu.memref_squeeze %dma_wait3A_2145 : memref<1x128x128xf32, #tpu.memory_space<hbm>> -> memref<128x128xf32, #tpu.memory_space<hbm>>
    %dma_wait3A_2147 = arith.constant 0 : i32
    %dma_wait3A_2148 = tpu.memref_slice %arg4[%select_n3A_2008, %mul3A_2026, %dma_wait3A_2147] : memref<26x4096x128xf32, #tpu.memory_space<hbm>> -> memref<1x128x128xf32, #tpu.memory_space<hbm>>
    %dma_wait3A_2149 = tpu.memref_squeeze %dma_wait3A_2148 : memref<1x128x128xf32, #tpu.memory_space<hbm>> -> memref<128x128xf32, #tpu.memory_space<hbm>>
    tpu.wait_dma2 semaphore(%arg21 : memref<!tpu.dma_semaphore, #tpu.memory_space<semaphore_mem>>) src(%arg7 : memref<128x128xf32, #tpu.memory_space<vmem>>) dst(%dma_wait3A_2149 : memref<128x128xf32, #tpu.memory_space<hbm>>)
    %add3A_2150 = arith.constant 22 : i32
    %add3A_2151 = arith.addi %mul3A_2, %add3A_2150 : i32
    %jit3A_2152 = arith.constant 32 : i32
    %div3A_2153 = arith.divsi %add3A_2151, %jit3A_2152 : i32
    %sign3A_2154 = arith.constant 0 : i32
    %sign3A_2155 = arith.cmpi sgt, %add3A_2151, %sign3A_2154 : i32
    %sign3A_2156 = arith.extui %sign3A_2155 : i1 to i32
    %sign3A_2157 = arith.constant 0 : i32
    %sign3A_2158 = arith.cmpi slt, %add3A_2151, %sign3A_2157 : i32
    %sign3A_2159 = arith.extui %sign3A_2158 : i1 to i32
    %sign3A_2160 = arith.subi %sign3A_2156, %sign3A_2159 : i32
    %sign3A_2161 = arith.constant 0 : i32
    %sign3A_2162 = arith.cmpi sgt, %jit3A_2152, %sign3A_2161 : i32
    %sign3A_2163 = arith.extui %sign3A_2162 : i1 to i32
    %sign3A_2164 = arith.constant 0 : i32
    %sign3A_2165 = arith.cmpi slt, %jit3A_2152, %sign3A_2164 : i32
    %sign3A_2166 = arith.extui %sign3A_2165 : i1 to i32
    %sign3A_2167 = arith.subi %sign3A_2163, %sign3A_2166 : i32
    %ne3A_2168 = arith.cmpi ne, %sign3A_2160, %sign3A_2167 : i32
    %rem3A_2169 = arith.remsi %add3A_2151, %jit3A_2152 : i32
    %ne3A_2170 = arith.constant 0 : i32
    %ne3A_2171 = arith.cmpi ne, %rem3A_2169, %ne3A_2170 : i32
    %and3A_2172 = arith.andi %ne3A_2168, %ne3A_2171 : i1
    %sub3A_2173 = arith.constant 1 : i32
    %sub3A_2174 = arith.subi %div3A_2153, %sub3A_2173 : i32
    %select_n3A_2175 = arith.select %and3A_2172, %sub3A_2174, %div3A_2153 : i32
    %jit3A_2176 = arith.constant 32 : i32
    %eq3A_2177 = arith.constant 0 : i32
    %eq3A_2178 = arith.cmpi eq, %jit3A_2176, %eq3A_2177 : i32
    %jit3A_2179 = arith.constant 1 : i32
    %select_n3A_2180 = arith.select %eq3A_2178, %jit3A_2179, %jit3A_2176 : i32
    %rem3A_2181 = arith.remsi %add3A_2151, %select_n3A_2180 : i32
    %ne3A_2182 = arith.constant 0 : i32
    %ne3A_2183 = arith.cmpi ne, %rem3A_2181, %ne3A_2182 : i32
    %lt3A_2184 = arith.constant 0 : i32
    %lt3A_2185 = arith.cmpi slt, %rem3A_2181, %lt3A_2184 : i32
    %lt3A_2186 = arith.constant 0 : i32
    %lt3A_2187 = arith.cmpi slt, %select_n3A_2180, %lt3A_2186 : i32
    %ne3A_2188 = arith.xori %lt3A_2185, %lt3A_2187 : i1
    %and3A_2189 = arith.andi %ne3A_2188, %ne3A_2183 : i1
    %add3A_2190 = arith.addi %rem3A_2181, %select_n3A_2180 : i32
    %select_n3A_2191 = arith.select %and3A_2189, %add3A_2190, %rem3A_2181 : i32
    %mul3A_2192 = arith.constant 128 : i32
    %mul3A_2193 = arith.muli %select_n3A_2191, %mul3A_2192 : i32
    %sub3A_2194 = arith.subi %select_n3A_2175, %min3A_19 : i32
    %dma_start3A_2195 = tpu.memref_slice %arg5[%sub3A_2194, %mul3A_2193] : memref<2x4096xi32, #tpu.memory_space<vmem>> -> memref<1x128xi32, #tpu.memory_space<vmem>>
    %dma_start3A_2196 = tpu.memref_squeeze %dma_start3A_2195 : memref<1x128xi32, #tpu.memory_space<vmem>> -> memref<128xi32, #tpu.memory_space<vmem>>
    %dma_start3A_2197 = arith.constant 0 : i32
    %dma_start3A_2198 = arith.constant 0 : i32
    %dma_start3A_2199 = tpu.memref_slice %arg3[%dma_start3A_2197, %dma_start3A_2198] : memref<100000x128xf32, #tpu.memory_space<hbm>> -> memref<100000x128xf32, #tpu.memory_space<hbm>>
    tpu.enqueue_indirect_dma source(%dma_start3A_2199 : memref<100000x128xf32, #tpu.memory_space<hbm>>) target(%arg7 : memref<128x128xf32, #tpu.memory_space<vmem>>) offsets(%dma_start3A_2196 : memref<128xi32, #tpu.memory_space<vmem>>) semaphore(%arg14 : memref<!tpu.dma_semaphore, #tpu.memory_space<semaphore_mem>>)
    %dma_wait3A_2200 = tpu.memref_slice %arg5[%sub3A_1639, %mul3A_1638] : memref<2x4096xi32, #tpu.memory_space<vmem>> -> memref<1x128xi32, #tpu.memory_space<vmem>>
    %dma_wait3A_2201 = tpu.memref_squeeze %dma_wait3A_2200 : memref<1x128xi32, #tpu.memory_space<vmem>> -> memref<128xi32, #tpu.memory_space<vmem>>
    %dma_wait3A_2202 = arith.constant 0 : i32
    %dma_wait3A_2203 = arith.constant 0 : i32
    %dma_wait3A_2204 = tpu.memref_slice %arg3[%dma_wait3A_2202, %dma_wait3A_2203] : memref<100000x128xf32, #tpu.memory_space<hbm>> -> memref<100000x128xf32, #tpu.memory_space<hbm>>
    tpu.wait_indirect_dma semaphore(%arg16 : memref<!tpu.dma_semaphore, #tpu.memory_space<semaphore_mem>>) src(%dma_wait3A_2204 : memref<100000x128xf32, #tpu.memory_space<hbm>>) dst(%arg9 : memref<128x128xf32, #tpu.memory_space<vmem>>)
    %add3A_2205 = arith.constant 17 : i32
    %add3A_2206 = arith.addi %mul3A_2, %add3A_2205 : i32
    %jit3A_2207 = arith.constant 32 : i32
    %div3A_2208 = arith.divsi %add3A_2206, %jit3A_2207 : i32
    %sign3A_2209 = arith.constant 0 : i32
    %sign3A_2210 = arith.cmpi sgt, %add3A_2206, %sign3A_2209 : i32
    %sign3A_2211 = arith.extui %sign3A_2210 : i1 to i32
    %sign3A_2212 = arith.constant 0 : i32
    %sign3A_2213 = arith.cmpi slt, %add3A_2206, %sign3A_2212 : i32
    %sign3A_2214 = arith.extui %sign3A_2213 : i1 to i32
    %sign3A_2215 = arith.subi %sign3A_2211, %sign3A_2214 : i32
    %sign3A_2216 = arith.constant 0 : i32
    %sign3A_2217 = arith.cmpi sgt, %jit3A_2207, %sign3A_2216 : i32
    %sign3A_2218 = arith.extui %sign3A_2217 : i1 to i32
    %sign3A_2219 = arith.constant 0 : i32
    %sign3A_2220 = arith.cmpi slt, %jit3A_2207, %sign3A_2219 : i32
    %sign3A_2221 = arith.extui %sign3A_2220 : i1 to i32
    %sign3A_2222 = arith.subi %sign3A_2218, %sign3A_2221 : i32
    %ne3A_2223 = arith.cmpi ne, %sign3A_2215, %sign3A_2222 : i32
    %rem3A_2224 = arith.remsi %add3A_2206, %jit3A_2207 : i32
    %ne3A_2225 = arith.constant 0 : i32
    %ne3A_2226 = arith.cmpi ne, %rem3A_2224, %ne3A_2225 : i32
    %and3A_2227 = arith.andi %ne3A_2223, %ne3A_2226 : i1
    %sub3A_2228 = arith.constant 1 : i32
    %sub3A_2229 = arith.subi %div3A_2208, %sub3A_2228 : i32
    %select_n3A_2230 = arith.select %and3A_2227, %sub3A_2229, %div3A_2208 : i32
    %jit3A_2231 = arith.constant 32 : i32
    %eq3A_2232 = arith.constant 0 : i32
    %eq3A_2233 = arith.cmpi eq, %jit3A_2231, %eq3A_2232 : i32
    %jit3A_2234 = arith.constant 1 : i32
    %select_n3A_2235 = arith.select %eq3A_2233, %jit3A_2234, %jit3A_2231 : i32
    %rem3A_2236 = arith.remsi %add3A_2206, %select_n3A_2235 : i32
    %ne3A_2237 = arith.constant 0 : i32
    %ne3A_2238 = arith.cmpi ne, %rem3A_2236, %ne3A_2237 : i32
    %lt3A_2239 = arith.constant 0 : i32
    %lt3A_2240 = arith.cmpi slt, %rem3A_2236, %lt3A_2239 : i32
    %lt3A_2241 = arith.constant 0 : i32
    %lt3A_2242 = arith.cmpi slt, %select_n3A_2235, %lt3A_2241 : i32
    %ne3A_2243 = arith.xori %lt3A_2240, %lt3A_2242 : i1
    %and3A_2244 = arith.andi %ne3A_2243, %ne3A_2238 : i1
    %add3A_2245 = arith.addi %rem3A_2236, %select_n3A_2235 : i32
    %select_n3A_2246 = arith.select %and3A_2244, %add3A_2245, %rem3A_2236 : i32
    %mul3A_2247 = arith.constant 128 : i32
    %mul3A_2248 = arith.muli %select_n3A_2246, %mul3A_2247 : i32
    %dma_start3A_2249 = arith.constant 0 : i32
    %dma_start3A_2250 = tpu.memref_slice %arg4[%select_n3A_2230, %mul3A_2248, %dma_start3A_2249] : memref<26x4096x128xf32, #tpu.memory_space<hbm>> -> memref<1x128x128xf32, #tpu.memory_space<hbm>>
    %dma_start3A_2251 = tpu.memref_squeeze %dma_start3A_2250 : memref<1x128x128xf32, #tpu.memory_space<hbm>> -> memref<128x128xf32, #tpu.memory_space<hbm>>
    %dma_start3A_2252 = arith.constant 0 : i32
    %dma_start3A_2253 = tpu.memref_slice %arg4[%select_n3A_2230, %mul3A_2248, %dma_start3A_2252] : memref<26x4096x128xf32, #tpu.memory_space<hbm>> -> memref<1x128x128xf32, #tpu.memory_space<hbm>>
    %dma_start3A_2254 = tpu.memref_squeeze %dma_start3A_2253 : memref<1x128x128xf32, #tpu.memory_space<hbm>> -> memref<128x128xf32, #tpu.memory_space<hbm>>
    tpu.enqueue_dma source(%arg9 : memref<128x128xf32, #tpu.memory_space<vmem>>) target(%dma_start3A_2254 : memref<128x128xf32, #tpu.memory_space<hbm>>) target_semaphore(%arg23 : memref<!tpu.dma_semaphore, #tpu.memory_space<semaphore_mem>>)
    %dma_wait3A_2255 = arith.constant 0 : i32
    %dma_wait3A_2256 = tpu.memref_slice %arg4[%select_n3A_2119, %mul3A_2137, %dma_wait3A_2255] : memref<26x4096x128xf32, #tpu.memory_space<hbm>> -> memref<1x128x128xf32, #tpu.memory_space<hbm>>
    %dma_wait3A_2257 = tpu.memref_squeeze %dma_wait3A_2256 : memref<1x128x128xf32, #tpu.memory_space<hbm>> -> memref<128x128xf32, #tpu.memory_space<hbm>>
    %dma_wait3A_2258 = arith.constant 0 : i32
    %dma_wait3A_2259 = tpu.memref_slice %arg4[%select_n3A_2119, %mul3A_2137, %dma_wait3A_2258] : memref<26x4096x128xf32, #tpu.memory_space<hbm>> -> memref<1x128x128xf32, #tpu.memory_space<hbm>>
    %dma_wait3A_2260 = tpu.memref_squeeze %dma_wait3A_2259 : memref<1x128x128xf32, #tpu.memory_space<hbm>> -> memref<128x128xf32, #tpu.memory_space<hbm>>
    tpu.wait_dma2 semaphore(%arg22 : memref<!tpu.dma_semaphore, #tpu.memory_space<semaphore_mem>>) src(%arg8 : memref<128x128xf32, #tpu.memory_space<vmem>>) dst(%dma_wait3A_2260 : memref<128x128xf32, #tpu.memory_space<hbm>>)
    %add3A_2261 = arith.constant 23 : i32
    %add3A_2262 = arith.addi %mul3A_2, %add3A_2261 : i32
    %jit3A_2263 = arith.constant 32 : i32
    %div3A_2264 = arith.divsi %add3A_2262, %jit3A_2263 : i32
    %sign3A_2265 = arith.constant 0 : i32
    %sign3A_2266 = arith.cmpi sgt, %add3A_2262, %sign3A_2265 : i32
    %sign3A_2267 = arith.extui %sign3A_2266 : i1 to i32
    %sign3A_2268 = arith.constant 0 : i32
    %sign3A_2269 = arith.cmpi slt, %add3A_2262, %sign3A_2268 : i32
    %sign3A_2270 = arith.extui %sign3A_2269 : i1 to i32
    %sign3A_2271 = arith.subi %sign3A_2267, %sign3A_2270 : i32
    %sign3A_2272 = arith.constant 0 : i32
    %sign3A_2273 = arith.cmpi sgt, %jit3A_2263, %sign3A_2272 : i32
    %sign3A_2274 = arith.extui %sign3A_2273 : i1 to i32
    %sign3A_2275 = arith.constant 0 : i32
    %sign3A_2276 = arith.cmpi slt, %jit3A_2263, %sign3A_2275 : i32
    %sign3A_2277 = arith.extui %sign3A_2276 : i1 to i32
    %sign3A_2278 = arith.subi %sign3A_2274, %sign3A_2277 : i32
    %ne3A_2279 = arith.cmpi ne, %sign3A_2271, %sign3A_2278 : i32
    %rem3A_2280 = arith.remsi %add3A_2262, %jit3A_2263 : i32
    %ne3A_2281 = arith.constant 0 : i32
    %ne3A_2282 = arith.cmpi ne, %rem3A_2280, %ne3A_2281 : i32
    %and3A_2283 = arith.andi %ne3A_2279, %ne3A_2282 : i1
    %sub3A_2284 = arith.constant 1 : i32
    %sub3A_2285 = arith.subi %div3A_2264, %sub3A_2284 : i32
    %select_n3A_2286 = arith.select %and3A_2283, %sub3A_2285, %div3A_2264 : i32
    %jit3A_2287 = arith.constant 32 : i32
    %eq3A_2288 = arith.constant 0 : i32
    %eq3A_2289 = arith.cmpi eq, %jit3A_2287, %eq3A_2288 : i32
    %jit3A_2290 = arith.constant 1 : i32
    %select_n3A_2291 = arith.select %eq3A_2289, %jit3A_2290, %jit3A_2287 : i32
    %rem3A_2292 = arith.remsi %add3A_2262, %select_n3A_2291 : i32
    %ne3A_2293 = arith.constant 0 : i32
    %ne3A_2294 = arith.cmpi ne, %rem3A_2292, %ne3A_2293 : i32
    %lt3A_2295 = arith.constant 0 : i32
    %lt3A_2296 = arith.cmpi slt, %rem3A_2292, %lt3A_2295 : i32
    %lt3A_2297 = arith.constant 0 : i32
    %lt3A_2298 = arith.cmpi slt, %select_n3A_2291, %lt3A_2297 : i32
    %ne3A_2299 = arith.xori %lt3A_2296, %lt3A_2298 : i1
    %and3A_2300 = arith.andi %ne3A_2299, %ne3A_2294 : i1
    %add3A_2301 = arith.addi %rem3A_2292, %select_n3A_2291 : i32
    %select_n3A_2302 = arith.select %and3A_2300, %add3A_2301, %rem3A_2292 : i32
    %mul3A_2303 = arith.constant 128 : i32
    %mul3A_2304 = arith.muli %select_n3A_2302, %mul3A_2303 : i32
    %sub3A_2305 = arith.subi %select_n3A_2286, %min3A_19 : i32
    %dma_start3A_2306 = tpu.memref_slice %arg5[%sub3A_2305, %mul3A_2304] : memref<2x4096xi32, #tpu.memory_space<vmem>> -> memref<1x128xi32, #tpu.memory_space<vmem>>
    %dma_start3A_2307 = tpu.memref_squeeze %dma_start3A_2306 : memref<1x128xi32, #tpu.memory_space<vmem>> -> memref<128xi32, #tpu.memory_space<vmem>>
    %dma_start3A_2308 = arith.constant 0 : i32
    %dma_start3A_2309 = arith.constant 0 : i32
    %dma_start3A_2310 = tpu.memref_slice %arg3[%dma_start3A_2308, %dma_start3A_2309] : memref<100000x128xf32, #tpu.memory_space<hbm>> -> memref<100000x128xf32, #tpu.memory_space<hbm>>
    tpu.enqueue_indirect_dma source(%dma_start3A_2310 : memref<100000x128xf32, #tpu.memory_space<hbm>>) target(%arg8 : memref<128x128xf32, #tpu.memory_space<vmem>>) offsets(%dma_start3A_2307 : memref<128xi32, #tpu.memory_space<vmem>>) semaphore(%arg15 : memref<!tpu.dma_semaphore, #tpu.memory_space<semaphore_mem>>)
    %dma_wait3A_2311 = tpu.memref_slice %arg5[%sub3A_1750, %mul3A_1749] : memref<2x4096xi32, #tpu.memory_space<vmem>> -> memref<1x128xi32, #tpu.memory_space<vmem>>
    %dma_wait3A_2312 = tpu.memref_squeeze %dma_wait3A_2311 : memref<1x128xi32, #tpu.memory_space<vmem>> -> memref<128xi32, #tpu.memory_space<vmem>>
    %dma_wait3A_2313 = arith.constant 0 : i32
    %dma_wait3A_2314 = arith.constant 0 : i32
    %dma_wait3A_2315 = tpu.memref_slice %arg3[%dma_wait3A_2313, %dma_wait3A_2314] : memref<100000x128xf32, #tpu.memory_space<hbm>> -> memref<100000x128xf32, #tpu.memory_space<hbm>>
    tpu.wait_indirect_dma semaphore(%arg17 : memref<!tpu.dma_semaphore, #tpu.memory_space<semaphore_mem>>) src(%dma_wait3A_2315 : memref<100000x128xf32, #tpu.memory_space<hbm>>) dst(%arg10 : memref<128x128xf32, #tpu.memory_space<vmem>>)
    %add3A_2316 = arith.constant 18 : i32
    %add3A_2317 = arith.addi %mul3A_2, %add3A_2316 : i32
    %jit3A_2318 = arith.constant 32 : i32
    %div3A_2319 = arith.divsi %add3A_2317, %jit3A_2318 : i32
    %sign3A_2320 = arith.constant 0 : i32
    %sign3A_2321 = arith.cmpi sgt, %add3A_2317, %sign3A_2320 : i32
    %sign3A_2322 = arith.extui %sign3A_2321 : i1 to i32
    %sign3A_2323 = arith.constant 0 : i32
    %sign3A_2324 = arith.cmpi slt, %add3A_2317, %sign3A_2323 : i32
    %sign3A_2325 = arith.extui %sign3A_2324 : i1 to i32
    %sign3A_2326 = arith.subi %sign3A_2322, %sign3A_2325 : i32
    %sign3A_2327 = arith.constant 0 : i32
    %sign3A_2328 = arith.cmpi sgt, %jit3A_2318, %sign3A_2327 : i32
    %sign3A_2329 = arith.extui %sign3A_2328 : i1 to i32
    %sign3A_2330 = arith.constant 0 : i32
    %sign3A_2331 = arith.cmpi slt, %jit3A_2318, %sign3A_2330 : i32
    %sign3A_2332 = arith.extui %sign3A_2331 : i1 to i32
    %sign3A_2333 = arith.subi %sign3A_2329, %sign3A_2332 : i32
    %ne3A_2334 = arith.cmpi ne, %sign3A_2326, %sign3A_2333 : i32
    %rem3A_2335 = arith.remsi %add3A_2317, %jit3A_2318 : i32
    %ne3A_2336 = arith.constant 0 : i32
    %ne3A_2337 = arith.cmpi ne, %rem3A_2335, %ne3A_2336 : i32
    %and3A_2338 = arith.andi %ne3A_2334, %ne3A_2337 : i1
    %sub3A_2339 = arith.constant 1 : i32
    %sub3A_2340 = arith.subi %div3A_2319, %sub3A_2339 : i32
    %select_n3A_2341 = arith.select %and3A_2338, %sub3A_2340, %div3A_2319 : i32
    %jit3A_2342 = arith.constant 32 : i32
    %eq3A_2343 = arith.constant 0 : i32
    %eq3A_2344 = arith.cmpi eq, %jit3A_2342, %eq3A_2343 : i32
    %jit3A_2345 = arith.constant 1 : i32
    %select_n3A_2346 = arith.select %eq3A_2344, %jit3A_2345, %jit3A_2342 : i32
    %rem3A_2347 = arith.remsi %add3A_2317, %select_n3A_2346 : i32
    %ne3A_2348 = arith.constant 0 : i32
    %ne3A_2349 = arith.cmpi ne, %rem3A_2347, %ne3A_2348 : i32
    %lt3A_2350 = arith.constant 0 : i32
    %lt3A_2351 = arith.cmpi slt, %rem3A_2347, %lt3A_2350 : i32
    %lt3A_2352 = arith.constant 0 : i32
    %lt3A_2353 = arith.cmpi slt, %select_n3A_2346, %lt3A_2352 : i32
    %ne3A_2354 = arith.xori %lt3A_2351, %lt3A_2353 : i1
    %and3A_2355 = arith.andi %ne3A_2354, %ne3A_2349 : i1
    %add3A_2356 = arith.addi %rem3A_2347, %select_n3A_2346 : i32
    %select_n3A_2357 = arith.select %and3A_2355, %add3A_2356, %rem3A_2347 : i32
    %mul3A_2358 = arith.constant 128 : i32
    %mul3A_2359 = arith.muli %select_n3A_2357, %mul3A_2358 : i32
    %dma_start3A_2360 = arith.constant 0 : i32
    %dma_start3A_2361 = tpu.memref_slice %arg4[%select_n3A_2341, %mul3A_2359, %dma_start3A_2360] : memref<26x4096x128xf32, #tpu.memory_space<hbm>> -> memref<1x128x128xf32, #tpu.memory_space<hbm>>
    %dma_start3A_2362 = tpu.memref_squeeze %dma_start3A_2361 : memref<1x128x128xf32, #tpu.memory_space<hbm>> -> memref<128x128xf32, #tpu.memory_space<hbm>>
    %dma_start3A_2363 = arith.constant 0 : i32
    %dma_start3A_2364 = tpu.memref_slice %arg4[%select_n3A_2341, %mul3A_2359, %dma_start3A_2363] : memref<26x4096x128xf32, #tpu.memory_space<hbm>> -> memref<1x128x128xf32, #tpu.memory_space<hbm>>
    %dma_start3A_2365 = tpu.memref_squeeze %dma_start3A_2364 : memref<1x128x128xf32, #tpu.memory_space<hbm>> -> memref<128x128xf32, #tpu.memory_space<hbm>>
    tpu.enqueue_dma source(%arg10 : memref<128x128xf32, #tpu.memory_space<vmem>>) target(%dma_start3A_2365 : memref<128x128xf32, #tpu.memory_space<hbm>>) target_semaphore(%arg24 : memref<!tpu.dma_semaphore, #tpu.memory_space<semaphore_mem>>)
    %dma_wait3A_2366 = arith.constant 0 : i32
    %dma_wait3A_2367 = tpu.memref_slice %arg4[%select_n3A_2230, %mul3A_2248, %dma_wait3A_2366] : memref<26x4096x128xf32, #tpu.memory_space<hbm>> -> memref<1x128x128xf32, #tpu.memory_space<hbm>>
    %dma_wait3A_2368 = tpu.memref_squeeze %dma_wait3A_2367 : memref<1x128x128xf32, #tpu.memory_space<hbm>> -> memref<128x128xf32, #tpu.memory_space<hbm>>
    %dma_wait3A_2369 = arith.constant 0 : i32
    %dma_wait3A_2370 = tpu.memref_slice %arg4[%select_n3A_2230, %mul3A_2248, %dma_wait3A_2369] : memref<26x4096x128xf32, #tpu.memory_space<hbm>> -> memref<1x128x128xf32, #tpu.memory_space<hbm>>
    %dma_wait3A_2371 = tpu.memref_squeeze %dma_wait3A_2370 : memref<1x128x128xf32, #tpu.memory_space<hbm>> -> memref<128x128xf32, #tpu.memory_space<hbm>>
    tpu.wait_dma2 semaphore(%arg23 : memref<!tpu.dma_semaphore, #tpu.memory_space<semaphore_mem>>) src(%arg9 : memref<128x128xf32, #tpu.memory_space<vmem>>) dst(%dma_wait3A_2371 : memref<128x128xf32, #tpu.memory_space<hbm>>)
    %add3A_2372 = arith.constant 24 : i32
    %add3A_2373 = arith.addi %mul3A_2, %add3A_2372 : i32
    %jit3A_2374 = arith.constant 32 : i32
    %div3A_2375 = arith.divsi %add3A_2373, %jit3A_2374 : i32
    %sign3A_2376 = arith.constant 0 : i32
    %sign3A_2377 = arith.cmpi sgt, %add3A_2373, %sign3A_2376 : i32
    %sign3A_2378 = arith.extui %sign3A_2377 : i1 to i32
    %sign3A_2379 = arith.constant 0 : i32
    %sign3A_2380 = arith.cmpi slt, %add3A_2373, %sign3A_2379 : i32
    %sign3A_2381 = arith.extui %sign3A_2380 : i1 to i32
    %sign3A_2382 = arith.subi %sign3A_2378, %sign3A_2381 : i32
    %sign3A_2383 = arith.constant 0 : i32
    %sign3A_2384 = arith.cmpi sgt, %jit3A_2374, %sign3A_2383 : i32
    %sign3A_2385 = arith.extui %sign3A_2384 : i1 to i32
    %sign3A_2386 = arith.constant 0 : i32
    %sign3A_2387 = arith.cmpi slt, %jit3A_2374, %sign3A_2386 : i32
    %sign3A_2388 = arith.extui %sign3A_2387 : i1 to i32
    %sign3A_2389 = arith.subi %sign3A_2385, %sign3A_2388 : i32
    %ne3A_2390 = arith.cmpi ne, %sign3A_2382, %sign3A_2389 : i32
    %rem3A_2391 = arith.remsi %add3A_2373, %jit3A_2374 : i32
    %ne3A_2392 = arith.constant 0 : i32
    %ne3A_2393 = arith.cmpi ne, %rem3A_2391, %ne3A_2392 : i32
    %and3A_2394 = arith.andi %ne3A_2390, %ne3A_2393 : i1
    %sub3A_2395 = arith.constant 1 : i32
    %sub3A_2396 = arith.subi %div3A_2375, %sub3A_2395 : i32
    %select_n3A_2397 = arith.select %and3A_2394, %sub3A_2396, %div3A_2375 : i32
    %jit3A_2398 = arith.constant 32 : i32
    %eq3A_2399 = arith.constant 0 : i32
    %eq3A_2400 = arith.cmpi eq, %jit3A_2398, %eq3A_2399 : i32
    %jit3A_2401 = arith.constant 1 : i32
    %select_n3A_2402 = arith.select %eq3A_2400, %jit3A_2401, %jit3A_2398 : i32
    %rem3A_2403 = arith.remsi %add3A_2373, %select_n3A_2402 : i32
    %ne3A_2404 = arith.constant 0 : i32
    %ne3A_2405 = arith.cmpi ne, %rem3A_2403, %ne3A_2404 : i32
    %lt3A_2406 = arith.constant 0 : i32
    %lt3A_2407 = arith.cmpi slt, %rem3A_2403, %lt3A_2406 : i32
    %lt3A_2408 = arith.constant 0 : i32
    %lt3A_2409 = arith.cmpi slt, %select_n3A_2402, %lt3A_2408 : i32
    %ne3A_2410 = arith.xori %lt3A_2407, %lt3A_2409 : i1
    %and3A_2411 = arith.andi %ne3A_2410, %ne3A_2405 : i1
    %add3A_2412 = arith.addi %rem3A_2403, %select_n3A_2402 : i32
    %select_n3A_2413 = arith.select %and3A_2411, %add3A_2412, %rem3A_2403 : i32
    %mul3A_2414 = arith.constant 128 : i32
    %mul3A_2415 = arith.muli %select_n3A_2413, %mul3A_2414 : i32
    %sub3A_2416 = arith.subi %select_n3A_2397, %min3A_19 : i32
    %dma_start3A_2417 = tpu.memref_slice %arg5[%sub3A_2416, %mul3A_2415] : memref<2x4096xi32, #tpu.memory_space<vmem>> -> memref<1x128xi32, #tpu.memory_space<vmem>>
    %dma_start3A_2418 = tpu.memref_squeeze %dma_start3A_2417 : memref<1x128xi32, #tpu.memory_space<vmem>> -> memref<128xi32, #tpu.memory_space<vmem>>
    %dma_start3A_2419 = arith.constant 0 : i32
    %dma_start3A_2420 = arith.constant 0 : i32
    %dma_start3A_2421 = tpu.memref_slice %arg3[%dma_start3A_2419, %dma_start3A_2420] : memref<100000x128xf32, #tpu.memory_space<hbm>> -> memref<100000x128xf32, #tpu.memory_space<hbm>>
    tpu.enqueue_indirect_dma source(%dma_start3A_2421 : memref<100000x128xf32, #tpu.memory_space<hbm>>) target(%arg9 : memref<128x128xf32, #tpu.memory_space<vmem>>) offsets(%dma_start3A_2418 : memref<128xi32, #tpu.memory_space<vmem>>) semaphore(%arg16 : memref<!tpu.dma_semaphore, #tpu.memory_space<semaphore_mem>>)
    %dma_wait3A_2422 = tpu.memref_slice %arg5[%sub3A_1861, %mul3A_1860] : memref<2x4096xi32, #tpu.memory_space<vmem>> -> memref<1x128xi32, #tpu.memory_space<vmem>>
    %dma_wait3A_2423 = tpu.memref_squeeze %dma_wait3A_2422 : memref<1x128xi32, #tpu.memory_space<vmem>> -> memref<128xi32, #tpu.memory_space<vmem>>
    %dma_wait3A_2424 = arith.constant 0 : i32
    %dma_wait3A_2425 = arith.constant 0 : i32
    %dma_wait3A_2426 = tpu.memref_slice %arg3[%dma_wait3A_2424, %dma_wait3A_2425] : memref<100000x128xf32, #tpu.memory_space<hbm>> -> memref<100000x128xf32, #tpu.memory_space<hbm>>
    tpu.wait_indirect_dma semaphore(%arg18 : memref<!tpu.dma_semaphore, #tpu.memory_space<semaphore_mem>>) src(%dma_wait3A_2426 : memref<100000x128xf32, #tpu.memory_space<hbm>>) dst(%arg11 : memref<128x128xf32, #tpu.memory_space<vmem>>)
    %add3A_2427 = arith.constant 19 : i32
    %add3A_2428 = arith.addi %mul3A_2, %add3A_2427 : i32
    %jit3A_2429 = arith.constant 32 : i32
    %div3A_2430 = arith.divsi %add3A_2428, %jit3A_2429 : i32
    %sign3A_2431 = arith.constant 0 : i32
    %sign3A_2432 = arith.cmpi sgt, %add3A_2428, %sign3A_2431 : i32
    %sign3A_2433 = arith.extui %sign3A_2432 : i1 to i32
    %sign3A_2434 = arith.constant 0 : i32
    %sign3A_2435 = arith.cmpi slt, %add3A_2428, %sign3A_2434 : i32
    %sign3A_2436 = arith.extui %sign3A_2435 : i1 to i32
    %sign3A_2437 = arith.subi %sign3A_2433, %sign3A_2436 : i32
    %sign3A_2438 = arith.constant 0 : i32
    %sign3A_2439 = arith.cmpi sgt, %jit3A_2429, %sign3A_2438 : i32
    %sign3A_2440 = arith.extui %sign3A_2439 : i1 to i32
    %sign3A_2441 = arith.constant 0 : i32
    %sign3A_2442 = arith.cmpi slt, %jit3A_2429, %sign3A_2441 : i32
    %sign3A_2443 = arith.extui %sign3A_2442 : i1 to i32
    %sign3A_2444 = arith.subi %sign3A_2440, %sign3A_2443 : i32
    %ne3A_2445 = arith.cmpi ne, %sign3A_2437, %sign3A_2444 : i32
    %rem3A_2446 = arith.remsi %add3A_2428, %jit3A_2429 : i32
    %ne3A_2447 = arith.constant 0 : i32
    %ne3A_2448 = arith.cmpi ne, %rem3A_2446, %ne3A_2447 : i32
    %and3A_2449 = arith.andi %ne3A_2445, %ne3A_2448 : i1
    %sub3A_2450 = arith.constant 1 : i32
    %sub3A_2451 = arith.subi %div3A_2430, %sub3A_2450 : i32
    %select_n3A_2452 = arith.select %and3A_2449, %sub3A_2451, %div3A_2430 : i32
    %jit3A_2453 = arith.constant 32 : i32
    %eq3A_2454 = arith.constant 0 : i32
    %eq3A_2455 = arith.cmpi eq, %jit3A_2453, %eq3A_2454 : i32
    %jit3A_2456 = arith.constant 1 : i32
    %select_n3A_2457 = arith.select %eq3A_2455, %jit3A_2456, %jit3A_2453 : i32
    %rem3A_2458 = arith.remsi %add3A_2428, %select_n3A_2457 : i32
    %ne3A_2459 = arith.constant 0 : i32
    %ne3A_2460 = arith.cmpi ne, %rem3A_2458, %ne3A_2459 : i32
    %lt3A_2461 = arith.constant 0 : i32
    %lt3A_2462 = arith.cmpi slt, %rem3A_2458, %lt3A_2461 : i32
    %lt3A_2463 = arith.constant 0 : i32
    %lt3A_2464 = arith.cmpi slt, %select_n3A_2457, %lt3A_2463 : i32
    %ne3A_2465 = arith.xori %lt3A_2462, %lt3A_2464 : i1
    %and3A_2466 = arith.andi %ne3A_2465, %ne3A_2460 : i1
    %add3A_2467 = arith.addi %rem3A_2458, %select_n3A_2457 : i32
    %select_n3A_2468 = arith.select %and3A_2466, %add3A_2467, %rem3A_2458 : i32
    %mul3A_2469 = arith.constant 128 : i32
    %mul3A_2470 = arith.muli %select_n3A_2468, %mul3A_2469 : i32
    %dma_start3A_2471 = arith.constant 0 : i32
    %dma_start3A_2472 = tpu.memref_slice %arg4[%select_n3A_2452, %mul3A_2470, %dma_start3A_2471] : memref<26x4096x128xf32, #tpu.memory_space<hbm>> -> memref<1x128x128xf32, #tpu.memory_space<hbm>>
    %dma_start3A_2473 = tpu.memref_squeeze %dma_start3A_2472 : memref<1x128x128xf32, #tpu.memory_space<hbm>> -> memref<128x128xf32, #tpu.memory_space<hbm>>
    %dma_start3A_2474 = arith.constant 0 : i32
    %dma_start3A_2475 = tpu.memref_slice %arg4[%select_n3A_2452, %mul3A_2470, %dma_start3A_2474] : memref<26x4096x128xf32, #tpu.memory_space<hbm>> -> memref<1x128x128xf32, #tpu.memory_space<hbm>>
    %dma_start3A_2476 = tpu.memref_squeeze %dma_start3A_2475 : memref<1x128x128xf32, #tpu.memory_space<hbm>> -> memref<128x128xf32, #tpu.memory_space<hbm>>
    tpu.enqueue_dma source(%arg11 : memref<128x128xf32, #tpu.memory_space<vmem>>) target(%dma_start3A_2476 : memref<128x128xf32, #tpu.memory_space<hbm>>) target_semaphore(%arg25 : memref<!tpu.dma_semaphore, #tpu.memory_space<semaphore_mem>>)
    %dma_wait3A_2477 = arith.constant 0 : i32
    %dma_wait3A_2478 = tpu.memref_slice %arg4[%select_n3A_2341, %mul3A_2359, %dma_wait3A_2477] : memref<26x4096x128xf32, #tpu.memory_space<hbm>> -> memref<1x128x128xf32, #tpu.memory_space<hbm>>
    %dma_wait3A_2479 = tpu.memref_squeeze %dma_wait3A_2478 : memref<1x128x128xf32, #tpu.memory_space<hbm>> -> memref<128x128xf32, #tpu.memory_space<hbm>>
    %dma_wait3A_2480 = arith.constant 0 : i32
    %dma_wait3A_2481 = tpu.memref_slice %arg4[%select_n3A_2341, %mul3A_2359, %dma_wait3A_2480] : memref<26x4096x128xf32, #tpu.memory_space<hbm>> -> memref<1x128x128xf32, #tpu.memory_space<hbm>>
    %dma_wait3A_2482 = tpu.memref_squeeze %dma_wait3A_2481 : memref<1x128x128xf32, #tpu.memory_space<hbm>> -> memref<128x128xf32, #tpu.memory_space<hbm>>
    tpu.wait_dma2 semaphore(%arg24 : memref<!tpu.dma_semaphore, #tpu.memory_space<semaphore_mem>>) src(%arg10 : memref<128x128xf32, #tpu.memory_space<vmem>>) dst(%dma_wait3A_2482 : memref<128x128xf32, #tpu.memory_space<hbm>>)
    %add3A_2483 = arith.constant 25 : i32
    %add3A_2484 = arith.addi %mul3A_2, %add3A_2483 : i32
    %jit3A_2485 = arith.constant 32 : i32
    %div3A_2486 = arith.divsi %add3A_2484, %jit3A_2485 : i32
    %sign3A_2487 = arith.constant 0 : i32
    %sign3A_2488 = arith.cmpi sgt, %add3A_2484, %sign3A_2487 : i32
    %sign3A_2489 = arith.extui %sign3A_2488 : i1 to i32
    %sign3A_2490 = arith.constant 0 : i32
    %sign3A_2491 = arith.cmpi slt, %add3A_2484, %sign3A_2490 : i32
    %sign3A_2492 = arith.extui %sign3A_2491 : i1 to i32
    %sign3A_2493 = arith.subi %sign3A_2489, %sign3A_2492 : i32
    %sign3A_2494 = arith.constant 0 : i32
    %sign3A_2495 = arith.cmpi sgt, %jit3A_2485, %sign3A_2494 : i32
    %sign3A_2496 = arith.extui %sign3A_2495 : i1 to i32
    %sign3A_2497 = arith.constant 0 : i32
    %sign3A_2498 = arith.cmpi slt, %jit3A_2485, %sign3A_2497 : i32
    %sign3A_2499 = arith.extui %sign3A_2498 : i1 to i32
    %sign3A_2500 = arith.subi %sign3A_2496, %sign3A_2499 : i32
    %ne3A_2501 = arith.cmpi ne, %sign3A_2493, %sign3A_2500 : i32
    %rem3A_2502 = arith.remsi %add3A_2484, %jit3A_2485 : i32
    %ne3A_2503 = arith.constant 0 : i32
    %ne3A_2504 = arith.cmpi ne, %rem3A_2502, %ne3A_2503 : i32
    %and3A_2505 = arith.andi %ne3A_2501, %ne3A_2504 : i1
    %sub3A_2506 = arith.constant 1 : i32
    %sub3A_2507 = arith.subi %div3A_2486, %sub3A_2506 : i32
    %select_n3A_2508 = arith.select %and3A_2505, %sub3A_2507, %div3A_2486 : i32
    %jit3A_2509 = arith.constant 32 : i32
    %eq3A_2510 = arith.constant 0 : i32
    %eq3A_2511 = arith.cmpi eq, %jit3A_2509, %eq3A_2510 : i32
    %jit3A_2512 = arith.constant 1 : i32
    %select_n3A_2513 = arith.select %eq3A_2511, %jit3A_2512, %jit3A_2509 : i32
    %rem3A_2514 = arith.remsi %add3A_2484, %select_n3A_2513 : i32
    %ne3A_2515 = arith.constant 0 : i32
    %ne3A_2516 = arith.cmpi ne, %rem3A_2514, %ne3A_2515 : i32
    %lt3A_2517 = arith.constant 0 : i32
    %lt3A_2518 = arith.cmpi slt, %rem3A_2514, %lt3A_2517 : i32
    %lt3A_2519 = arith.constant 0 : i32
    %lt3A_2520 = arith.cmpi slt, %select_n3A_2513, %lt3A_2519 : i32
    %ne3A_2521 = arith.xori %lt3A_2518, %lt3A_2520 : i1
    %and3A_2522 = arith.andi %ne3A_2521, %ne3A_2516 : i1
    %add3A_2523 = arith.addi %rem3A_2514, %select_n3A_2513 : i32
    %select_n3A_2524 = arith.select %and3A_2522, %add3A_2523, %rem3A_2514 : i32
    %mul3A_2525 = arith.constant 128 : i32
    %mul3A_2526 = arith.muli %select_n3A_2524, %mul3A_2525 : i32
    %sub3A_2527 = arith.subi %select_n3A_2508, %min3A_19 : i32
    %dma_start3A_2528 = tpu.memref_slice %arg5[%sub3A_2527, %mul3A_2526] : memref<2x4096xi32, #tpu.memory_space<vmem>> -> memref<1x128xi32, #tpu.memory_space<vmem>>
    %dma_start3A_2529 = tpu.memref_squeeze %dma_start3A_2528 : memref<1x128xi32, #tpu.memory_space<vmem>> -> memref<128xi32, #tpu.memory_space<vmem>>
    %dma_start3A_2530 = arith.constant 0 : i32
    %dma_start3A_2531 = arith.constant 0 : i32
    %dma_start3A_2532 = tpu.memref_slice %arg3[%dma_start3A_2530, %dma_start3A_2531] : memref<100000x128xf32, #tpu.memory_space<hbm>> -> memref<100000x128xf32, #tpu.memory_space<hbm>>
    tpu.enqueue_indirect_dma source(%dma_start3A_2532 : memref<100000x128xf32, #tpu.memory_space<hbm>>) target(%arg10 : memref<128x128xf32, #tpu.memory_space<vmem>>) offsets(%dma_start3A_2529 : memref<128xi32, #tpu.memory_space<vmem>>) semaphore(%arg17 : memref<!tpu.dma_semaphore, #tpu.memory_space<semaphore_mem>>)
    %dma_wait3A_2533 = tpu.memref_slice %arg5[%sub3A_1972, %mul3A_1971] : memref<2x4096xi32, #tpu.memory_space<vmem>> -> memref<1x128xi32, #tpu.memory_space<vmem>>
    %dma_wait3A_2534 = tpu.memref_squeeze %dma_wait3A_2533 : memref<1x128xi32, #tpu.memory_space<vmem>> -> memref<128xi32, #tpu.memory_space<vmem>>
    %dma_wait3A_2535 = arith.constant 0 : i32
    %dma_wait3A_2536 = arith.constant 0 : i32
    %dma_wait3A_2537 = tpu.memref_slice %arg3[%dma_wait3A_2535, %dma_wait3A_2536] : memref<100000x128xf32, #tpu.memory_space<hbm>> -> memref<100000x128xf32, #tpu.memory_space<hbm>>
    tpu.wait_indirect_dma semaphore(%arg19 : memref<!tpu.dma_semaphore, #tpu.memory_space<semaphore_mem>>) src(%dma_wait3A_2537 : memref<100000x128xf32, #tpu.memory_space<hbm>>) dst(%arg12 : memref<128x128xf32, #tpu.memory_space<vmem>>)
    %add3A_2538 = arith.constant 20 : i32
    %add3A_2539 = arith.addi %mul3A_2, %add3A_2538 : i32
    %jit3A_2540 = arith.constant 32 : i32
    %div3A_2541 = arith.divsi %add3A_2539, %jit3A_2540 : i32
    %sign3A_2542 = arith.constant 0 : i32
    %sign3A_2543 = arith.cmpi sgt, %add3A_2539, %sign3A_2542 : i32
    %sign3A_2544 = arith.extui %sign3A_2543 : i1 to i32
    %sign3A_2545 = arith.constant 0 : i32
    %sign3A_2546 = arith.cmpi slt, %add3A_2539, %sign3A_2545 : i32
    %sign3A_2547 = arith.extui %sign3A_2546 : i1 to i32
    %sign3A_2548 = arith.subi %sign3A_2544, %sign3A_2547 : i32
    %sign3A_2549 = arith.constant 0 : i32
    %sign3A_2550 = arith.cmpi sgt, %jit3A_2540, %sign3A_2549 : i32
    %sign3A_2551 = arith.extui %sign3A_2550 : i1 to i32
    %sign3A_2552 = arith.constant 0 : i32
    %sign3A_2553 = arith.cmpi slt, %jit3A_2540, %sign3A_2552 : i32
    %sign3A_2554 = arith.extui %sign3A_2553 : i1 to i32
    %sign3A_2555 = arith.subi %sign3A_2551, %sign3A_2554 : i32
    %ne3A_2556 = arith.cmpi ne, %sign3A_2548, %sign3A_2555 : i32
    %rem3A_2557 = arith.remsi %add3A_2539, %jit3A_2540 : i32
    %ne3A_2558 = arith.constant 0 : i32
    %ne3A_2559 = arith.cmpi ne, %rem3A_2557, %ne3A_2558 : i32
    %and3A_2560 = arith.andi %ne3A_2556, %ne3A_2559 : i1
    %sub3A_2561 = arith.constant 1 : i32
    %sub3A_2562 = arith.subi %div3A_2541, %sub3A_2561 : i32
    %select_n3A_2563 = arith.select %and3A_2560, %sub3A_2562, %div3A_2541 : i32
    %jit3A_2564 = arith.constant 32 : i32
    %eq3A_2565 = arith.constant 0 : i32
    %eq3A_2566 = arith.cmpi eq, %jit3A_2564, %eq3A_2565 : i32
    %jit3A_2567 = arith.constant 1 : i32
    %select_n3A_2568 = arith.select %eq3A_2566, %jit3A_2567, %jit3A_2564 : i32
    %rem3A_2569 = arith.remsi %add3A_2539, %select_n3A_2568 : i32
    %ne3A_2570 = arith.constant 0 : i32
    %ne3A_2571 = arith.cmpi ne, %rem3A_2569, %ne3A_2570 : i32
    %lt3A_2572 = arith.constant 0 : i32
    %lt3A_2573 = arith.cmpi slt, %rem3A_2569, %lt3A_2572 : i32
    %lt3A_2574 = arith.constant 0 : i32
    %lt3A_2575 = arith.cmpi slt, %select_n3A_2568, %lt3A_2574 : i32
    %ne3A_2576 = arith.xori %lt3A_2573, %lt3A_2575 : i1
    %and3A_2577 = arith.andi %ne3A_2576, %ne3A_2571 : i1
    %add3A_2578 = arith.addi %rem3A_2569, %select_n3A_2568 : i32
    %select_n3A_2579 = arith.select %and3A_2577, %add3A_2578, %rem3A_2569 : i32
    %mul3A_2580 = arith.constant 128 : i32
    %mul3A_2581 = arith.muli %select_n3A_2579, %mul3A_2580 : i32
    %dma_start3A_2582 = arith.constant 0 : i32
    %dma_start3A_2583 = tpu.memref_slice %arg4[%select_n3A_2563, %mul3A_2581, %dma_start3A_2582] : memref<26x4096x128xf32, #tpu.memory_space<hbm>> -> memref<1x128x128xf32, #tpu.memory_space<hbm>>
    %dma_start3A_2584 = tpu.memref_squeeze %dma_start3A_2583 : memref<1x128x128xf32, #tpu.memory_space<hbm>> -> memref<128x128xf32, #tpu.memory_space<hbm>>
    %dma_start3A_2585 = arith.constant 0 : i32
    %dma_start3A_2586 = tpu.memref_slice %arg4[%select_n3A_2563, %mul3A_2581, %dma_start3A_2585] : memref<26x4096x128xf32, #tpu.memory_space<hbm>> -> memref<1x128x128xf32, #tpu.memory_space<hbm>>
    %dma_start3A_2587 = tpu.memref_squeeze %dma_start3A_2586 : memref<1x128x128xf32, #tpu.memory_space<hbm>> -> memref<128x128xf32, #tpu.memory_space<hbm>>
    tpu.enqueue_dma source(%arg12 : memref<128x128xf32, #tpu.memory_space<vmem>>) target(%dma_start3A_2587 : memref<128x128xf32, #tpu.memory_space<hbm>>) target_semaphore(%arg26 : memref<!tpu.dma_semaphore, #tpu.memory_space<semaphore_mem>>)
    %dma_wait3A_2588 = tpu.memref_slice %arg5[%sub3A_2083, %mul3A_2082] : memref<2x4096xi32, #tpu.memory_space<vmem>> -> memref<1x128xi32, #tpu.memory_space<vmem>>
    %dma_wait3A_2589 = tpu.memref_squeeze %dma_wait3A_2588 : memref<1x128xi32, #tpu.memory_space<vmem>> -> memref<128xi32, #tpu.memory_space<vmem>>
    %dma_wait3A_2590 = arith.constant 0 : i32
    %dma_wait3A_2591 = arith.constant 0 : i32
    %dma_wait3A_2592 = tpu.memref_slice %arg3[%dma_wait3A_2590, %dma_wait3A_2591] : memref<100000x128xf32, #tpu.memory_space<hbm>> -> memref<100000x128xf32, #tpu.memory_space<hbm>>
    tpu.wait_indirect_dma semaphore(%arg13 : memref<!tpu.dma_semaphore, #tpu.memory_space<semaphore_mem>>) src(%dma_wait3A_2592 : memref<100000x128xf32, #tpu.memory_space<hbm>>) dst(%arg6 : memref<128x128xf32, #tpu.memory_space<vmem>>)
    %add3A_2593 = arith.constant 21 : i32
    %add3A_2594 = arith.addi %mul3A_2, %add3A_2593 : i32
    %jit3A_2595 = arith.constant 32 : i32
    %div3A_2596 = arith.divsi %add3A_2594, %jit3A_2595 : i32
    %sign3A_2597 = arith.constant 0 : i32
    %sign3A_2598 = arith.cmpi sgt, %add3A_2594, %sign3A_2597 : i32
    %sign3A_2599 = arith.extui %sign3A_2598 : i1 to i32
    %sign3A_2600 = arith.constant 0 : i32
    %sign3A_2601 = arith.cmpi slt, %add3A_2594, %sign3A_2600 : i32
    %sign3A_2602 = arith.extui %sign3A_2601 : i1 to i32
    %sign3A_2603 = arith.subi %sign3A_2599, %sign3A_2602 : i32
    %sign3A_2604 = arith.constant 0 : i32
    %sign3A_2605 = arith.cmpi sgt, %jit3A_2595, %sign3A_2604 : i32
    %sign3A_2606 = arith.extui %sign3A_2605 : i1 to i32
    %sign3A_2607 = arith.constant 0 : i32
    %sign3A_2608 = arith.cmpi slt, %jit3A_2595, %sign3A_2607 : i32
    %sign3A_2609 = arith.extui %sign3A_2608 : i1 to i32
    %sign3A_2610 = arith.subi %sign3A_2606, %sign3A_2609 : i32
    %ne3A_2611 = arith.cmpi ne, %sign3A_2603, %sign3A_2610 : i32
    %rem3A_2612 = arith.remsi %add3A_2594, %jit3A_2595 : i32
    %ne3A_2613 = arith.constant 0 : i32
    %ne3A_2614 = arith.cmpi ne, %rem3A_2612, %ne3A_2613 : i32
    %and3A_2615 = arith.andi %ne3A_2611, %ne3A_2614 : i1
    %sub3A_2616 = arith.constant 1 : i32
    %sub3A_2617 = arith.subi %div3A_2596, %sub3A_2616 : i32
    %select_n3A_2618 = arith.select %and3A_2615, %sub3A_2617, %div3A_2596 : i32
    %jit3A_2619 = arith.constant 32 : i32
    %eq3A_2620 = arith.constant 0 : i32
    %eq3A_2621 = arith.cmpi eq, %jit3A_2619, %eq3A_2620 : i32
    %jit3A_2622 = arith.constant 1 : i32
    %select_n3A_2623 = arith.select %eq3A_2621, %jit3A_2622, %jit3A_2619 : i32
    %rem3A_2624 = arith.remsi %add3A_2594, %select_n3A_2623 : i32
    %ne3A_2625 = arith.constant 0 : i32
    %ne3A_2626 = arith.cmpi ne, %rem3A_2624, %ne3A_2625 : i32
    %lt3A_2627 = arith.constant 0 : i32
    %lt3A_2628 = arith.cmpi slt, %rem3A_2624, %lt3A_2627 : i32
    %lt3A_2629 = arith.constant 0 : i32
    %lt3A_2630 = arith.cmpi slt, %select_n3A_2623, %lt3A_2629 : i32
    %ne3A_2631 = arith.xori %lt3A_2628, %lt3A_2630 : i1
    %and3A_2632 = arith.andi %ne3A_2631, %ne3A_2626 : i1
    %add3A_2633 = arith.addi %rem3A_2624, %select_n3A_2623 : i32
    %select_n3A_2634 = arith.select %and3A_2632, %add3A_2633, %rem3A_2624 : i32
    %mul3A_2635 = arith.constant 128 : i32
    %mul3A_2636 = arith.muli %select_n3A_2634, %mul3A_2635 : i32
    %dma_start3A_2637 = arith.constant 0 : i32
    %dma_start3A_2638 = tpu.memref_slice %arg4[%select_n3A_2618, %mul3A_2636, %dma_start3A_2637] : memref<26x4096x128xf32, #tpu.memory_space<hbm>> -> memref<1x128x128xf32, #tpu.memory_space<hbm>>
    %dma_start3A_2639 = tpu.memref_squeeze %dma_start3A_2638 : memref<1x128x128xf32, #tpu.memory_space<hbm>> -> memref<128x128xf32, #tpu.memory_space<hbm>>
    %dma_start3A_2640 = arith.constant 0 : i32
    %dma_start3A_2641 = tpu.memref_slice %arg4[%select_n3A_2618, %mul3A_2636, %dma_start3A_2640] : memref<26x4096x128xf32, #tpu.memory_space<hbm>> -> memref<1x128x128xf32, #tpu.memory_space<hbm>>
    %dma_start3A_2642 = tpu.memref_squeeze %dma_start3A_2641 : memref<1x128x128xf32, #tpu.memory_space<hbm>> -> memref<128x128xf32, #tpu.memory_space<hbm>>
    tpu.enqueue_dma source(%arg6 : memref<128x128xf32, #tpu.memory_space<vmem>>) target(%dma_start3A_2642 : memref<128x128xf32, #tpu.memory_space<hbm>>) target_semaphore(%arg20 : memref<!tpu.dma_semaphore, #tpu.memory_space<semaphore_mem>>)
    %dma_wait3A_2643 = tpu.memref_slice %arg5[%sub3A_2194, %mul3A_2193] : memref<2x4096xi32, #tpu.memory_space<vmem>> -> memref<1x128xi32, #tpu.memory_space<vmem>>
    %dma_wait3A_2644 = tpu.memref_squeeze %dma_wait3A_2643 : memref<1x128xi32, #tpu.memory_space<vmem>> -> memref<128xi32, #tpu.memory_space<vmem>>
    %dma_wait3A_2645 = arith.constant 0 : i32
    %dma_wait3A_2646 = arith.constant 0 : i32
    %dma_wait3A_2647 = tpu.memref_slice %arg3[%dma_wait3A_2645, %dma_wait3A_2646] : memref<100000x128xf32, #tpu.memory_space<hbm>> -> memref<100000x128xf32, #tpu.memory_space<hbm>>
    tpu.wait_indirect_dma semaphore(%arg14 : memref<!tpu.dma_semaphore, #tpu.memory_space<semaphore_mem>>) src(%dma_wait3A_2647 : memref<100000x128xf32, #tpu.memory_space<hbm>>) dst(%arg7 : memref<128x128xf32, #tpu.memory_space<vmem>>)
    %add3A_2648 = arith.constant 22 : i32
    %add3A_2649 = arith.addi %mul3A_2, %add3A_2648 : i32
    %jit3A_2650 = arith.constant 32 : i32
    %div3A_2651 = arith.divsi %add3A_2649, %jit3A_2650 : i32
    %sign3A_2652 = arith.constant 0 : i32
    %sign3A_2653 = arith.cmpi sgt, %add3A_2649, %sign3A_2652 : i32
    %sign3A_2654 = arith.extui %sign3A_2653 : i1 to i32
    %sign3A_2655 = arith.constant 0 : i32
    %sign3A_2656 = arith.cmpi slt, %add3A_2649, %sign3A_2655 : i32
    %sign3A_2657 = arith.extui %sign3A_2656 : i1 to i32
    %sign3A_2658 = arith.subi %sign3A_2654, %sign3A_2657 : i32
    %sign3A_2659 = arith.constant 0 : i32
    %sign3A_2660 = arith.cmpi sgt, %jit3A_2650, %sign3A_2659 : i32
    %sign3A_2661 = arith.extui %sign3A_2660 : i1 to i32
    %sign3A_2662 = arith.constant 0 : i32
    %sign3A_2663 = arith.cmpi slt, %jit3A_2650, %sign3A_2662 : i32
    %sign3A_2664 = arith.extui %sign3A_2663 : i1 to i32
    %sign3A_2665 = arith.subi %sign3A_2661, %sign3A_2664 : i32
    %ne3A_2666 = arith.cmpi ne, %sign3A_2658, %sign3A_2665 : i32
    %rem3A_2667 = arith.remsi %add3A_2649, %jit3A_2650 : i32
    %ne3A_2668 = arith.constant 0 : i32
    %ne3A_2669 = arith.cmpi ne, %rem3A_2667, %ne3A_2668 : i32
    %and3A_2670 = arith.andi %ne3A_2666, %ne3A_2669 : i1
    %sub3A_2671 = arith.constant 1 : i32
    %sub3A_2672 = arith.subi %div3A_2651, %sub3A_2671 : i32
    %select_n3A_2673 = arith.select %and3A_2670, %sub3A_2672, %div3A_2651 : i32
    %jit3A_2674 = arith.constant 32 : i32
    %eq3A_2675 = arith.constant 0 : i32
    %eq3A_2676 = arith.cmpi eq, %jit3A_2674, %eq3A_2675 : i32
    %jit3A_2677 = arith.constant 1 : i32
    %select_n3A_2678 = arith.select %eq3A_2676, %jit3A_2677, %jit3A_2674 : i32
    %rem3A_2679 = arith.remsi %add3A_2649, %select_n3A_2678 : i32
    %ne3A_2680 = arith.constant 0 : i32
    %ne3A_2681 = arith.cmpi ne, %rem3A_2679, %ne3A_2680 : i32
    %lt3A_2682 = arith.constant 0 : i32
    %lt3A_2683 = arith.cmpi slt, %rem3A_2679, %lt3A_2682 : i32
    %lt3A_2684 = arith.constant 0 : i32
    %lt3A_2685 = arith.cmpi slt, %select_n3A_2678, %lt3A_2684 : i32
    %ne3A_2686 = arith.xori %lt3A_2683, %lt3A_2685 : i1
    %and3A_2687 = arith.andi %ne3A_2686, %ne3A_2681 : i1
    %add3A_2688 = arith.addi %rem3A_2679, %select_n3A_2678 : i32
    %select_n3A_2689 = arith.select %and3A_2687, %add3A_2688, %rem3A_2679 : i32
    %mul3A_2690 = arith.constant 128 : i32
    %mul3A_2691 = arith.muli %select_n3A_2689, %mul3A_2690 : i32
    %dma_start3A_2692 = arith.constant 0 : i32
    %dma_start3A_2693 = tpu.memref_slice %arg4[%select_n3A_2673, %mul3A_2691, %dma_start3A_2692] : memref<26x4096x128xf32, #tpu.memory_space<hbm>> -> memref<1x128x128xf32, #tpu.memory_space<hbm>>
    %dma_start3A_2694 = tpu.memref_squeeze %dma_start3A_2693 : memref<1x128x128xf32, #tpu.memory_space<hbm>> -> memref<128x128xf32, #tpu.memory_space<hbm>>
    %dma_start3A_2695 = arith.constant 0 : i32
    %dma_start3A_2696 = tpu.memref_slice %arg4[%select_n3A_2673, %mul3A_2691, %dma_start3A_2695] : memref<26x4096x128xf32, #tpu.memory_space<hbm>> -> memref<1x128x128xf32, #tpu.memory_space<hbm>>
    %dma_start3A_2697 = tpu.memref_squeeze %dma_start3A_2696 : memref<1x128x128xf32, #tpu.memory_space<hbm>> -> memref<128x128xf32, #tpu.memory_space<hbm>>
    tpu.enqueue_dma source(%arg7 : memref<128x128xf32, #tpu.memory_space<vmem>>) target(%dma_start3A_2697 : memref<128x128xf32, #tpu.memory_space<hbm>>) target_semaphore(%arg21 : memref<!tpu.dma_semaphore, #tpu.memory_space<semaphore_mem>>)
    %dma_wait3A_2698 = tpu.memref_slice %arg5[%sub3A_2305, %mul3A_2304] : memref<2x4096xi32, #tpu.memory_space<vmem>> -> memref<1x128xi32, #tpu.memory_space<vmem>>
    %dma_wait3A_2699 = tpu.memref_squeeze %dma_wait3A_2698 : memref<1x128xi32, #tpu.memory_space<vmem>> -> memref<128xi32, #tpu.memory_space<vmem>>
    %dma_wait3A_2700 = arith.constant 0 : i32
    %dma_wait3A_2701 = arith.constant 0 : i32
    %dma_wait3A_2702 = tpu.memref_slice %arg3[%dma_wait3A_2700, %dma_wait3A_2701] : memref<100000x128xf32, #tpu.memory_space<hbm>> -> memref<100000x128xf32, #tpu.memory_space<hbm>>
    tpu.wait_indirect_dma semaphore(%arg15 : memref<!tpu.dma_semaphore, #tpu.memory_space<semaphore_mem>>) src(%dma_wait3A_2702 : memref<100000x128xf32, #tpu.memory_space<hbm>>) dst(%arg8 : memref<128x128xf32, #tpu.memory_space<vmem>>)
    %add3A_2703 = arith.constant 23 : i32
    %add3A_2704 = arith.addi %mul3A_2, %add3A_2703 : i32
    %jit3A_2705 = arith.constant 32 : i32
    %div3A_2706 = arith.divsi %add3A_2704, %jit3A_2705 : i32
    %sign3A_2707 = arith.constant 0 : i32
    %sign3A_2708 = arith.cmpi sgt, %add3A_2704, %sign3A_2707 : i32
    %sign3A_2709 = arith.extui %sign3A_2708 : i1 to i32
    %sign3A_2710 = arith.constant 0 : i32
    %sign3A_2711 = arith.cmpi slt, %add3A_2704, %sign3A_2710 : i32
    %sign3A_2712 = arith.extui %sign3A_2711 : i1 to i32
    %sign3A_2713 = arith.subi %sign3A_2709, %sign3A_2712 : i32
    %sign3A_2714 = arith.constant 0 : i32
    %sign3A_2715 = arith.cmpi sgt, %jit3A_2705, %sign3A_2714 : i32
    %sign3A_2716 = arith.extui %sign3A_2715 : i1 to i32
    %sign3A_2717 = arith.constant 0 : i32
    %sign3A_2718 = arith.cmpi slt, %jit3A_2705, %sign3A_2717 : i32
    %sign3A_2719 = arith.extui %sign3A_2718 : i1 to i32
    %sign3A_2720 = arith.subi %sign3A_2716, %sign3A_2719 : i32
    %ne3A_2721 = arith.cmpi ne, %sign3A_2713, %sign3A_2720 : i32
    %rem3A_2722 = arith.remsi %add3A_2704, %jit3A_2705 : i32
    %ne3A_2723 = arith.constant 0 : i32
    %ne3A_2724 = arith.cmpi ne, %rem3A_2722, %ne3A_2723 : i32
    %and3A_2725 = arith.andi %ne3A_2721, %ne3A_2724 : i1
    %sub3A_2726 = arith.constant 1 : i32
    %sub3A_2727 = arith.subi %div3A_2706, %sub3A_2726 : i32
    %select_n3A_2728 = arith.select %and3A_2725, %sub3A_2727, %div3A_2706 : i32
    %jit3A_2729 = arith.constant 32 : i32
    %eq3A_2730 = arith.constant 0 : i32
    %eq3A_2731 = arith.cmpi eq, %jit3A_2729, %eq3A_2730 : i32
    %jit3A_2732 = arith.constant 1 : i32
    %select_n3A_2733 = arith.select %eq3A_2731, %jit3A_2732, %jit3A_2729 : i32
    %rem3A_2734 = arith.remsi %add3A_2704, %select_n3A_2733 : i32
    %ne3A_2735 = arith.constant 0 : i32
    %ne3A_2736 = arith.cmpi ne, %rem3A_2734, %ne3A_2735 : i32
    %lt3A_2737 = arith.constant 0 : i32
    %lt3A_2738 = arith.cmpi slt, %rem3A_2734, %lt3A_2737 : i32
    %lt3A_2739 = arith.constant 0 : i32
    %lt3A_2740 = arith.cmpi slt, %select_n3A_2733, %lt3A_2739 : i32
    %ne3A_2741 = arith.xori %lt3A_2738, %lt3A_2740 : i1
    %and3A_2742 = arith.andi %ne3A_2741, %ne3A_2736 : i1
    %add3A_2743 = arith.addi %rem3A_2734, %select_n3A_2733 : i32
    %select_n3A_2744 = arith.select %and3A_2742, %add3A_2743, %rem3A_2734 : i32
    %mul3A_2745 = arith.constant 128 : i32
    %mul3A_2746 = arith.muli %select_n3A_2744, %mul3A_2745 : i32
    %dma_start3A_2747 = arith.constant 0 : i32
    %dma_start3A_2748 = tpu.memref_slice %arg4[%select_n3A_2728, %mul3A_2746, %dma_start3A_2747] : memref<26x4096x128xf32, #tpu.memory_space<hbm>> -> memref<1x128x128xf32, #tpu.memory_space<hbm>>
    %dma_start3A_2749 = tpu.memref_squeeze %dma_start3A_2748 : memref<1x128x128xf32, #tpu.memory_space<hbm>> -> memref<128x128xf32, #tpu.memory_space<hbm>>
    %dma_start3A_2750 = arith.constant 0 : i32
    %dma_start3A_2751 = tpu.memref_slice %arg4[%select_n3A_2728, %mul3A_2746, %dma_start3A_2750] : memref<26x4096x128xf32, #tpu.memory_space<hbm>> -> memref<1x128x128xf32, #tpu.memory_space<hbm>>
    %dma_start3A_2752 = tpu.memref_squeeze %dma_start3A_2751 : memref<1x128x128xf32, #tpu.memory_space<hbm>> -> memref<128x128xf32, #tpu.memory_space<hbm>>
    tpu.enqueue_dma source(%arg8 : memref<128x128xf32, #tpu.memory_space<vmem>>) target(%dma_start3A_2752 : memref<128x128xf32, #tpu.memory_space<hbm>>) target_semaphore(%arg22 : memref<!tpu.dma_semaphore, #tpu.memory_space<semaphore_mem>>)
    %dma_wait3A_2753 = tpu.memref_slice %arg5[%sub3A_2416, %mul3A_2415] : memref<2x4096xi32, #tpu.memory_space<vmem>> -> memref<1x128xi32, #tpu.memory_space<vmem>>
    %dma_wait3A_2754 = tpu.memref_squeeze %dma_wait3A_2753 : memref<1x128xi32, #tpu.memory_space<vmem>> -> memref<128xi32, #tpu.memory_space<vmem>>
    %dma_wait3A_2755 = arith.constant 0 : i32
    %dma_wait3A_2756 = arith.constant 0 : i32
    %dma_wait3A_2757 = tpu.memref_slice %arg3[%dma_wait3A_2755, %dma_wait3A_2756] : memref<100000x128xf32, #tpu.memory_space<hbm>> -> memref<100000x128xf32, #tpu.memory_space<hbm>>
    tpu.wait_indirect_dma semaphore(%arg16 : memref<!tpu.dma_semaphore, #tpu.memory_space<semaphore_mem>>) src(%dma_wait3A_2757 : memref<100000x128xf32, #tpu.memory_space<hbm>>) dst(%arg9 : memref<128x128xf32, #tpu.memory_space<vmem>>)
    %add3A_2758 = arith.constant 24 : i32
    %add3A_2759 = arith.addi %mul3A_2, %add3A_2758 : i32
    %jit3A_2760 = arith.constant 32 : i32
    %div3A_2761 = arith.divsi %add3A_2759, %jit3A_2760 : i32
    %sign3A_2762 = arith.constant 0 : i32
    %sign3A_2763 = arith.cmpi sgt, %add3A_2759, %sign3A_2762 : i32
    %sign3A_2764 = arith.extui %sign3A_2763 : i1 to i32
    %sign3A_2765 = arith.constant 0 : i32
    %sign3A_2766 = arith.cmpi slt, %add3A_2759, %sign3A_2765 : i32
    %sign3A_2767 = arith.extui %sign3A_2766 : i1 to i32
    %sign3A_2768 = arith.subi %sign3A_2764, %sign3A_2767 : i32
    %sign3A_2769 = arith.constant 0 : i32
    %sign3A_2770 = arith.cmpi sgt, %jit3A_2760, %sign3A_2769 : i32
    %sign3A_2771 = arith.extui %sign3A_2770 : i1 to i32
    %sign3A_2772 = arith.constant 0 : i32
    %sign3A_2773 = arith.cmpi slt, %jit3A_2760, %sign3A_2772 : i32
    %sign3A_2774 = arith.extui %sign3A_2773 : i1 to i32
    %sign3A_2775 = arith.subi %sign3A_2771, %sign3A_2774 : i32
    %ne3A_2776 = arith.cmpi ne, %sign3A_2768, %sign3A_2775 : i32
    %rem3A_2777 = arith.remsi %add3A_2759, %jit3A_2760 : i32
    %ne3A_2778 = arith.constant 0 : i32
    %ne3A_2779 = arith.cmpi ne, %rem3A_2777, %ne3A_2778 : i32
    %and3A_2780 = arith.andi %ne3A_2776, %ne3A_2779 : i1
    %sub3A_2781 = arith.constant 1 : i32
    %sub3A_2782 = arith.subi %div3A_2761, %sub3A_2781 : i32
    %select_n3A_2783 = arith.select %and3A_2780, %sub3A_2782, %div3A_2761 : i32
    %jit3A_2784 = arith.constant 32 : i32
    %eq3A_2785 = arith.constant 0 : i32
    %eq3A_2786 = arith.cmpi eq, %jit3A_2784, %eq3A_2785 : i32
    %jit3A_2787 = arith.constant 1 : i32
    %select_n3A_2788 = arith.select %eq3A_2786, %jit3A_2787, %jit3A_2784 : i32
    %rem3A_2789 = arith.remsi %add3A_2759, %select_n3A_2788 : i32
    %ne3A_2790 = arith.constant 0 : i32
    %ne3A_2791 = arith.cmpi ne, %rem3A_2789, %ne3A_2790 : i32
    %lt3A_2792 = arith.constant 0 : i32
    %lt3A_2793 = arith.cmpi slt, %rem3A_2789, %lt3A_2792 : i32
    %lt3A_2794 = arith.constant 0 : i32
    %lt3A_2795 = arith.cmpi slt, %select_n3A_2788, %lt3A_2794 : i32
    %ne3A_2796 = arith.xori %lt3A_2793, %lt3A_2795 : i1
    %and3A_2797 = arith.andi %ne3A_2796, %ne3A_2791 : i1
    %add3A_2798 = arith.addi %rem3A_2789, %select_n3A_2788 : i32
    %select_n3A_2799 = arith.select %and3A_2797, %add3A_2798, %rem3A_2789 : i32
    %mul3A_2800 = arith.constant 128 : i32
    %mul3A_2801 = arith.muli %select_n3A_2799, %mul3A_2800 : i32
    %dma_start3A_2802 = arith.constant 0 : i32
    %dma_start3A_2803 = tpu.memref_slice %arg4[%select_n3A_2783, %mul3A_2801, %dma_start3A_2802] : memref<26x4096x128xf32, #tpu.memory_space<hbm>> -> memref<1x128x128xf32, #tpu.memory_space<hbm>>
    %dma_start3A_2804 = tpu.memref_squeeze %dma_start3A_2803 : memref<1x128x128xf32, #tpu.memory_space<hbm>> -> memref<128x128xf32, #tpu.memory_space<hbm>>
    %dma_start3A_2805 = arith.constant 0 : i32
    %dma_start3A_2806 = tpu.memref_slice %arg4[%select_n3A_2783, %mul3A_2801, %dma_start3A_2805] : memref<26x4096x128xf32, #tpu.memory_space<hbm>> -> memref<1x128x128xf32, #tpu.memory_space<hbm>>
    %dma_start3A_2807 = tpu.memref_squeeze %dma_start3A_2806 : memref<1x128x128xf32, #tpu.memory_space<hbm>> -> memref<128x128xf32, #tpu.memory_space<hbm>>
    tpu.enqueue_dma source(%arg9 : memref<128x128xf32, #tpu.memory_space<vmem>>) target(%dma_start3A_2807 : memref<128x128xf32, #tpu.memory_space<hbm>>) target_semaphore(%arg23 : memref<!tpu.dma_semaphore, #tpu.memory_space<semaphore_mem>>)
    %dma_wait3A_2808 = tpu.memref_slice %arg5[%sub3A_2527, %mul3A_2526] : memref<2x4096xi32, #tpu.memory_space<vmem>> -> memref<1x128xi32, #tpu.memory_space<vmem>>
    %dma_wait3A_2809 = tpu.memref_squeeze %dma_wait3A_2808 : memref<1x128xi32, #tpu.memory_space<vmem>> -> memref<128xi32, #tpu.memory_space<vmem>>
    %dma_wait3A_2810 = arith.constant 0 : i32
    %dma_wait3A_2811 = arith.constant 0 : i32
    %dma_wait3A_2812 = tpu.memref_slice %arg3[%dma_wait3A_2810, %dma_wait3A_2811] : memref<100000x128xf32, #tpu.memory_space<hbm>> -> memref<100000x128xf32, #tpu.memory_space<hbm>>
    tpu.wait_indirect_dma semaphore(%arg17 : memref<!tpu.dma_semaphore, #tpu.memory_space<semaphore_mem>>) src(%dma_wait3A_2812 : memref<100000x128xf32, #tpu.memory_space<hbm>>) dst(%arg10 : memref<128x128xf32, #tpu.memory_space<vmem>>)
    %add3A_2813 = arith.constant 25 : i32
    %add3A_2814 = arith.addi %mul3A_2, %add3A_2813 : i32
    %jit3A_2815 = arith.constant 32 : i32
    %div3A_2816 = arith.divsi %add3A_2814, %jit3A_2815 : i32
    %sign3A_2817 = arith.constant 0 : i32
    %sign3A_2818 = arith.cmpi sgt, %add3A_2814, %sign3A_2817 : i32
    %sign3A_2819 = arith.extui %sign3A_2818 : i1 to i32
    %sign3A_2820 = arith.constant 0 : i32
    %sign3A_2821 = arith.cmpi slt, %add3A_2814, %sign3A_2820 : i32
    %sign3A_2822 = arith.extui %sign3A_2821 : i1 to i32
    %sign3A_2823 = arith.subi %sign3A_2819, %sign3A_2822 : i32
    %sign3A_2824 = arith.constant 0 : i32
    %sign3A_2825 = arith.cmpi sgt, %jit3A_2815, %sign3A_2824 : i32
    %sign3A_2826 = arith.extui %sign3A_2825 : i1 to i32
    %sign3A_2827 = arith.constant 0 : i32
    %sign3A_2828 = arith.cmpi slt, %jit3A_2815, %sign3A_2827 : i32
    %sign3A_2829 = arith.extui %sign3A_2828 : i1 to i32
    %sign3A_2830 = arith.subi %sign3A_2826, %sign3A_2829 : i32
    %ne3A_2831 = arith.cmpi ne, %sign3A_2823, %sign3A_2830 : i32
    %rem3A_2832 = arith.remsi %add3A_2814, %jit3A_2815 : i32
    %ne3A_2833 = arith.constant 0 : i32
    %ne3A_2834 = arith.cmpi ne, %rem3A_2832, %ne3A_2833 : i32
    %and3A_2835 = arith.andi %ne3A_2831, %ne3A_2834 : i1
    %sub3A_2836 = arith.constant 1 : i32
    %sub3A_2837 = arith.subi %div3A_2816, %sub3A_2836 : i32
    %select_n3A_2838 = arith.select %and3A_2835, %sub3A_2837, %div3A_2816 : i32
    %jit3A_2839 = arith.constant 32 : i32
    %eq3A_2840 = arith.constant 0 : i32
    %eq3A_2841 = arith.cmpi eq, %jit3A_2839, %eq3A_2840 : i32
    %jit3A_2842 = arith.constant 1 : i32
    %select_n3A_2843 = arith.select %eq3A_2841, %jit3A_2842, %jit3A_2839 : i32
    %rem3A_2844 = arith.remsi %add3A_2814, %select_n3A_2843 : i32
    %ne3A_2845 = arith.constant 0 : i32
    %ne3A_2846 = arith.cmpi ne, %rem3A_2844, %ne3A_2845 : i32
    %lt3A_2847 = arith.constant 0 : i32
    %lt3A_2848 = arith.cmpi slt, %rem3A_2844, %lt3A_2847 : i32
    %lt3A_2849 = arith.constant 0 : i32
    %lt3A_2850 = arith.cmpi slt, %select_n3A_2843, %lt3A_2849 : i32
    %ne3A_2851 = arith.xori %lt3A_2848, %lt3A_2850 : i1
    %and3A_2852 = arith.andi %ne3A_2851, %ne3A_2846 : i1
    %add3A_2853 = arith.addi %rem3A_2844, %select_n3A_2843 : i32
    %select_n3A_2854 = arith.select %and3A_2852, %add3A_2853, %rem3A_2844 : i32
    %mul3A_2855 = arith.constant 128 : i32
    %mul3A_2856 = arith.muli %select_n3A_2854, %mul3A_2855 : i32
    %dma_start3A_2857 = arith.constant 0 : i32
    %dma_start3A_2858 = tpu.memref_slice %arg4[%select_n3A_2838, %mul3A_2856, %dma_start3A_2857] : memref<26x4096x128xf32, #tpu.memory_space<hbm>> -> memref<1x128x128xf32, #tpu.memory_space<hbm>>
    %dma_start3A_2859 = tpu.memref_squeeze %dma_start3A_2858 : memref<1x128x128xf32, #tpu.memory_space<hbm>> -> memref<128x128xf32, #tpu.memory_space<hbm>>
    %dma_start3A_2860 = arith.constant 0 : i32
    %dma_start3A_2861 = tpu.memref_slice %arg4[%select_n3A_2838, %mul3A_2856, %dma_start3A_2860] : memref<26x4096x128xf32, #tpu.memory_space<hbm>> -> memref<1x128x128xf32, #tpu.memory_space<hbm>>
    %dma_start3A_2862 = tpu.memref_squeeze %dma_start3A_2861 : memref<1x128x128xf32, #tpu.memory_space<hbm>> -> memref<128x128xf32, #tpu.memory_space<hbm>>
    tpu.enqueue_dma source(%arg10 : memref<128x128xf32, #tpu.memory_space<vmem>>) target(%dma_start3A_2862 : memref<128x128xf32, #tpu.memory_space<hbm>>) target_semaphore(%arg24 : memref<!tpu.dma_semaphore, #tpu.memory_space<semaphore_mem>>)
    %dma_wait3A_2863 = arith.constant 0 : i32
    %dma_wait3A_2864 = tpu.memref_slice %arg4[%select_n3A_2452, %mul3A_2470, %dma_wait3A_2863] : memref<26x4096x128xf32, #tpu.memory_space<hbm>> -> memref<1x128x128xf32, #tpu.memory_space<hbm>>
    %dma_wait3A_2865 = tpu.memref_squeeze %dma_wait3A_2864 : memref<1x128x128xf32, #tpu.memory_space<hbm>> -> memref<128x128xf32, #tpu.memory_space<hbm>>
    %dma_wait3A_2866 = arith.constant 0 : i32
    %dma_wait3A_2867 = tpu.memref_slice %arg4[%select_n3A_2452, %mul3A_2470, %dma_wait3A_2866] : memref<26x4096x128xf32, #tpu.memory_space<hbm>> -> memref<1x128x128xf32, #tpu.memory_space<hbm>>
    %dma_wait3A_2868 = tpu.memref_squeeze %dma_wait3A_2867 : memref<1x128x128xf32, #tpu.memory_space<hbm>> -> memref<128x128xf32, #tpu.memory_space<hbm>>
    tpu.wait_dma2 semaphore(%arg25 : memref<!tpu.dma_semaphore, #tpu.memory_space<semaphore_mem>>) src(%arg11 : memref<128x128xf32, #tpu.memory_space<vmem>>) dst(%dma_wait3A_2868 : memref<128x128xf32, #tpu.memory_space<hbm>>)
    %dma_wait3A_2869 = arith.constant 0 : i32
    %dma_wait3A_2870 = tpu.memref_slice %arg4[%select_n3A_2563, %mul3A_2581, %dma_wait3A_2869] : memref<26x4096x128xf32, #tpu.memory_space<hbm>> -> memref<1x128x128xf32, #tpu.memory_space<hbm>>
    %dma_wait3A_2871 = tpu.memref_squeeze %dma_wait3A_2870 : memref<1x128x128xf32, #tpu.memory_space<hbm>> -> memref<128x128xf32, #tpu.memory_space<hbm>>
    %dma_wait3A_2872 = arith.constant 0 : i32
    %dma_wait3A_2873 = tpu.memref_slice %arg4[%select_n3A_2563, %mul3A_2581, %dma_wait3A_2872] : memref<26x4096x128xf32, #tpu.memory_space<hbm>> -> memref<1x128x128xf32, #tpu.memory_space<hbm>>
    %dma_wait3A_2874 = tpu.memref_squeeze %dma_wait3A_2873 : memref<1x128x128xf32, #tpu.memory_space<hbm>> -> memref<128x128xf32, #tpu.memory_space<hbm>>
    tpu.wait_dma2 semaphore(%arg26 : memref<!tpu.dma_semaphore, #tpu.memory_space<semaphore_mem>>) src(%arg12 : memref<128x128xf32, #tpu.memory_space<vmem>>) dst(%dma_wait3A_2874 : memref<128x128xf32, #tpu.memory_space<hbm>>)
    %dma_wait3A_2875 = arith.constant 0 : i32
    %dma_wait3A_2876 = tpu.memref_slice %arg4[%select_n3A_2618, %mul3A_2636, %dma_wait3A_2875] : memref<26x4096x128xf32, #tpu.memory_space<hbm>> -> memref<1x128x128xf32, #tpu.memory_space<hbm>>
    %dma_wait3A_2877 = tpu.memref_squeeze %dma_wait3A_2876 : memref<1x128x128xf32, #tpu.memory_space<hbm>> -> memref<128x128xf32, #tpu.memory_space<hbm>>
    %dma_wait3A_2878 = arith.constant 0 : i32
    %dma_wait3A_2879 = tpu.memref_slice %arg4[%select_n3A_2618, %mul3A_2636, %dma_wait3A_2878] : memref<26x4096x128xf32, #tpu.memory_space<hbm>> -> memref<1x128x128xf32, #tpu.memory_space<hbm>>
    %dma_wait3A_2880 = tpu.memref_squeeze %dma_wait3A_2879 : memref<1x128x128xf32, #tpu.memory_space<hbm>> -> memref<128x128xf32, #tpu.memory_space<hbm>>
    tpu.wait_dma2 semaphore(%arg20 : memref<!tpu.dma_semaphore, #tpu.memory_space<semaphore_mem>>) src(%arg6 : memref<128x128xf32, #tpu.memory_space<vmem>>) dst(%dma_wait3A_2880 : memref<128x128xf32, #tpu.memory_space<hbm>>)
    %dma_wait3A_2881 = arith.constant 0 : i32
    %dma_wait3A_2882 = tpu.memref_slice %arg4[%select_n3A_2673, %mul3A_2691, %dma_wait3A_2881] : memref<26x4096x128xf32, #tpu.memory_space<hbm>> -> memref<1x128x128xf32, #tpu.memory_space<hbm>>
    %dma_wait3A_2883 = tpu.memref_squeeze %dma_wait3A_2882 : memref<1x128x128xf32, #tpu.memory_space<hbm>> -> memref<128x128xf32, #tpu.memory_space<hbm>>
    %dma_wait3A_2884 = arith.constant 0 : i32
    %dma_wait3A_2885 = tpu.memref_slice %arg4[%select_n3A_2673, %mul3A_2691, %dma_wait3A_2884] : memref<26x4096x128xf32, #tpu.memory_space<hbm>> -> memref<1x128x128xf32, #tpu.memory_space<hbm>>
    %dma_wait3A_2886 = tpu.memref_squeeze %dma_wait3A_2885 : memref<1x128x128xf32, #tpu.memory_space<hbm>> -> memref<128x128xf32, #tpu.memory_space<hbm>>
    tpu.wait_dma2 semaphore(%arg21 : memref<!tpu.dma_semaphore, #tpu.memory_space<semaphore_mem>>) src(%arg7 : memref<128x128xf32, #tpu.memory_space<vmem>>) dst(%dma_wait3A_2886 : memref<128x128xf32, #tpu.memory_space<hbm>>)
    %dma_wait3A_2887 = arith.constant 0 : i32
    %dma_wait3A_2888 = tpu.memref_slice %arg4[%select_n3A_2728, %mul3A_2746, %dma_wait3A_2887] : memref<26x4096x128xf32, #tpu.memory_space<hbm>> -> memref<1x128x128xf32, #tpu.memory_space<hbm>>
    %dma_wait3A_2889 = tpu.memref_squeeze %dma_wait3A_2888 : memref<1x128x128xf32, #tpu.memory_space<hbm>> -> memref<128x128xf32, #tpu.memory_space<hbm>>
    %dma_wait3A_2890 = arith.constant 0 : i32
    %dma_wait3A_2891 = tpu.memref_slice %arg4[%select_n3A_2728, %mul3A_2746, %dma_wait3A_2890] : memref<26x4096x128xf32, #tpu.memory_space<hbm>> -> memref<1x128x128xf32, #tpu.memory_space<hbm>>
    %dma_wait3A_2892 = tpu.memref_squeeze %dma_wait3A_2891 : memref<1x128x128xf32, #tpu.memory_space<hbm>> -> memref<128x128xf32, #tpu.memory_space<hbm>>
    tpu.wait_dma2 semaphore(%arg22 : memref<!tpu.dma_semaphore, #tpu.memory_space<semaphore_mem>>) src(%arg8 : memref<128x128xf32, #tpu.memory_space<vmem>>) dst(%dma_wait3A_2892 : memref<128x128xf32, #tpu.memory_space<hbm>>)
    %dma_wait3A_2893 = arith.constant 0 : i32
    %dma_wait3A_2894 = tpu.memref_slice %arg4[%select_n3A_2783, %mul3A_2801, %dma_wait3A_2893] : memref<26x4096x128xf32, #tpu.memory_space<hbm>> -> memref<1x128x128xf32, #tpu.memory_space<hbm>>
    %dma_wait3A_2895 = tpu.memref_squeeze %dma_wait3A_2894 : memref<1x128x128xf32, #tpu.memory_space<hbm>> -> memref<128x128xf32, #tpu.memory_space<hbm>>
    %dma_wait3A_2896 = arith.constant 0 : i32
    %dma_wait3A_2897 = tpu.memref_slice %arg4[%select_n3A_2783, %mul3A_2801, %dma_wait3A_2896] : memref<26x4096x128xf32, #tpu.memory_space<hbm>> -> memref<1x128x128xf32, #tpu.memory_space<hbm>>
    %dma_wait3A_2898 = tpu.memref_squeeze %dma_wait3A_2897 : memref<1x128x128xf32, #tpu.memory_space<hbm>> -> memref<128x128xf32, #tpu.memory_space<hbm>>
    tpu.wait_dma2 semaphore(%arg23 : memref<!tpu.dma_semaphore, #tpu.memory_space<semaphore_mem>>) src(%arg9 : memref<128x128xf32, #tpu.memory_space<vmem>>) dst(%dma_wait3A_2898 : memref<128x128xf32, #tpu.memory_space<hbm>>)
    %dma_wait3A_2899 = arith.constant 0 : i32
    %dma_wait3A_2900 = tpu.memref_slice %arg4[%select_n3A_2838, %mul3A_2856, %dma_wait3A_2899] : memref<26x4096x128xf32, #tpu.memory_space<hbm>> -> memref<1x128x128xf32, #tpu.memory_space<hbm>>
    %dma_wait3A_2901 = tpu.memref_squeeze %dma_wait3A_2900 : memref<1x128x128xf32, #tpu.memory_space<hbm>> -> memref<128x128xf32, #tpu.memory_space<hbm>>
    %dma_wait3A_2902 = arith.constant 0 : i32
    %dma_wait3A_2903 = tpu.memref_slice %arg4[%select_n3A_2838, %mul3A_2856, %dma_wait3A_2902] : memref<26x4096x128xf32, #tpu.memory_space<hbm>> -> memref<1x128x128xf32, #tpu.memory_space<hbm>>
    %dma_wait3A_2904 = tpu.memref_squeeze %dma_wait3A_2903 : memref<1x128x128xf32, #tpu.memory_space<hbm>> -> memref<128x128xf32, #tpu.memory_space<hbm>>
    tpu.wait_dma2 semaphore(%arg24 : memref<!tpu.dma_semaphore, #tpu.memory_space<semaphore_mem>>) src(%arg10 : memref<128x128xf32, #tpu.memory_space<vmem>>) dst(%dma_wait3A_2904 : memref<128x128xf32, #tpu.memory_space<hbm>>)
    return
  }
}

</mosaic_0001>

<sc_bundles>
// kernel: kernel.3.cloned.1.call-start
scs
__scs_entry_jumppad:
0x0: {  	(pc) =	sbr.rel $0x88, $3  }
0x1: {  	(tag) =	ssettag $0x0;
	lr =	simm.s32 $0x1  }
0x2: {  	[smem:$0x3F9F] =	sst lr;
	_ =	strace $0xD0000000  }
0x3: {  	_ = 	snop  }
0x4: {  	_ = 	snop  }
0x5: {  	_ = 	snop  }
0x6: {  	_ = 	snop  }
0x7: {  	_ = 	snop  }
__scs_overlays_trampoline_lowered:
0x8: {  	[smem:$0x3FAE] =	sst s0  }
0x9: {  	[smem:$0x3FAF] =	sst s1  }
0xa: {  	[smem:$0x3FB0] =	sst s2  }
0xb: {  	[smem:$0x3FB1] =	sst s3  }
0xc: {  	[smem:$0x3FB2] =	sst s4  }
0xd: {  	[smem:$0x3FB3] =	sst s5  }
0xe: {  	[smem:$0x3FB4] =	sst s6  }
0xf: {  	[smem:$0x3FB5] =	sst s7  }
0x10: {  	[smem:$0x3FB6] =	sst s8  }
0x11: {  	[smem:$0x3FB7] =	sst s9;
	s0 =	simm.s32 @!p0 $0x0  }
0x12: {  	s1 =	sld [smem:$0x3F9D];
	s0 =	simm.s32 @p0 $0x1  }
0x13: {  	[smem:$0x3FB8] =	sst s0;
	s0 =	simm.s32 @!p1 $0x0  }
0x14: {  	s2 =	sld [smem:$0x3F9C];
	s0 =	simm.s32 @p1 $0x1  }
0x15: {  	[smem:$0x3FB9] =	sst s0;
	s0 =	simm.s32 @!p2 $0x0  }
0x16: {  	s3 =	sld [smem:$0x3FDB];
	s0 =	simm.s32 @p2 $0x1  }
0x17: {  	s4 =	simm.s32 $0x1BF5;
	[smem:$0x3FBB] =	sst s0  }
0x18: {  	s0 =	sld [smem:$0x3F9E];
	_ =	swait.ge [sflag:s4], $0x0  }
0x19: {  	s7 =	sld [smem:$0x3F9F]  }
0x1a: {  	s8 =	sadd.s32 $0xFFFFE003, lr  }
0x1b: {  	s9 =	sadd.s32 $0xFFFFFEF7, lr;
	s5 =	simm.s32 $0xFFFFFFFF;
	p2 =	slt.u32 s8, $0xFFFFF086  }
0x1c: {  	p1 =	slt.u32 s9, $0xF7A;
	s5 =	simm.s32 @!p2 $0x0  }
0x1d: {  	s5 =	simm.s32 @p1 $0x1;
	p0 =	seq.s32 s7, s2  }
0x1e: {  	s7 =	smul.u32 @!p0 $0xF7A, s2;
	p2 =	seq.s32 @!p0 s5, $0x0  }
0x1f: {  	s9 =	smul.u32 $0xF7A, s1;
	s8 =	simm.s32 @!p0 $0x1BF5;
	p2 =	por !p2, p0  }
0x20: {  	[sflag:s8] =	ssyncset.s32 @!p0 $0xFFFFF086;
	s6 =	sadd.s32 @!p0 s3, s7;
	s7 =	simm.s32 @!p0 $0x108  }
0x21: {  	s3 =	sadd.s32 s3, s9;
	s6 =	sadd.s32 @!p0 $0x88, s6;
	s7 =	simm.s32 @p2 $0x1082  }
0x22: {  	[simem:s7], [sflag:s8] =	dma.local @!p0 [hbm:s6], $0xF7A  }
0x23: {  	s9 =	sor.u32 $0xD0000000, s2;
	s6 =	simm.s32 $0x108;
	_ =	swait.ge @!p0 [sflag:s8], $0x0  }
0x24: {  	s3 =	sadd.s32 $0x88, s3;
	s6 =	simm.s32 @!p1 $0x1082;
	[sflag:s4] =	ssyncset.s32 $0xFFFFF086  }
0x25: {  	[simem:s6], [sflag:s4] =	dma.local [hbm:s3], $0xF7A  }
0x26: {  	[smem:$0x3F9F] =	sst s1;
	(tag) =	ssettag s2;
	_ =	strace s9  }
0x27: {  	s1 =	sld [smem:$0x3FAF]  }
0x28: {  	s2 =	sld [smem:$0x3FB0]  }
0x29: {  	s4 =	sld [smem:$0x3FB2]  }
0x2a: {  	p0 =	seq.s32 s5, $0x0;
	s5 =	sld [smem:$0x3FB3]  }
0x2b: {  	s6 =	sld [smem:$0x3FB4]  }
0x2c: {  	s7 =	sld [smem:$0x3FB5]  }
0x2d: {  	s3 =	simm.s32 $0x108;
	s8 =	sld [smem:$0x3FB6]  }
0x2e: {  	s3 =	simm.s32 @!p0 $0x1082;
	s9 =	sld [smem:$0x3FB7]  }
0x2f: {  	lr =	sadd.s32 s0, s3;
	s0 =	sld [smem:$0x3FAE]  }
0x30: {  	s3 =	sld [smem:$0x3FB1]  }
0x31: {  	[smem:$0x3FBA] =	sst s10  }
0x32: {  	s10 =	sld [smem:$0x3FB8];
	_ =	sdelay $0x3  }
0x33: {  	p0 =	seq.s32 s10, $0x1;
	s10 =	sld [smem:$0x3FBA];
	_ =	sdelay $0x3  }
0x34: {  	[smem:$0x3FBA] =	sst s10  }
0x35: {  	s10 =	sld [smem:$0x3FB9];
	_ =	sdelay $0x3  }
0x36: {  	p1 =	seq.s32 s10, $0x1;
	s10 =	sld [smem:$0x3FBA];
	_ =	sdelay $0x3  }
0x37: {  	[smem:$0x3FBA] =	sst s10  }
0x38: {  	s10 =	sld [smem:$0x3FBB]  }
0x39: {  	_ = 	snop;
	(pc) =	sbr.ind lr, $3  }
0x3a: {  	_ = 	snop  }
0x3b: {  	_ = 	snop  }
0x3c: {  	p2 =	seq.s32 s10, $0x1;
	s10 =	sld [smem:$0x3FBA]  }
0x3d: {  	_ =	shalt  }
0x3e: {  	_ =	shalt  }
0x3f: {  	_ =	shalt  }
0x40: {  	_ =	shalt  }
0x41: {  	_ =	shalt  }
0x42: {  	_ =	shalt  }
0x43: {  	_ =	shalt  }
0x44: {  	_ =	shalt  }
0x45: {  	_ =	shalt  }
0x46: {  	_ =	shalt  }
0x47: {  	_ =	shalt  }
0x48: {  	_ =	shalt  }
0x49: {  	_ =	shalt  }
0x4a: {  	_ =	shalt  }
0x4b: {  	_ =	shalt  }
0x4c: {  	_ =	shalt  }
0x4d: {  	_ =	shalt  }
0x4e: {  	_ =	shalt  }
0x4f: {  	_ =	shalt  }
0x50: {  	_ =	shalt  }
0x51: {  	_ =	shalt  }
0x52: {  	_ =	shalt  }
0x53: {  	_ =	shalt  }
0x54: {  	_ =	shalt  }
0x55: {  	_ =	shalt  }
0x56: {  	_ =	shalt  }
0x57: {  	_ =	shalt  }
0x58: {  	_ =	shalt  }
0x59: {  	_ =	shalt  }
0x5a: {  	_ =	shalt  }
0x5b: {  	_ =	shalt  }
0x5c: {  	_ =	shalt  }
0x5d: {  	_ =	shalt  }
0x5e: {  	_ =	shalt  }
0x5f: {  	_ =	shalt  }
0x60: {  	_ =	shalt  }
0x61: {  	_ =	shalt  }
0x62: {  	_ =	shalt  }
0x63: {  	_ =	shalt  }
0x64: {  	_ =	shalt  }
0x65: {  	_ =	shalt  }
0x66: {  	_ =	shalt  }
0x67: {  	_ =	shalt  }
0x68: {  	_ =	shalt  }
0x69: {  	_ =	shalt  }
0x6a: {  	_ =	shalt  }
0x6b: {  	_ =	shalt  }
0x6c: {  	_ =	shalt  }
0x6d: {  	_ =	shalt  }
0x6e: {  	_ =	shalt  }
0x6f: {  	_ =	shalt  }
0x70: {  	_ =	shalt  }
0x71: {  	_ =	shalt  }
0x72: {  	_ =	shalt  }
0x73: {  	_ =	shalt  }
0x74: {  	_ =	shalt  }
0x75: {  	_ =	shalt  }
0x76: {  	_ =	shalt  }
0x77: {  	_ =	shalt  }
0x78: {  	_ =	shalt  }
0x79: {  	_ =	shalt  }
0x7a: {  	_ =	shalt  }
0x7b: {  	_ =	shalt  }
0x7c: {  	_ =	shalt  }
0x7d: {  	_ =	shalt  }
0x7e: {  	_ =	shalt  }
0x7f: {  	_ =	shalt  }
0x80: {  	_ =	shalt  }
0x81: {  	_ =	shalt  }
0x82: {  	_ =	shalt  }
0x83: {  	_ =	shalt  }
0x84: {  	_ =	shalt  }
0x85: {  	_ =	shalt  }
0x86: {  	_ =	shalt  }
0x87: {  	_ =	shalt  }
.Lfunc_end0:
.L_simem_size_0:
called_computation_lowered:
.L_overlay_start_0:
0x88: {  	s2 =	sld [smem:$0x3FD9]  }
0x89: {  	s3 =	sld [smem:$0x3FFE];
	_ =	sdelay $0x1  }
0x8a: {  	s1 =	srdreg.scid  }
0x8b: {  	s0 =	sand.u32 $0x1, s1  }
0x8c: {  	s18 =	sshll.u32 s0, $0xA;
	s2 =	sadd.s32 s3, s2  }
0x8d: {  	s2 =	sadd.s32 s2, s18  }
0x8e: {  	[smem:$0x3FC6] =	sst s2  }
0x8f: {  	_ = 	snop  }
0x90: {  	s2 =	sld [smem:$0x3FC9]  }
0x91: {  	s19 =	sld [smem:$0x3FC8]  }
0x92: {  	s4 =	sld [smem:$0x3FD0];
	(tm) =	ssettm $0x1  }
0x93: {  	s5 =	sld [smem:$0x3FFB];
	_ =	sdelay $0x3  }
0x94: {  	_ =	strace s5  }
0x95: {  	s5 =	sld [smem:$0x3FFC];
	_ =	sdelay $0x3  }
0x96: {  	_ =	strace s5  }
0x97: {  	s5 =	sld [smem:$0x3FFD];
	_ =	sdelay $0x3  }
0x98: {  	_ =	strace s5  }
0x99: {  	_ =	strace $0x8FFFFFFF  }
0x9a: {  	s20 =	sld [smem:$0x3FDB];
	_ =	sdelay $0x1  }
0x9b: {  	s6 =	simm.s32 $_scs_section_size  }
0x9c: {  	s7 =	simm.s32 $_size__tile_overlayer_lowered;
	s8 =	simm.s32 $_tile_overlayer_lowered  }
0x9d: {  	s23 =	simm.s32 $0x1BFF;
	s22 =	sshll.u32 s8, $0x1;
	s5 =	sadd.s32 s6, s20  }
0x9e: {  	s9 =	simm.s32 $0x0;
	s21 =	sshll.u32 s7, $0x1;
	s7 =	sadd.s32 s22, s5  }
0x9f: {  	[timem:s9], [sflag:s23] =	dma.local [hbm:s7], s21  }
0xa0: {  	_ =	swait.ge [sflag:s23], s21  }
0xa1: {  	s6 =	ssub.s32 $0x0, s21;
	[sflag:s23] =	ssyncset.done $0x0  }
0xa2: {  	[sflag:s23] =	ssyncadd.s32 s6;
	_ =	sdelay $0x1  }
0xa3: {  	s24 =	simm.s32 $0x1B8B  }
0xa4: {  	_ =	swait.ge [sflag:s24], $0x1  }
0xa5: {  	[sflag:s24] =	ssyncset.done $0x0  }
0xa6: {  	s25 =	simm.s32 $0x1B8E;
	[sflag:s24] =	ssyncadd.s32 $0xFFFFFFFF  }
0xa7: {  	s26 =	simm.s32 $execute0_lowered;
	[smem:$0x3FD2] =	sst s25  }
0xa8: {  	s6 =	sshll.u32 s26, $0x1;
	_ =	strace $0x80000046;
	[dreg:$0x1] =	wrdreg $0xFFFFFFFF  }
0xa9: {  	s28 =	simm.s32 $_size_execute0_lowered;
	s5 =	sadd.s32 s5, s6;
	[dreg:$0x0] =	wrdreg $0x0  }
0xaa: {  	s6 =	sshll.u32 s28, $0x1;
	[dreg:$0x2] =	wrdreg s5  }
0xab: {  	[dreg:$0x3] =	wrdreg s6  }
0xac: {  	[dreg:$0x4] =	wrdreg $0xC0  }
0xad: {  	_ =	task [dreg:s9], $0x5FFFF  }
0xae: {  	[dreg:$0x1] =	wrdreg $0xFFFFFFFF  }
0xaf: {  	[dreg:$0x0] =	wrdreg $0x60  }
0xb0: {  	[dreg:$0x2] =	wrdreg s2  }
0xb1: {  	[dreg:$0x3] =	wrdreg s19  }
0xb2: {  	[dreg:$0x4] =	wrdreg s4  }
0xb3: {  	[dreg:$0x5] =	wrdreg $0x9  }
0xb4: {  	_ =	task.clear_ibuf [dreg:s9], $0x6FFFF;
	_ =	strace $0x90000046  }
0xb5: {  	s29 =	simm.s32 $0x9;
	_ =	strace $0x80000048  }
0xb6: {  	_ =	swait.ge [sflag:s29], $0x1  }
0xb7: {  	[sflag:s29] =	ssyncadd.s32 $0xFFFFFFFF  }
0xb8: {  	_ =	strace $0x90000048  }
0xb9: {  	_ =	sfence  }
0xba: {  	s30 =	sld [smem:$0x0];
	_ =	sdelay $0x2  }
0xbb: {  	s31 =	sshll.u32 s1, $0xD;
	s1 =	sshrl.u32 s1, $0x2  }
0xbc: {  	s3 =	sand.u32 $0x4000, s31;
	s1 =	sadd.s32 s1, s30  }
0xbd: {  	s0 =	sor.u32 s3, s0;
	s1 =	sshll.u32 s1, $0x11  }
0xbe: {  	s0 =	sor.u32 s1, s0  }
0xbf: {  	s0 =	sadd.s32 $0x8F2B, s0  }
0xc0: {  	[sflag:s0] =	ssyncadd.remote.s32 $0x1  }
0xc1: {  	_ =	sfence.sel $0xFFFF  }
0xc2: {  	[dreg:$0x0] =	wrdreg $0xFFFFFFFF;
	(pc) =	sbr.abs _section_cstart, $3  }
0xc3: {  	[dreg:$0x1] =	wrdreg $0xFFFFFFFF  }
0xc4: {  	_ =	task.clear_ibuf [dreg:s9], $0x2FFFF;
	_ =	strace $0x9FFFFFFF  }
0xc5: {  	(tm) =	ssettm $0x7FFFFFFF  }
tec
execute0_lowered:
.L_overlay_start_1:
0x0: {  	(tag) =	ssettag $0x1  }
0x1: {  	s0 =	srdreg.scid;
	s1 =	stileid.u32  }
0x2: {  	s0 =	sand.u32 $0x1, s0;
	s1 =	sshll.u32 s1, $0x1  }
0x3: {  	s1 =	sor.u32 s0, s1  }
0x4: {  	s2 =	ssub.s32 $0x2, s0;
	s11 =	smul.u32 $0x1A, s1  }
0x5: {  	s4 =	rddreg [dreg:$0x0];
	s31 =	simm.s32 $0x80;
	s3 =	sshrl.u32 s2, $0x1  }
0x6: {  	s19 =	smul.u32 $0xD00, s1;
	s22 =	ssub.s32 s2, s3;
	s0 =	sshrl.u32 s11, $0x5  }
0x7: {  	s8 =	sadd.s32 $0x2, s11;
	s30 =	sadd.s32 $0x3, s11;
	s9 =	smin.u32 s0, $0x18  }
0x8: {  	s10 =	sshrl.u32 s8, $0x5;
	s25 =	sshll.u32 s8, $0x7;
	s17 =	sshll.u32 s9, $0x9  }
0x9: {  	s18 =	sshll.u32 s9, $0x4;
	s5 =	sadd.s32 $0x1, s9;
	s7 =	ssub.s32 s0, s9  }
0xa: {  	s12 =	ssub.s32 s10, s9;
	s13 =	sand.u32 $0xF00, s25;
	s0 =	sshll.u32 s0, $0x13  }
0xb: {  	s2 =	sand.u32 $0x3000, s17;
	s3 =	sand.u32 $0x70, s18;
	s6 =	sshll.u32 s5, $0x9  }
0xc: {  	s5 =	sshll.u32 s5, $0x4;
	s20 =	sshll.u32 s7, $0xC;
	s21 =	sshll.u32 s7, $0x7  }
0xd: {  	s26 =	sshll.u32 s12, $0xC;
	s29 =	sshll.u32 s12, $0x7;
	s17 =	sadd.s32 $0x4, s11  }
0xe: {  	s3 =	sadd.s32 s4, s3;
	s6 =	sand.u32 $0x7000, s6;
	s5 =	sand.u32 $0x70, s5  }
0xf: {  	s28 =	sand.u32 $0xFFFFE000, s26;
	s12 =	sand.u32 $0x80, s29;
	s4 =	sadd.s32 s4, s5  }
0x10: {  	s1 =	sadd.s32 s2, s3;
	s2 =	sadd.s32 s6, s4;
	s4 =	sand.u32 $0xF00, s19  }
0x11: {  	s3 =	sand.u32 $0xFFFFE000, s20;
	s23 =	sshll.u32 s4, $0x1;
	s7 =	sor.u32 $0x80, s4  }
0x12: {  	s5 =	sand.u32 $0x80, s21;
	s6 =	sor.u32 s23, s3;
	s24 =	sshll.u32 s7, $0x1  }
0x13: {  	s8 =	sshll.u32 s17, $0x7;
	s6 =	sor.u32 s5, s6;
	s3 =	sor.u32 s24, s3  }
0x14: {  	s24 =	sadd.s32 $0x5, s11;
	[dreg:$0x4] =	wrdreg s6;
	s3 =	sor.u32 s5, s3  }
0x15: {  	s6 =	sshll.u32 s13, $0x1;
	s5 =	sshrl.u32 s30, $0x5;
	s25 =	sshll.u32 s24, $0x7  }
0x16: {  	[dreg:$0x5] =	wrdreg s3;
	s3 =	sor.u32 s6, s28;
	s14 =	ssub.s32 s5, s9  }
0x17: {  	s3 =	sor.u32 s12, s3;
	s12 =	sshll.u32 s30, $0x7;
	s16 =	sshll.u32 s14, $0xC  }
0x18: {  	s6 =	sshll.u32 s14, $0x7;
	[dreg:$0x6] =	wrdreg s3;
	s15 =	sand.u32 $0xF80, s12  }
0x19: {  	s18 =	sand.u32 $0xFFFFE000, s16;
	s3 =	sshrl.u32 s17, $0x5;
	s6 =	sand.u32 $0x80, s6  }
0x1a: {  	s17 =	sadd.s32 $0x6, s11;
	s14 =	sshll.u32 s15, $0x1;
	s16 =	ssub.s32 s3, s9  }
0x1b: {  	s3 =	sshll.u32 s3, $0x10;
	s12 =	sor.u32 s14, s18;
	s19 =	sshll.u32 s16, $0xC  }
0x1c: {  	s21 =	sshll.u32 s16, $0x7;
	s14 =	sshrl.u32 s24, $0x5;
	s16 =	sand.u32 $0xF80, s25  }
0x1d: {  	s25 =	sshll.u32 s7, $0x7;
	s6 =	sor.u32 s6, s12;
	s12 =	sand.u32 $0xF00, s8  }
0x1e: {  	s20 =	sand.u32 $0xFFFFE000, s19;
	s8 =	sand.u32 $0x80, s21;
	s26 =	ssub.s32 s14, s9  }
0x1f: {  	s19 =	sshll.u32 s16, $0x1;
	s16 =	sshll.u32 s16, $0x4;
	[dreg:$0x7] =	wrdreg s6  }
0x20: {  	s23 =	sshll.u32 s12, $0x1;
	s28 =	sshll.u32 s26, $0xC;
	s12 =	sshll.u32 s12, $0x4  }
0x21: {  	s6 =	sor.u32 s23, s20;
	s18 =	sand.u32 $0xFFFFE000, s28;
	s20 =	sshll.u32 s26, $0x7  }
0x22: {  	s23 =	sshll.u32 s4, $0x7;
	s6 =	sor.u32 s8, s6;
	s18 =	sor.u32 s19, s18  }
0x23: {  	s20 =	sand.u32 $0x80, s20;
	[dreg:$0x8] =	wrdreg s6;
	s6 =	sshrl.u32 s17, $0x5  }
0x24: {  	s23 =	sor.u32 s23, s0;
	s17 =	sshll.u32 s17, $0x7;
	s29 =	ssub.s32 s6, s9  }
0x25: {  	s18 =	sor.u32 s20, s18;
	s8 =	sand.u32 $0xF00, s17;
	s30 =	sshll.u32 s29, $0xC  }
0x26: {  	s19 =	sshll.u32 s29, $0x7;
	s21 =	sshll.u32 s8, $0x1;
	s17 =	sand.u32 $0xFFFFE000, s30  }
0x27: {  	s20 =	sshll.u32 s13, $0x4;
	s19 =	sand.u32 $0x80, s19;
	s17 =	sor.u32 s21, s17  }
0x28: {  	[dreg:$0x9] =	wrdreg s18;
	s21 =	sadd.s32 $0x7, s11;
	s17 =	sor.u32 s19, s17  }
0x29: {  	s4 =	sshrl.u32 s21, $0x5;
	s19 =	sadd.s32 $0x8, s11;
	[dreg:$0xa] =	wrdreg s17  }
0x2a: {  	s17 =	sshll.u32 s21, $0x7;
	s24 =	ssub.s32 s4, s9;
	s13 =	sshrl.u32 s19, $0x5  }
0x2b: {  	s4 =	sshll.u32 s4, $0x10;
	s7 =	sand.u32 $0xF80, s17;
	s26 =	sshll.u32 s24, $0xC  }
0x2c: {  	s18 =	sshll.u32 s24, $0x7;
	s24 =	sor.u32 s0, s25;
	s25 =	rddreg [dreg:$0x2]  }
0x2d: {  	s21 =	ssub.s32 s13, s9;
	s17 =	sand.u32 $0xFFFFE000, s26;
	s28 =	sshll.u32 s7, $0x1  }
0x2e: {  	s30 =	sand.u32 $0x80, s18;
	s18 =	sshll.u32 s10, $0x10;
	s10 =	sshll.u32 s19, $0x7  }
0x2f: {  	s26 =	sshll.u32 s21, $0xC;
	s19 =	sshll.u32 s5, $0x10;
	s3 =	sadd.s32 s25, s3  }
0x30: {  	s7 =	sshll.u32 s7, $0x4;
	s4 =	sadd.s32 s25, s4;
	s29 =	sor.u32 s28, s17  }
0x31: {  	s17 =	sand.u32 $0xF00, s10;
	s28 =	sshll.u32 s21, $0x7;
	s3 =	sadd.s32 s12, s3  }
0x32: {  	s4 =	sadd.s32 s7, s4;
	s0 =	sor.u32 s30, s29;
	s29 =	sshll.u32 s17, $0x1  }
0x33: {  	s10 =	sand.u32 $0x80, s28;
	[dreg:$0xb] =	wrdreg s0;
	s0 =	sadd.s32 s25, s18  }
0x34: {  	s30 =	sadd.s32 $0x9, s11;
	[dreg:$0x10] =	wrdreg s3;
	s0 =	sadd.s32 s20, s0  }
0x35: {  	s21 =	sshll.u32 s30, $0x7;
	[dreg:$0xc] =	wrdreg s0;
	s0 =	sand.u32 $0xFFFFE000, s26  }
0x36: {  	s20 =	sshll.u32 s15, $0x4;
	s15 =	sand.u32 $0xF80, s21;
	s0 =	sor.u32 s29, s0  }
0x37: {  	[dreg:$0x16] =	wrdreg s4;
	s29 =	sshll.u32 s15, $0x1;
	s0 =	sor.u32 s10, s0  }
0x38: {  	s10 =	sshrl.u32 s30, $0x5;
	s30 =	sadd.s32 $0xA, s11;
	[dreg:$0xd] =	wrdreg s0  }
0x39: {  	s26 =	ssub.s32 s10, s9;
	s0 =	sadd.s32 s25, s19;
	s21 =	sshll.u32 s30, $0x7  }
0x3a: {  	s10 =	sshll.u32 s10, $0x10;
	s28 =	sshll.u32 s26, $0xC;
	s0 =	sadd.s32 s20, s0  }
0x3b: {  	s20 =	sshll.u32 s26, $0x7;
	s5 =	sand.u32 $0xF00, s21;
	s19 =	sand.u32 $0xFFFFE000, s28  }
0x3c: {  	[dreg:$0xe] =	wrdreg s0;
	s0 =	sshrl.u32 s30, $0x5;
	s28 =	sand.u32 $0x80, s20  }
0x3d: {  	s30 =	sshll.u32 s5, $0x1;
	s5 =	sshll.u32 s5, $0x4;
	s26 =	ssub.s32 s0, s9  }
0x3e: {  	s19 =	sor.u32 s29, s19;
	s0 =	sshll.u32 s0, $0x10;
	s29 =	sshll.u32 s26, $0xC  }
0x3f: {  	s19 =	sor.u32 s28, s19;
	s21 =	sshll.u32 s26, $0x7;
	s28 =	sadd.s32 $0xB, s11  }
0x40: {  	s0 =	sadd.s32 s25, s0;
	[dreg:$0xf] =	wrdreg s19;
	s18 =	sand.u32 $0xFFFFE000, s29  }
0x41: {  	s19 =	sand.u32 $0x80, s21;
	s29 =	sshll.u32 s14, $0x10;
	s14 =	sshrl.u32 s28, $0x5  }
0x42: {  	s3 =	sshll.u32 s28, $0x7;
	s21 =	sadd.s32 $0xC, s11;
	s28 =	sshll.u32 s8, $0x4  }
0x43: {  	s0 =	sadd.s32 s5, s0;
	s18 =	sor.u32 s30, s18;
	s12 =	sadd.s32 s25, s29  }
0x44: {  	s30 =	ssub.s32 s14, s9;
	s29 =	sshll.u32 s21, $0x7;
	[dreg:$0x1c] =	wrdreg s0  }
0x45: {  	s26 =	sor.u32 s19, s18;
	s12 =	sadd.s32 s16, s12;
	s18 =	sand.u32 $0xF80, s3  }
0x46: {  	s16 =	sshll.u32 s30, $0xC;
	s19 =	sshll.u32 s30, $0x7;
	[dreg:$0x11] =	wrdreg s26  }
0x47: {  	[dreg:$0x12] =	wrdreg s12;
	s3 =	sand.u32 $0xFFFFE000, s16;
	s20 =	sshll.u32 s18, $0x1  }
0x48: {  	s12 =	sand.u32 $0x80, s19;
	s26 =	sshll.u32 s6, $0x10;
	s3 =	sor.u32 s20, s3  }
0x49: {  	s16 =	sand.u32 $0xF00, s29;
	s3 =	sor.u32 s12, s3;
	s12 =	sshrl.u32 s21, $0x5  }
0x4a: {  	s21 =	sshll.u32 s16, $0x1;
	[dreg:$0x13] =	wrdreg s3;
	s30 =	ssub.s32 s12, s9  }
0x4b: {  	s3 =	sadd.s32 s25, s26;
	s26 =	sadd.s32 $0xD, s11;
	s20 =	sshll.u32 s30, $0xC  }
0x4c: {  	s3 =	sadd.s32 s28, s3;
	s28 =	sshll.u32 s30, $0x7;
	s29 =	sshll.u32 s26, $0x7  }
0x4d: {  	s8 =	sand.u32 $0xFFFFE000, s20;
	[dreg:$0x14] =	wrdreg s3;
	s3 =	sshrl.u32 s26, $0x5  }
0x4e: {  	s30 =	sand.u32 $0x80, s28;
	s6 =	sand.u32 $0xF80, s29;
	s8 =	sor.u32 s21, s8  }
0x4f: {  	s20 =	ssub.s32 s3, s9;
	s29 =	sshll.u32 s6, $0x1;
	s3 =	sshll.u32 s3, $0x10  }
0x50: {  	s6 =	sshll.u32 s6, $0x4;
	s26 =	sshll.u32 s20, $0xC;
	s8 =	sor.u32 s30, s8  }
0x51: {  	s30 =	sshll.u32 s20, $0x7;
	s20 =	sshll.u32 s17, $0x4;
	s3 =	sadd.s32 s25, s3  }
0x52: {  	[dreg:$0x15] =	wrdreg s8;
	s28 =	sand.u32 $0xFFFFE000, s26;
	s19 =	sand.u32 $0x80, s30  }
0x53: {  	s30 =	sadd.s32 $0xF, s11;
	s3 =	sadd.s32 s6, s3;
	s8 =	sor.u32 s29, s28  }
0x54: {  	[smem:$0x7E7] =	sst s3;
	s7 =	sor.u32 s19, s8;
	s8 =	sadd.s32 $0xE, s11  }
0x55: {  	s19 =	sshll.u32 s13, $0x10;
	[dreg:$0x17] =	wrdreg s7;
	s13 =	sshrl.u32 s8, $0x5  }
0x56: {  	s7 =	sadd.s32 s25, s19;
	s4 =	sshll.u32 s8, $0x7;
	s8 =	sshrl.u32 s30, $0x5  }
0x57: {  	s21 =	ssub.s32 s13, s9;
	s7 =	sadd.s32 s20, s7;
	s17 =	sand.u32 $0xF00, s4  }
0x58: {  	s20 =	sshll.u32 s15, $0x4;
	s13 =	sshll.u32 s13, $0x10;
	[dreg:$0x18] =	wrdreg s7  }
0x59: {  	s26 =	sshll.u32 s21, $0xC;
	s28 =	sshll.u32 s21, $0x7;
	s29 =	sshll.u32 s17, $0x1  }
0x5a: {  	s21 =	sshll.u32 s30, $0x7;
	s30 =	sadd.s32 $0x10, s11;
	s13 =	sadd.s32 s25, s13  }
0x5b: {  	s4 =	sand.u32 $0xFFFFE000, s26;
	s7 =	sand.u32 $0x80, s28;
	s26 =	ssub.s32 s8, s9  }
0x5c: {  	s15 =	sand.u32 $0xF80, s21;
	s21 =	sshll.u32 s30, $0x7;
	s4 =	sor.u32 s29, s4  }
0x5d: {  	s28 =	sshll.u32 s26, $0xC;
	s29 =	sshll.u32 s15, $0x1;
	s19 =	sshll.u32 s26, $0x7  }
0x5e: {  	s15 =	sshll.u32 s15, $0x4;
	s4 =	sor.u32 s7, s4;
	s26 =	sand.u32 $0x80, s19  }
0x5f: {  	[dreg:$0x19] =	wrdreg s4;
	s4 =	sadd.s32 s25, s10;
	s10 =	sand.u32 $0xFFFFE000, s28  }
0x60: {  	s7 =	sand.u32 $0xF00, s21;
	s4 =	sadd.s32 s20, s4;
	s10 =	sor.u32 s29, s10  }
0x61: {  	[dreg:$0x1a] =	wrdreg s4;
	s4 =	sshrl.u32 s30, $0x5;
	s10 =	sor.u32 s26, s10  }
0x62: {  	s30 =	sshll.u32 s7, $0x1;
	s26 =	sadd.s32 $0x11, s11;
	s7 =	sshll.u32 s7, $0x4  }
0x63: {  	s20 =	ssub.s32 s4, s9;
	[dreg:$0x1b] =	wrdreg s10;
	s0 =	sshll.u32 s26, $0x7  }
0x64: {  	s4 =	sshll.u32 s4, $0x10;
	s28 =	sshll.u32 s20, $0xC;
	s20 =	sshll.u32 s20, $0x7  }
0x65: {  	s4 =	sadd.s32 s25, s4;
	s29 =	sand.u32 $0xFFFFE000, s28;
	s19 =	sand.u32 $0x80, s20  }
0x66: {  	s28 =	sshll.u32 s14, $0x10;
	s14 =	sshrl.u32 s26, $0x5;
	s26 =	sshll.u32 s12, $0x10  }
0x67: {  	s4 =	sadd.s32 s7, s4;
	s10 =	sor.u32 s30, s29;
	s29 =	sshll.u32 s18, $0x4  }
0x68: {  	s5 =	sadd.s32 s25, s28;
	s30 =	ssub.s32 s14, s9;
	s18 =	sand.u32 $0xF80, s0  }
0x69: {  	s28 =	sshll.u32 s16, $0x4;
	[smem:$0x7ED] =	sst s4;
	s21 =	sor.u32 s19, s10  }
0x6a: {  	s5 =	sadd.s32 s29, s5;
	s10 =	sshll.u32 s30, $0xC;
	[dreg:$0x1d] =	wrdreg s21  }
0x6b: {  	s19 =	sshll.u32 s30, $0x7;
	s20 =	sshll.u32 s18, $0x1;
	[dreg:$0x1e] =	wrdreg s5  }
0x6c: {  	s0 =	sand.u32 $0xFFFFE000, s10;
	s5 =	sand.u32 $0x80, s19;
	s21 =	sadd.s32 $0x12, s11  }
0x6d: {  	s0 =	sor.u32 s20, s0;
	s10 =	sshrl.u32 s21, $0x5;
	s29 =	sshll.u32 s21, $0x7  }
0x6e: {  	s0 =	sor.u32 s5, s0;
	s30 =	ssub.s32 s10, s9;
	s12 =	sand.u32 $0xF00, s29  }
0x6f: {  	[dreg:$0x1f] =	wrdreg s0;
	s0 =	sadd.s32 s25, s26;
	s20 =	sshll.u32 s30, $0xC  }
0x70: {  	s21 =	sshll.u32 s12, $0x1;
	s26 =	sadd.s32 $0x13, s11;
	s12 =	sshll.u32 s12, $0x4  }
0x71: {  	s19 =	sand.u32 $0xFFFFE000, s20;
	s0 =	sadd.s32 s28, s0;
	s28 =	sshll.u32 s30, $0x7  }
0x72: {  	s29 =	sshll.u32 s26, $0x7;
	s20 =	sshll.u32 s17, $0x4;
	[smem:$0x7E5] =	sst s0  }
0x73: {  	s19 =	sor.u32 s21, s19;
	s0 =	sshrl.u32 s26, $0x5;
	s26 =	sand.u32 $0x80, s28  }
0x74: {  	s5 =	sand.u32 $0xF80, s29;
	s13 =	sadd.s32 s20, s13;
	s30 =	ssub.s32 s0, s9  }
0x75: {  	s19 =	sor.u32 s26, s19;
	s29 =	sshll.u32 s5, $0x1;
	[smem:$0x7E9] =	sst s13  }
0x76: {  	s0 =	sshll.u32 s0, $0x10;
	s5 =	sshll.u32 s5, $0x4;
	s28 =	sshll.u32 s30, $0xC  }
0x77: {  	[smem:$0x7E6] =	sst s19;
	s30 =	sshll.u32 s30, $0x7;
	s0 =	sadd.s32 s25, s0  }
0x78: {  	s16 =	sand.u32 $0xFFFFE000, s28;
	s19 =	sand.u32 $0x80, s30;
	s30 =	sadd.s32 $0x15, s11  }
0x79: {  	s0 =	sadd.s32 s5, s0;
	s16 =	sor.u32 s29, s16;
	s20 =	sshll.u32 s30, $0x7  }
0x7a: {  	[smem:$0x7F3] =	sst s0;
	s16 =	sor.u32 s19, s16;
	s19 =	sadd.s32 $0x14, s11  }
0x7b: {  	[smem:$0x7E8] =	sst s16;
	s3 =	sshrl.u32 s19, $0x5;
	s6 =	sshll.u32 s19, $0x7  }
0x7c: {  	s19 =	sshll.u32 s8, $0x10;
	s8 =	sshrl.u32 s30, $0x5;
	s21 =	ssub.s32 s3, s9  }
0x7d: {  	s6 =	sand.u32 $0xF00, s6;
	s17 =	ssub.s32 s8, s9;
	s3 =	sshll.u32 s3, $0x10  }
0x7e: {  	s26 =	sshll.u32 s21, $0xC;
	s28 =	sshll.u32 s21, $0x7;
	s29 =	sshll.u32 s6, $0x1  }
0x7f: {  	s21 =	sadd.s32 s25, s19;
	s6 =	sshll.u32 s6, $0x4;
	s3 =	sadd.s32 s25, s3  }
0x80: {  	s13 =	sand.u32 $0xFFFFE000, s26;
	s16 =	sand.u32 $0x80, s28;
	s26 =	sshll.u32 s17, $0xC  }
0x81: {  	s15 =	sadd.s32 s15, s21;
	s6 =	sadd.s32 s6, s3;
	s3 =	simm.s32 $0x6000  }
0x82: {  	s13 =	sor.u32 s29, s13;
	s29 =	sadd.s32 $0x16, s11;
	[smem:$0x7EB] =	sst s15  }
0x83: {  	[smem:$0x7F5] =	sst s6;
	s6 =	simm.s32 $0x12000;
	s13 =	sor.u32 s16, s13  }
0x84: {  	s16 =	sand.u32 $0xFFFFE000, s26;
	s15 =	sshrl.u32 s29, $0x5;
	s21 =	sshll.u32 s29, $0x7  }
0x85: {  	[smem:$0x7EA] =	sst s13;
	s13 =	sand.u32 $0xF80, s20;
	s26 =	ssub.s32 s15, s9  }
0x86: {  	s20 =	sshll.u32 s17, $0x7;
	s28 =	sshll.u32 s13, $0x1;
	s29 =	sshll.u32 s26, $0xC  }
0x87: {  	s30 =	sor.u32 s28, s16;
	s28 =	sand.u32 $0x80, s20;
	s16 =	sand.u32 $0xF00, s21  }
0x88: {  	s17 =	sand.u32 $0xFFFFE000, s29;
	s20 =	sshll.u32 s26, $0x7;
	s26 =	sadd.s32 $0x17, s11  }
0x89: {  	s29 =	sshll.u32 s18, $0x4;
	s19 =	sor.u32 s28, s30;
	s30 =	sshll.u32 s16, $0x1  }
0x8a: {  	s28 =	sshll.u32 s14, $0x10;
	s4 =	sshll.u32 s26, $0x7;
	[smem:$0x7EC] =	sst s19  }
0x8b: {  	s17 =	sor.u32 s30, s17;
	s19 =	sand.u32 $0x80, s20;
	s7 =	sadd.s32 s25, s28  }
0x8c: {  	s4 =	sand.u32 $0xF80, s4;
	s28 =	sshll.u32 s10, $0x10;
	s21 =	sor.u32 s19, s17  }
0x8d: {  	s17 =	sshrl.u32 s26, $0x5;
	s7 =	sadd.s32 s29, s7;
	s26 =	sadd.s32 $0x18, s11  }
0x8e: {  	s11 =	sadd.s32 $0x19, s11;
	[smem:$0x7EE] =	sst s21;
	s30 =	ssub.s32 s17, s9  }
0x8f: {  	[smem:$0x7EF] =	sst s7;
	s21 =	sshll.u32 s4, $0x1;
	s10 =	sshrl.u32 s26, $0x5  }
0x90: {  	s29 =	sshll.u32 s26, $0x7;
	s19 =	sshll.u32 s30, $0xC;
	s20 =	sshll.u32 s30, $0x7  }
0x91: {  	s30 =	ssub.s32 s10, s9;
	s7 =	sand.u32 $0xFFFFE000, s19;
	s14 =	sand.u32 $0x80, s20  }
0x92: {  	s20 =	sshll.u32 s30, $0xC;
	s18 =	sshll.u32 s30, $0x7;
	s7 =	sor.u32 s21, s7  }
0x93: {  	s19 =	sand.u32 $0xFFFFE000, s20;
	s7 =	sor.u32 s14, s7;
	s14 =	sand.u32 $0xF00, s29  }
0x94: {  	[smem:$0x7F0] =	sst s7;
	s7 =	sadd.s32 s25, s28;
	s21 =	sshll.u32 s14, $0x1  }
0x95: {  	s18 =	sand.u32 $0x80, s18;
	s7 =	sadd.s32 s12, s7;
	s26 =	sor.u32 s21, s19  }
0x96: {  	s12 =	sshrl.u32 s11, $0x5;
	s11 =	sshll.u32 s11, $0x7;
	s19 =	sshll.u32 s14, $0x4  }
0x97: {  	s21 =	sshrl.u32 s23, $0x3;
	s23 =	simm.s32 $0x0;
	s14 =	simm.s32 $0x3  }
0x98: {  	[smem:$0x7F1] =	sst s7;
	s9 =	ssub.s32 s12, s9;
	s11 =	sand.u32 $0xF80, s11  }
0x99: {  	s7 =	sor.u32 s18, s26;
	s18 =	sshll.u32 s10, $0x10;
	[smem:$0x7FF] =	sst s23  }
0x9a: {  	s26 =	sshrl.u32 s24, $0x3;
	s10 =	simm.s32 $0x1A000;
	s24 =	simm.s32 $0x0  }
0x9b: {  	s28 =	sshll.u32 s9, $0xC;
	[smem:$0x7F2] =	sst s7;
	s30 =	sshll.u32 s11, $0x1  }
0x9c: {  	s9 =	sshll.u32 s9, $0x7;
	s20 =	sadd.s32 s25, s18;
	s18 =	simm.s32 $0x6  }
0x9d: {  	s29 =	sand.u32 $0xFFFFE000, s28;
	s9 =	sand.u32 $0x80, s9;
	s28 =	sshll.u32 s12, $0x10  }
0x9e: {  	s12 =	simm.s32 $0x2;
	s7 =	sor.u32 s30, s29;
	s29 =	sshll.u32 s11, $0x4  }
0x9f: {  	s30 =	smax.u32 s22, $0x1;
	s11 =	simm.s32 $0x4;
	s22 =	simm.s32 $0xE  }
0xa0: {  	s5 =	sor.u32 s9, s7;
	s7 =	sshll.u32 s8, $0x10;
	s8 =	sshll.u32 s13, $0x4  }
0xa1: {  	s9 =	sshll.u32 s15, $0x10;
	s13 =	sshll.u32 s16, $0x4;
	s16 =	sshll.u32 s17, $0x10  }
0xa2: {  	s17 =	sshll.u32 s4, $0x4;
	s4 =	simm.s32 $0xA000;
	[smem:$0x7F4] =	sst s5  }
0xa3: {  	s0 =	sadd.s32 s25, s7;
	s5 =	sadd.s32 s25, s9;
	s7 =	simm.s32 $0x16000  }
0xa4: {  	s9 =	simm.s32 $0xA;
	s0 =	sadd.s32 s8, s0;
	s15 =	sadd.s32 s13, s5  }
0xa5: {  	s5 =	simm.s32 $0xE000;
	[smem:$0x7F6] =	sst s0;
	s0 =	sadd.s32 s25, s16  }
0xa6: {  	s8 =	simm.s32 $0x1;
	[smem:$0x7F7] =	sst s15;
	s0 =	sadd.s32 s17, s0  }
0xa7: {  	s13 =	simm.s32 $0x8;
	[smem:$0x7F8] =	sst s0;
	s0 =	sadd.s32 s19, s20  }
0xa8: {  	s15 =	simm.s32 $0x9;
	[smem:$0x7F9] =	sst s0;
	s0 =	sadd.s32 s25, s21  }
0xa9: {  	s16 =	simm.s32 $0x5;
	[smem:$0x7FA] =	sst s0;
	s0 =	sadd.s32 s25, s26  }
0xaa: {  	s17 =	simm.s32 $0xB;
	[smem:$0x7FB] =	sst s0;
	s0 =	sadd.s32 s25, s28  }
0xab: {  	s19 =	simm.s32 $0xC;
	s26 =	rddreg [dreg:$0x1];
	s0 =	sadd.s32 s29, s0  }
0xac: {  	s20 =	simm.s32 $0x7;
	s21 =	simm.s32 $0xD;
	[smem:$0x7FC] =	sst s0  }
0xad: {  	s0 =	simm.s32 $0x2000;
	_ =	strace $0x80000047;
	[smem:$0x7FD] =	sst s30  }
.LBB2_1:
0xae: {  	s25 =	simm.s32 $0x80  }
0xaf: {  	s30 =	sadd.s32 $0x0, s1;
	s28 =	simm.s32 $0x100;
	s29 =	simm.s32 $0x0  }
.LBB2_2:
0xb0: {  	[tilespmem:s29], [sflag:$0xF] =	stream.linear.gather [hbm4b:s30+s23], $0x80, $0x38;
	[tilespmem:$0x1E000] =	vst v63  }
0xb1: {  	s30 =	smov.u32 s25;
	s29 =	smov.u32 s28;
	p0 =	sne.s32 s25, $0xF80  }
.Ltmp0:
0xb2: {  	s25 =	sadd.s32 $0x80, s25;
	(pc) =	sbr.rel @p0 .LBB2_2-.Ltmp0, $2  }
0xb3: {  	_ =	sdelay $0x2  }
0xb4: {  	s28 =	sadd.s32 $0x100, s28;
	s30 =	sadd.s32 s30, s1  }
0xb5: {  	[tilespmem:s29], [sflag:$0xF] =	stream.linear.gather [hbm4b:s30+s23], $0x80, $0x38;
	[tilespmem:$0x1E000] =	vst v63  }
0xb6: {  	s25 =	simm.s32 $0xF  }
0xb7: {  	_ =	swait.ge [sflag:s25], $0x1000  }
0xb8: {  	s28 =	simm.s32 $0x80;
	s30 =	sadd.s32 $0x0, s2;
	[sflag:s25] =	ssyncset.done $0x0  }
0xb9: {  	s29 =	simm.s32 $0x180;
	[sflag:s25] =	ssyncadd.s32 $0xFFFFF000;
	s25 =	simm.s32 $0x80  }
.LBB2_4:
0xba: {  	[tilespmem:s25], [sflag:$0xF] =	stream.linear.gather [hbm4b:s30+s23], $0x80, $0x38;
	[tilespmem:$0x1E000] =	vst v63  }
0xbb: {  	s30 =	smov.u32 s28;
	s25 =	smov.u32 s29;
	p0 =	sne.s32 s28, $0xF80  }
.Ltmp1:
0xbc: {  	s28 =	sadd.s32 $0x80, s28;
	(pc) =	sbr.rel @p0 .LBB2_4-.Ltmp1, $2  }
0xbd: {  	_ =	sdelay $0x2  }
0xbe: {  	s29 =	sadd.s32 $0x100, s29;
	s30 =	sadd.s32 s30, s2  }
0xbf: {  	[tilespmem:s25], [sflag:$0xF] =	stream.linear.gather [hbm4b:s30+s23], $0x80, $0x38;
	[tilespmem:$0x1E000] =	vst v63  }
0xc0: {  	s28 =	simm.s32 $0xF  }
0xc1: {  	_ =	swait.ge [sflag:s28], $0x1000  }
0xc2: {  	[sflag:s28] =	ssyncset.done $0x0  }
0xc3: {  	s29 =	rddreg [dreg:$0x4];
	[sflag:s28] =	ssyncadd.s32 $0xFFFFF000  }
0xc4: {  	[tilespmem:s0], [sflag:$0x1] =	stream.indirect.gather [hbm4b:s26+s31], $0x80, s29, s31, $0xb8;
	[tilespmem:$0x1E000] =	vst v63  }
0xc5: {  	s30 =	rddreg [dreg:$0x5]  }
0xc6: {  	[tilespmem:s3], [sflag:$0x2] =	stream.indirect.gather [hbm4b:s26+s31], $0x80, s30, s31, $0xb8;
	[tilespmem:$0x1E000] =	vst v63  }
0xc7: {  	s28 =	rddreg [dreg:$0x6]  }
0xc8: {  	[tilespmem:s4], [sflag:$0x3] =	stream.indirect.gather [hbm4b:s26+s31], $0x80, s28, s31, $0xb8;
	[tilespmem:$0x1E000] =	vst v63  }
0xc9: {  	s29 =	rddreg [dreg:$0x7]  }
0xca: {  	[tilespmem:s5], [sflag:$0x4] =	stream.indirect.gather [hbm4b:s26+s31], $0x80, s29, s31, $0xb8;
	[tilespmem:$0x1E000] =	vst v63  }
0xcb: {  	s30 =	rddreg [dreg:$0x8]  }
0xcc: {  	[tilespmem:s6], [sflag:$0x5] =	stream.indirect.gather [hbm4b:s26+s31], $0x80, s30, s31, $0xb8;
	[tilespmem:$0x1E000] =	vst v63  }
0xcd: {  	s28 =	rddreg [dreg:$0x9]  }
0xce: {  	[tilespmem:s7], [sflag:$0x6] =	stream.indirect.gather [hbm4b:s26+s31], $0x80, s28, s31, $0xb8;
	[tilespmem:$0x1E000] =	vst v63  }
0xcf: {  	_ =	swait.ge [sflag:s8], $0x4000  }
0xd0: {  	s29 =	sld [smem:$0x7FA]  }
0xd1: {  	[sflag:s8] =	ssyncset.done $0x0  }
0xd2: {  	[sflag:s8] =	ssyncadd.s32 $0xFFFFC000  }
0xd3: {  	[hbm4b:s29+s23] =	stream.linear.scatter [tilespmem:s0], [sflag:$0x8], $0x4000, $0x38;
	[tilespmem:$0x1E000] =	vst v63  }
0xd4: {  	s30 =	rddreg [dreg:$0xa]  }
0xd5: {  	[tilespmem:s10], [sflag:$0x7] =	stream.indirect.gather [hbm4b:s26+s31], $0x80, s30, s31, $0xb8;
	[tilespmem:$0x1E000] =	vst v63  }
0xd6: {  	_ =	swait.ge [sflag:s12], $0x4000  }
0xd7: {  	s28 =	sld [smem:$0x7FB]  }
0xd8: {  	[sflag:s12] =	ssyncset.done $0x0  }
0xd9: {  	[sflag:s12] =	ssyncadd.s32 $0xFFFFC000  }
0xda: {  	[hbm4b:s28+s23] =	stream.linear.scatter [tilespmem:s3], [sflag:$0x9], $0x4000, $0x38;
	[tilespmem:$0x1E000] =	vst v63  }
0xdb: {  	_ =	swait.ge [sflag:s13], $0x4000  }
0xdc: {  	[sflag:s13] =	ssyncset.done $0x0  }
0xdd: {  	s29 =	rddreg [dreg:$0xb];
	[sflag:s13] =	ssyncadd.s32 $0xFFFFC000  }
0xde: {  	[tilespmem:s0], [sflag:$0x1] =	stream.indirect.gather [hbm4b:s26+s31], $0x80, s29, s31, $0xb8;
	[tilespmem:$0x1E000] =	vst v63  }
0xdf: {  	_ =	swait.ge [sflag:s14], $0x4000  }
0xe0: {  	[sflag:s14] =	ssyncset.done $0x0  }
0xe1: {  	s30 =	rddreg [dreg:$0xc];
	[sflag:s14] =	ssyncadd.s32 $0xFFFFC000  }
0xe2: {  	[hbm4b:s30+s23] =	stream.linear.scatter [tilespmem:s4], [sflag:$0xA], $0x4000, $0x38;
	[tilespmem:$0x1E000] =	vst v63  }
0xe3: {  	_ =	swait.ge [sflag:s15], $0x4000  }
0xe4: {  	[sflag:s15] =	ssyncset.done $0x0  }
0xe5: {  	s28 =	rddreg [dreg:$0xd];
	[sflag:s15] =	ssyncadd.s32 $0xFFFFC000  }
0xe6: {  	[tilespmem:s3], [sflag:$0x2] =	stream.indirect.gather [hbm4b:s26+s31], $0x80, s28, s31, $0xb8;
	[tilespmem:$0x1E000] =	vst v63  }
0xe7: {  	_ =	swait.ge [sflag:s11], $0x4000  }
0xe8: {  	[sflag:s11] =	ssyncset.done $0x0  }
0xe9: {  	s29 =	rddreg [dreg:$0xe];
	[sflag:s11] =	ssyncadd.s32 $0xFFFFC000  }
0xea: {  	[hbm4b:s29+s23] =	stream.linear.scatter [tilespmem:s5], [sflag:$0xB], $0x4000, $0x38;
	[tilespmem:$0x1E000] =	vst v63  }
0xeb: {  	_ =	swait.ge [sflag:s9], $0x4000  }
0xec: {  	[sflag:s9] =	ssyncset.done $0x0  }
0xed: {  	s30 =	rddreg [dreg:$0xf];
	[sflag:s9] =	ssyncadd.s32 $0xFFFFC000  }
0xee: {  	[tilespmem:s4], [sflag:$0x3] =	stream.indirect.gather [hbm4b:s26+s31], $0x80, s30, s31, $0xb8;
	[tilespmem:$0x1E000] =	vst v63  }
0xef: {  	_ =	swait.ge [sflag:s16], $0x4000  }
0xf0: {  	[sflag:s16] =	ssyncset.done $0x0  }
0xf1: {  	s28 =	rddreg [dreg:$0x10];
	[sflag:s16] =	ssyncadd.s32 $0xFFFFC000  }
0xf2: {  	[hbm4b:s28+s23] =	stream.linear.scatter [tilespmem:s6], [sflag:$0xC], $0x4000, $0x38;
	[tilespmem:$0x1E000] =	vst v63  }
0xf3: {  	_ =	swait.ge [sflag:s17], $0x4000  }
0xf4: {  	[sflag:s17] =	ssyncset.done $0x0  }
0xf5: {  	s29 =	rddreg [dreg:$0x11];
	[sflag:s17] =	ssyncadd.s32 $0xFFFFC000  }
0xf6: {  	[tilespmem:s5], [sflag:$0x4] =	stream.indirect.gather [hbm4b:s26+s31], $0x80, s29, s31, $0xb8;
	[tilespmem:$0x1E000] =	vst v63  }
0xf7: {  	_ =	swait.ge [sflag:s18], $0x4000  }
0xf8: {  	[sflag:s18] =	ssyncset.done $0x0  }
0xf9: {  	s30 =	rddreg [dreg:$0x12];
	[sflag:s18] =	ssyncadd.s32 $0xFFFFC000  }
0xfa: {  	[hbm4b:s30+s23] =	stream.linear.scatter [tilespmem:s7], [sflag:$0xD], $0x4000, $0x38;
	[tilespmem:$0x1E000] =	vst v63  }
0xfb: {  	_ =	swait.ge [sflag:s19], $0x4000  }
0xfc: {  	[sflag:s19] =	ssyncset.done $0x0  }
0xfd: {  	s28 =	rddreg [dreg:$0x13];
	[sflag:s19] =	ssyncadd.s32 $0xFFFFC000  }
0xfe: {  	[tilespmem:s6], [sflag:$0x5] =	stream.indirect.gather [hbm4b:s26+s31], $0x80, s28, s31, $0xb8;
	[tilespmem:$0x1E000] =	vst v63  }
0xff: {  	_ =	swait.ge [sflag:s20], $0x4000  }
0x100: {  	[sflag:s20] =	ssyncset.done $0x0  }
0x101: {  	s29 =	rddreg [dreg:$0x14];
	[sflag:s20] =	ssyncadd.s32 $0xFFFFC000  }
0x102: {  	[hbm4b:s29+s23] =	stream.linear.scatter [tilespmem:s10], [sflag:$0xE], $0x4000, $0x38;
	[tilespmem:$0x1E000] =	vst v63  }
0x103: {  	_ =	swait.ge [sflag:s21], $0x4000  }
0x104: {  	[sflag:s21] =	ssyncset.done $0x0  }
0x105: {  	s30 =	rddreg [dreg:$0x15];
	[sflag:s21] =	ssyncadd.s32 $0xFFFFC000  }
0x106: {  	[tilespmem:s7], [sflag:$0x6] =	stream.indirect.gather [hbm4b:s26+s31], $0x80, s30, s31, $0xb8;
	[tilespmem:$0x1E000] =	vst v63  }
0x107: {  	_ =	swait.ge [sflag:s8], $0x4000  }
0x108: {  	[sflag:s8] =	ssyncset.done $0x0  }
0x109: {  	s28 =	rddreg [dreg:$0x16];
	[sflag:s8] =	ssyncadd.s32 $0xFFFFC000  }
0x10a: {  	[hbm4b:s28+s23] =	stream.linear.scatter [tilespmem:s0], [sflag:$0x8], $0x4000, $0x38;
	[tilespmem:$0x1E000] =	vst v63  }
0x10b: {  	_ =	swait.ge [sflag:s22], $0x4000  }
0x10c: {  	[sflag:s22] =	ssyncset.done $0x0  }
0x10d: {  	s29 =	rddreg [dreg:$0x17];
	[sflag:s22] =	ssyncadd.s32 $0xFFFFC000  }
0x10e: {  	[tilespmem:s10], [sflag:$0x7] =	stream.indirect.gather [hbm4b:s26+s31], $0x80, s29, s31, $0xb8;
	[tilespmem:$0x1E000] =	vst v63  }
0x10f: {  	_ =	swait.ge [sflag:s12], $0x4000  }
0x110: {  	[sflag:s12] =	ssyncset.done $0x0  }
0x111: {  	s30 =	rddreg [dreg:$0x18];
	[sflag:s12] =	ssyncadd.s32 $0xFFFFC000  }
0x112: {  	[hbm4b:s30+s23] =	stream.linear.scatter [tilespmem:s3], [sflag:$0x9], $0x4000, $0x38;
	[tilespmem:$0x1E000] =	vst v63  }
0x113: {  	_ =	swait.ge [sflag:s13], $0x4000  }
0x114: {  	[sflag:s13] =	ssyncset.done $0x0  }
0x115: {  	s28 =	rddreg [dreg:$0x19];
	[sflag:s13] =	ssyncadd.s32 $0xFFFFC000  }
0x116: {  	[tilespmem:s0], [sflag:$0x1] =	stream.indirect.gather [hbm4b:s26+s31], $0x80, s28, s31, $0xb8;
	[tilespmem:$0x1E000] =	vst v63  }
0x117: {  	_ =	swait.ge [sflag:s14], $0x4000  }
0x118: {  	[sflag:s14] =	ssyncset.done $0x0  }
0x119: {  	s29 =	rddreg [dreg:$0x1a];
	[sflag:s14] =	ssyncadd.s32 $0xFFFFC000  }
0x11a: {  	[hbm4b:s29+s23] =	stream.linear.scatter [tilespmem:s4], [sflag:$0xA], $0x4000, $0x38;
	[tilespmem:$0x1E000] =	vst v63  }
0x11b: {  	_ =	swait.ge [sflag:s15], $0x4000  }
0x11c: {  	[sflag:s15] =	ssyncset.done $0x0  }
0x11d: {  	s30 =	rddreg [dreg:$0x1b];
	[sflag:s15] =	ssyncadd.s32 $0xFFFFC000  }
0x11e: {  	[tilespmem:s3], [sflag:$0x2] =	stream.indirect.gather [hbm4b:s26+s31], $0x80, s30, s31, $0xb8;
	[tilespmem:$0x1E000] =	vst v63  }
0x11f: {  	_ =	swait.ge [sflag:s11], $0x4000  }
0x120: {  	[sflag:s11] =	ssyncset.done $0x0  }
0x121: {  	s28 =	rddreg [dreg:$0x1c];
	[sflag:s11] =	ssyncadd.s32 $0xFFFFC000  }
0x122: {  	[hbm4b:s28+s23] =	stream.linear.scatter [tilespmem:s5], [sflag:$0xB], $0x4000, $0x38;
	[tilespmem:$0x1E000] =	vst v63  }
0x123: {  	_ =	swait.ge [sflag:s9], $0x4000  }
0x124: {  	[sflag:s9] =	ssyncset.done $0x0  }
0x125: {  	s29 =	rddreg [dreg:$0x1d];
	[sflag:s9] =	ssyncadd.s32 $0xFFFFC000  }
0x126: {  	[tilespmem:s4], [sflag:$0x3] =	stream.indirect.gather [hbm4b:s26+s31], $0x80, s29, s31, $0xb8;
	[tilespmem:$0x1E000] =	vst v63  }
0x127: {  	_ =	swait.ge [sflag:s16], $0x4000  }
0x128: {  	[sflag:s16] =	ssyncset.done $0x0  }
0x129: {  	s30 =	rddreg [dreg:$0x1e];
	[sflag:s16] =	ssyncadd.s32 $0xFFFFC000  }
0x12a: {  	[hbm4b:s30+s23] =	stream.linear.scatter [tilespmem:s6], [sflag:$0xC], $0x4000, $0x38;
	[tilespmem:$0x1E000] =	vst v63  }
0x12b: {  	_ =	swait.ge [sflag:s17], $0x4000  }
0x12c: {  	[sflag:s17] =	ssyncset.done $0x0  }
0x12d: {  	s28 =	rddreg [dreg:$0x1f];
	[sflag:s17] =	ssyncadd.s32 $0xFFFFC000  }
0x12e: {  	[tilespmem:s5], [sflag:$0x4] =	stream.indirect.gather [hbm4b:s26+s31], $0x80, s28, s31, $0xb8;
	[tilespmem:$0x1E000] =	vst v63  }
0x12f: {  	_ =	swait.ge [sflag:s18], $0x4000  }
0x130: {  	s29 =	sld [smem:$0x7E5]  }
0x131: {  	[sflag:s18] =	ssyncset.done $0x0  }
0x132: {  	[sflag:s18] =	ssyncadd.s32 $0xFFFFC000  }
0x133: {  	[hbm4b:s29+s23] =	stream.linear.scatter [tilespmem:s7], [sflag:$0xD], $0x4000, $0x38;
	[tilespmem:$0x1E000] =	vst v63  }
0x134: {  	_ =	swait.ge [sflag:s19], $0x4000  }
0x135: {  	s30 =	sld [smem:$0x7E6]  }
0x136: {  	[sflag:s19] =	ssyncset.done $0x0  }
0x137: {  	[sflag:s19] =	ssyncadd.s32 $0xFFFFC000  }
0x138: {  	[tilespmem:s6], [sflag:$0x5] =	stream.indirect.gather [hbm4b:s26+s31], $0x80, s30, s31, $0xb8;
	[tilespmem:$0x1E000] =	vst v63  }
0x139: {  	_ =	swait.ge [sflag:s20], $0x4000  }
0x13a: {  	s28 =	sld [smem:$0x7E7]  }
0x13b: {  	[sflag:s20] =	ssyncset.done $0x0  }
0x13c: {  	[sflag:s20] =	ssyncadd.s32 $0xFFFFC000  }
0x13d: {  	[hbm4b:s28+s23] =	stream.linear.scatter [tilespmem:s10], [sflag:$0xE], $0x4000, $0x38;
	[tilespmem:$0x1E000] =	vst v63  }
0x13e: {  	_ =	swait.ge [sflag:s21], $0x4000  }
0x13f: {  	s29 =	sld [smem:$0x7E8]  }
0x140: {  	[sflag:s21] =	ssyncset.done $0x0  }
0x141: {  	[sflag:s21] =	ssyncadd.s32 $0xFFFFC000  }
0x142: {  	[tilespmem:s7], [sflag:$0x6] =	stream.indirect.gather [hbm4b:s26+s31], $0x80, s29, s31, $0xb8;
	[tilespmem:$0x1E000] =	vst v63  }
0x143: {  	_ =	swait.ge [sflag:s8], $0x4000  }
0x144: {  	s30 =	sld [smem:$0x7E9]  }
0x145: {  	[sflag:s8] =	ssyncset.done $0x0  }
0x146: {  	[sflag:s8] =	ssyncadd.s32 $0xFFFFC000  }
0x147: {  	[hbm4b:s30+s23] =	stream.linear.scatter [tilespmem:s0], [sflag:$0x8], $0x4000, $0x38;
	[tilespmem:$0x1E000] =	vst v63  }
0x148: {  	_ =	swait.ge [sflag:s22], $0x4000  }
0x149: {  	s28 =	sld [smem:$0x7EA]  }
0x14a: {  	[sflag:s22] =	ssyncset.done $0x0  }
0x14b: {  	[sflag:s22] =	ssyncadd.s32 $0xFFFFC000  }
0x14c: {  	[tilespmem:s10], [sflag:$0x7] =	stream.indirect.gather [hbm4b:s26+s31], $0x80, s28, s31, $0xb8;
	[tilespmem:$0x1E000] =	vst v63  }
0x14d: {  	_ =	swait.ge [sflag:s12], $0x4000  }
0x14e: {  	s29 =	sld [smem:$0x7EB]  }
0x14f: {  	[sflag:s12] =	ssyncset.done $0x0  }
0x150: {  	[sflag:s12] =	ssyncadd.s32 $0xFFFFC000  }
0x151: {  	[hbm4b:s29+s23] =	stream.linear.scatter [tilespmem:s3], [sflag:$0x9], $0x4000, $0x38;
	[tilespmem:$0x1E000] =	vst v63  }
0x152: {  	_ =	swait.ge [sflag:s13], $0x4000  }
0x153: {  	s30 =	sld [smem:$0x7EC]  }
0x154: {  	[sflag:s13] =	ssyncset.done $0x0  }
0x155: {  	[sflag:s13] =	ssyncadd.s32 $0xFFFFC000  }
0x156: {  	[tilespmem:s0], [sflag:$0x1] =	stream.indirect.gather [hbm4b:s26+s31], $0x80, s30, s31, $0xb8;
	[tilespmem:$0x1E000] =	vst v63  }
0x157: {  	_ =	swait.ge [sflag:s14], $0x4000  }
0x158: {  	s28 =	sld [smem:$0x7ED]  }
0x159: {  	[sflag:s14] =	ssyncset.done $0x0  }
0x15a: {  	[sflag:s14] =	ssyncadd.s32 $0xFFFFC000  }
0x15b: {  	[hbm4b:s28+s23] =	stream.linear.scatter [tilespmem:s4], [sflag:$0xA], $0x4000, $0x38;
	[tilespmem:$0x1E000] =	vst v63  }
0x15c: {  	_ =	swait.ge [sflag:s15], $0x4000  }
0x15d: {  	s29 =	sld [smem:$0x7EE]  }
0x15e: {  	[sflag:s15] =	ssyncset.done $0x0  }
0x15f: {  	[sflag:s15] =	ssyncadd.s32 $0xFFFFC000  }
0x160: {  	[tilespmem:s3], [sflag:$0x2] =	stream.indirect.gather [hbm4b:s26+s31], $0x80, s29, s31, $0xb8;
	[tilespmem:$0x1E000] =	vst v63  }
0x161: {  	_ =	swait.ge [sflag:s11], $0x4000  }
0x162: {  	s30 =	sld [smem:$0x7EF]  }
0x163: {  	[sflag:s11] =	ssyncset.done $0x0  }
0x164: {  	[sflag:s11] =	ssyncadd.s32 $0xFFFFC000  }
0x165: {  	[hbm4b:s30+s23] =	stream.linear.scatter [tilespmem:s5], [sflag:$0xB], $0x4000, $0x38;
	[tilespmem:$0x1E000] =	vst v63  }
0x166: {  	_ =	swait.ge [sflag:s9], $0x4000  }
0x167: {  	s28 =	sld [smem:$0x7F0]  }
0x168: {  	[sflag:s9] =	ssyncset.done $0x0  }
0x169: {  	[sflag:s9] =	ssyncadd.s32 $0xFFFFC000  }
0x16a: {  	[tilespmem:s4], [sflag:$0x3] =	stream.indirect.gather [hbm4b:s26+s31], $0x80, s28, s31, $0xb8;
	[tilespmem:$0x1E000] =	vst v63  }
0x16b: {  	_ =	swait.ge [sflag:s16], $0x4000  }
0x16c: {  	s29 =	sld [smem:$0x7F1]  }
0x16d: {  	[sflag:s16] =	ssyncset.done $0x0  }
0x16e: {  	[sflag:s16] =	ssyncadd.s32 $0xFFFFC000  }
0x16f: {  	[hbm4b:s29+s23] =	stream.linear.scatter [tilespmem:s6], [sflag:$0xC], $0x4000, $0x38;
	[tilespmem:$0x1E000] =	vst v63  }
0x170: {  	_ =	swait.ge [sflag:s17], $0x4000  }
0x171: {  	s30 =	sld [smem:$0x7F2]  }
0x172: {  	[sflag:s17] =	ssyncset.done $0x0  }
0x173: {  	[sflag:s17] =	ssyncadd.s32 $0xFFFFC000  }
0x174: {  	[tilespmem:s5], [sflag:$0x4] =	stream.indirect.gather [hbm4b:s26+s31], $0x80, s30, s31, $0xb8;
	[tilespmem:$0x1E000] =	vst v63  }
0x175: {  	_ =	swait.ge [sflag:s18], $0x4000  }
0x176: {  	s28 =	sld [smem:$0x7F3]  }
0x177: {  	[sflag:s18] =	ssyncset.done $0x0  }
0x178: {  	[sflag:s18] =	ssyncadd.s32 $0xFFFFC000  }
0x179: {  	[hbm4b:s28+s23] =	stream.linear.scatter [tilespmem:s7], [sflag:$0xD], $0x4000, $0x38;
	[tilespmem:$0x1E000] =	vst v63  }
0x17a: {  	_ =	swait.ge [sflag:s19], $0x4000  }
0x17b: {  	s29 =	sld [smem:$0x7F4]  }
0x17c: {  	[sflag:s19] =	ssyncset.done $0x0  }
0x17d: {  	[sflag:s19] =	ssyncadd.s32 $0xFFFFC000  }
0x17e: {  	[tilespmem:s6], [sflag:$0x5] =	stream.indirect.gather [hbm4b:s26+s31], $0x80, s29, s31, $0xb8;
	[tilespmem:$0x1E000] =	vst v63  }
0x17f: {  	_ =	swait.ge [sflag:s20], $0x4000  }
0x180: {  	s30 =	sld [smem:$0x7F5]  }
0x181: {  	[sflag:s20] =	ssyncset.done $0x0  }
0x182: {  	[sflag:s20] =	ssyncadd.s32 $0xFFFFC000  }
0x183: {  	[hbm4b:s30+s23] =	stream.linear.scatter [tilespmem:s10], [sflag:$0xE], $0x4000, $0x38;
	[tilespmem:$0x1E000] =	vst v63  }
0x184: {  	_ =	swait.ge [sflag:s8], $0x4000  }
0x185: {  	s28 =	sld [smem:$0x7F6]  }
0x186: {  	[sflag:s8] =	ssyncset.done $0x0  }
0x187: {  	[sflag:s8] =	ssyncadd.s32 $0xFFFFC000  }
0x188: {  	[hbm4b:s28+s23] =	stream.linear.scatter [tilespmem:s0], [sflag:$0x8], $0x4000, $0x38;
	[tilespmem:$0x1E000] =	vst v63  }
0x189: {  	_ =	swait.ge [sflag:s12], $0x4000  }
0x18a: {  	s29 =	sld [smem:$0x7F7]  }
0x18b: {  	[sflag:s12] =	ssyncset.done $0x0  }
0x18c: {  	[sflag:s12] =	ssyncadd.s32 $0xFFFFC000  }
0x18d: {  	[hbm4b:s29+s23] =	stream.linear.scatter [tilespmem:s3], [sflag:$0x9], $0x4000, $0x38;
	[tilespmem:$0x1E000] =	vst v63  }
0x18e: {  	_ =	swait.ge [sflag:s14], $0x4000  }
0x18f: {  	s30 =	sld [smem:$0x7F8]  }
0x190: {  	[sflag:s14] =	ssyncset.done $0x0  }
0x191: {  	[sflag:s14] =	ssyncadd.s32 $0xFFFFC000  }
0x192: {  	[hbm4b:s30+s23] =	stream.linear.scatter [tilespmem:s4], [sflag:$0xA], $0x4000, $0x38;
	[tilespmem:$0x1E000] =	vst v63  }
0x193: {  	_ =	swait.ge [sflag:s11], $0x4000  }
0x194: {  	s28 =	sld [smem:$0x7F9]  }
0x195: {  	[sflag:s11] =	ssyncset.done $0x0  }
0x196: {  	[sflag:s11] =	ssyncadd.s32 $0xFFFFC000  }
0x197: {  	[hbm4b:s28+s23] =	stream.linear.scatter [tilespmem:s5], [sflag:$0xB], $0x4000, $0x38;
	[tilespmem:$0x1E000] =	vst v63  }
0x198: {  	_ =	swait.ge [sflag:s16], $0x4000  }
0x199: {  	s29 =	sld [smem:$0x7FC]  }
0x19a: {  	[sflag:s16] =	ssyncset.done $0x0  }
0x19b: {  	[sflag:s16] =	ssyncadd.s32 $0xFFFFC000  }
0x19c: {  	[hbm4b:s29+s23] =	stream.linear.scatter [tilespmem:s6], [sflag:$0xC], $0x4000, $0x38;
	[tilespmem:$0x1E000] =	vst v63  }
0x19d: {  	_ =	swait.ge [sflag:s21], $0x4000  }
0x19e: {  	[sflag:s21] =	ssyncset.done $0x0  }
0x19f: {  	[sflag:s21] =	ssyncadd.s32 $0xFFFFC000  }
0x1a0: {  	_ =	swait.ge [sflag:s22], $0x4000  }
0x1a1: {  	[sflag:s22] =	ssyncset.done $0x0  }
0x1a2: {  	[sflag:s22] =	ssyncadd.s32 $0xFFFFC000  }
0x1a3: {  	_ =	swait.ge [sflag:s13], $0x4000  }
0x1a4: {  	[sflag:s13] =	ssyncset.done $0x0  }
0x1a5: {  	[sflag:s13] =	ssyncadd.s32 $0xFFFFC000  }
0x1a6: {  	_ =	swait.ge [sflag:s15], $0x4000  }
0x1a7: {  	[sflag:s15] =	ssyncset.done $0x0  }
0x1a8: {  	[sflag:s15] =	ssyncadd.s32 $0xFFFFC000  }
0x1a9: {  	_ =	swait.ge [sflag:s9], $0x4000  }
0x1aa: {  	[sflag:s9] =	ssyncset.done $0x0  }
0x1ab: {  	[sflag:s9] =	ssyncadd.s32 $0xFFFFC000  }
0x1ac: {  	_ =	swait.ge [sflag:s17], $0x4000  }
0x1ad: {  	[sflag:s17] =	ssyncset.done $0x0  }
0x1ae: {  	[sflag:s17] =	ssyncadd.s32 $0xFFFFC000  }
0x1af: {  	_ =	swait.ge [sflag:s19], $0x4000  }
0x1b0: {  	s30 =	sld [smem:$0x7FD];
	_ =	sdelay $0x1  }
0x1b1: {  	s24 =	sadd.s32 $0x1, s24  }
0x1b2: {  	p0 =	sne.s32 s24, s30  }
.Ltmp2:
0x1b3: {  	_ = 	snop;
	(pc) =	sbr.rel @p0 .LBB2_1-.Ltmp2, $3  }
0x1b4: {  	_ =	sdelay $0x1  }
0x1b5: {  	[sflag:s19] =	ssyncset.done $0x0  }
0x1b6: {  	[sflag:s19] =	ssyncadd.s32 $0xFFFFC000  }
0x1b7: {  	_ =	sfence.sel $0x180000  }
0x1b8: {  	[bflag:$0x0] =	sbarrier.arrive $0xFFFF  }
0x1b9: {  	_ =	strace $0x90000047  }
0x1ba: {  	s0 =	stileid.u32;
	[bflag:$0x2] =	sbarrier.arrive $0xFFFF  }
0x1bb: {  	p0 =	sne.s32 s0, $0x0;
	s0 =	rddreg [dreg:$0x3]  }
0x1bc: {  	s0 =	sadd.s32 @!p0 $0x100000, s0  }
0x1bd: {  	[sflag:s0] =	ssyncadd.tile.s32 @!p0 $0x1;
	_ =	shalt  }
.Lfunc_end2:
_tile_overlayer_lowered:
.L_overlay_start_2:
0x1be: {  	(tag) =	ssettag $0x2  }
0x1bf: {  	s0 =	rddreg [dreg:$0x0];
	s2 =	stileid.u32  }
0x1c0: {  	s1 =	rddreg [dreg:$0x1];
	p0 =	sne.s32 s2, $0x0  }
0x1c1: {  	s3 =	rddreg [dreg:$0x2];
	[bflag:$0x3] =	sbarrier.arrive $0xFFFF;
	s2 =	simm.s32 @!p0 $0x1C0F  }
0x1c2: {  	[timem:s3], [sflag:s2] =	dma.local @!p0 [hbm:s0], s1  }
0x1c3: {  	s0 =	simm.s32 @!p0 $0xF  }
0x1c4: {  	_ =	swait.ge @!p0 [sflag:s0], s1  }
0x1c5: {  	s1 =	ssub.s32 @!p0 $0x0, s1;
	[sflag:s0] =	ssyncset.done @!p0 $0x0  }
0x1c6: {  	[sflag:s0] =	ssyncadd.s32 @!p0 s1  }
0x1c7: {  	[bflag:$0x3] =	sbarrier.arrive $0xFFFF  }
0x1c8: {  	_ =	shalt  }

</sc_bundles>
